<compile_context>
chip_gen: v7x
topology: tpu7x:2x2x1
jax: 0.10.2.dev20260603
libtpu: 0.0.44.dev20260713+nightly
codegen_flags: <defaults>
</compile_context>

<pallas_src>
import functools

import jax
import jax.numpy as jnp
from jax import lax
from jax.experimental import pallas as pl
from jax.experimental.pallas import tpu as pltpu
from jax.experimental.pallas import tpu_sc as plsc

N_NODES = 100000
N_EDGES = 3200000
INPUT_SIZE = 512
OUTPUT_SIZE = 128
BATCH = 8

NC = 2
NS = 16
NW = NC * NS
EDGES_PER_W = N_EDGES // NW
CHUNK = 800
NCHUNK = EDGES_PER_W // CHUNK
ROWS_PER_TILE = 6272
N_PAD = ROWS_PER_TILE * NS
B_PAD = 16


_ZROWS = 784


def _sc_body(states_hbm, src_hbm, dst_hbm, w_hbm, out_hbm, agg_sh,
             src_a, dst_a, w_a, rows_a, isem_a, dwsem_a, gsem_a, scsem_a,
             src_b, dst_b, w_b, rows_b, isem_b, dwsem_b, gsem_b, scsem_b):
    c = lax.axis_index("c")
    s = lax.axis_index("s")
    wid = s * NC + c
    base = wid * EDGES_PER_W
    r0 = s * ROWS_PER_TILE

    zero16 = jnp.zeros((16,), jnp.float32)

    def zb(e, carry):
        rows_a[e] = zero16
        return carry

    lax.fori_loop(0, _ZROWS, zb, 0, unroll=False)
    for i in range(ROWS_PER_TILE // _ZROWS):
        pltpu.sync_copy(rows_a.at[pl.ds(0, _ZROWS)],
                        agg_sh.at[pl.ds(r0 + i * _ZROWS, _ZROWS)])
    plsc.subcore_barrier()

    wperm = [jnp.full((16,), t, jnp.int32) for t in range(16)]
    _gd = lax.GatherDimensionNumbers(offset_dims=(), collapsed_slice_dims=(0,),
                                     start_index_map=(0,))

    def _lane_bcast(vec16, idx16):
        return lax.gather(vec16, idx16[:, None], _gd, (1,),
                          mode=lax.GatherScatterMode.PROMISE_IN_BOUNDS)

    bufs = ((src_a, dst_a, w_a, rows_a, isem_a, dwsem_a, gsem_a, scsem_a),
            (src_b, dst_b, w_b, rows_b, isem_b, dwsem_b, gsem_b, scsem_b))

    def issue_src(k, buf):
        src_v, _, _, _, isem, _, _, _ = buf
        off = base + k * CHUNK
        pltpu.async_copy(src_hbm.at[pl.ds(off, CHUNK)], src_v, isem)

    def wait_src(k, buf):
        src_v, _, _, _, isem, _, _, _ = buf
        off = base + k * CHUNK
        pltpu.make_async_copy(src_hbm.at[pl.ds(off, CHUNK)], src_v, isem).wait()

    def issue_dstw(k, buf):
        _, dst_v, w_v, _, _, dwsem, _, _ = buf
        off = base + k * CHUNK
        pltpu.async_copy(dst_hbm.at[pl.ds(off, CHUNK)], dst_v, dwsem)
        pltpu.async_copy(w_hbm.at[pl.ds(off, CHUNK)], w_v, dwsem)

    def wait_dstw(k, buf):
        _, dst_v, w_v, _, _, dwsem, _, _ = buf
        off = base + k * CHUNK
        pltpu.make_async_copy(dst_hbm.at[pl.ds(off, CHUNK)], dst_v, dwsem).wait()
        pltpu.make_async_copy(w_hbm.at[pl.ds(off, CHUNK)], w_v, dwsem).wait()

    def issue_gather(buf):
        src_v, _, _, rows_v, _, _, gsem, _ = buf
        pltpu.async_copy(states_hbm.at[src_v], rows_v, gsem)

    def wait_gather(buf):
        src_v, _, _, rows_v, _, _, gsem, _ = buf
        pltpu.make_async_copy(states_hbm.at[src_v], rows_v, gsem).wait()

    def issue_scatter(buf):
        _, dst_v, _, rows_v, _, _, _, scsem = buf
        pltpu.async_copy(rows_v, agg_sh.at[dst_v], scsem, add=True)

    def wait_scatter(buf):
        _, dst_v, _, rows_v, _, _, _, scsem = buf
        pltpu.make_async_copy(rows_v, agg_sh.at[dst_v], scsem).wait()

    def multiply(buf):
        _, _, w_v, rows_v, _, _, _, _ = buf

        def mul_body(j, carry2):
            w16 = w_v[pl.ds(j * 16, 16)]
            for t in range(16):
                e = j * 16 + t
                rows_v[e] = rows_v[e] * _lane_bcast(w16, wperm[t])
            return carry2

        lax.fori_loop(0, CHUNK // 16, mul_body, 0, unroll=False)

    def body(k, cur, nxt, first=False, last=False):
        wait_gather(cur)
        if not last:
            wait_src(k + 1, nxt)
        if not first:
            wait_scatter(nxt)
        if not last:
            issue_gather(nxt)
            issue_dstw(k + 1, nxt)
        wait_dstw(k, cur)
        multiply(cur)
        issue_scatter(cur)
        if not last:
            @pl.when(k + 2 < NCHUNK)
            def _():
                issue_src(k + 2, cur)

    issue_src(0, bufs[0])
    wait_src(0, bufs[0])
    issue_gather(bufs[0])
    issue_dstw(0, bufs[0])
    issue_src(1, bufs[1])

    def pair_body(t, carry):
        k = 2 * t

        @pl.when(k == 0)
        def _():
            body(0, bufs[0], bufs[1], first=True)

        @pl.when(k > 0)
        def _():
            body(k, bufs[0], bufs[1])

        body(k + 1, bufs[1], bufs[0])
        return carry

    lax.fori_loop(0, (NCHUNK - 1) // 2, pair_body, 0, unroll=False)
    body(NCHUNK - 1, bufs[0], bufs[1], last=True)
    wait_scatter(bufs[0])

    plsc.subcore_barrier()
    pltpu.sync_copy(agg_sh.at[pl.ds(r0, ROWS_PER_TILE)],
                    out_hbm.at[c, pl.ds(r0, ROWS_PER_TILE)])


_sc_aggregate = pl.kernel(
    _sc_body,
    out_type=jax.ShapeDtypeStruct((NC, N_PAD, B_PAD), jnp.float32),
    mesh=plsc.VectorSubcoreMesh(core_axis_name="c", subcore_axis_name="s"),
    scratch_types=[pltpu.VMEM_SHARED((N_PAD, B_PAD), jnp.float32)] + 2 * [
        pltpu.VMEM((CHUNK,), jnp.int32),
        pltpu.VMEM((CHUNK,), jnp.int32),
        pltpu.VMEM((CHUNK,), jnp.float32),
        pltpu.VMEM((CHUNK, B_PAD), jnp.float32),
        pltpu.SemaphoreType.DMA,
        pltpu.SemaphoreType.DMA,
        pltpu.SemaphoreType.DMA,
        pltpu.SemaphoreType.DMA,
    ],
    compiler_params=pltpu.CompilerParams(use_tc_tiling_on_sc=False),
)

_ROWS_BLK = 2048
_N_BLOCKS = N_PAD // _ROWS_BLK


def _pre_body(s_ref, o_ref):
    st = s_ref[...]
    o_ref[...] = jnp.concatenate(
        [st.T, jnp.zeros((_ROWS_BLK, B_PAD - BATCH), jnp.float32)], axis=1)


_tc_pre = pl.pallas_call(
    _pre_body,
    grid=(_N_BLOCKS,),
    in_specs=[pl.BlockSpec((BATCH, _ROWS_BLK), lambda i: (0, i))],
    out_specs=pl.BlockSpec((_ROWS_BLK, B_PAD), lambda i: (i, 0)),
    out_shape=jax.ShapeDtypeStruct((N_NODES, B_PAD), jnp.float32),
)


def _tc_body(p_ref, xp_ref, w_ref, y_ref, ns_ref):
    i = pl.program_id(0)
    a = p_ref[0, :, :BATCH] + p_ref[1, :, :BATCH]
    a = a + jnp.where(i == 0, 1.0, 0.0) * xp_ref[...]
    t = jnp.tanh(a)
    ns_ref[...] = t.T
    rows = i * _ROWS_BLK + lax.broadcasted_iota(jnp.int32, (_ROWS_BLK, 1), 0)
    wm = jnp.where(rows < N_NODES, w_ref[...], 0.0)
    contrib = lax.dot_general(t, wm, (((0,), (0,)), ((), ())),
                              preferred_element_type=jnp.float32)

    @pl.when(i == 0)
    def _():
        y_ref[...] = contrib

    @pl.when(i != 0)
    def _():
        y_ref[...] = y_ref[...] + contrib


_tc_finish = pl.pallas_call(
    _tc_body,
    grid=(_N_BLOCKS,),
    in_specs=[
        pl.BlockSpec((NC, _ROWS_BLK, B_PAD), lambda i: (0, i, 0)),
        pl.BlockSpec((_ROWS_BLK, BATCH), lambda i: (0, 0)),
        pl.BlockSpec((_ROWS_BLK, OUTPUT_SIZE), lambda i: (i, 0)),
    ],
    out_specs=[
        pl.BlockSpec((BATCH, OUTPUT_SIZE), lambda i: (0, 0)),
        pl.BlockSpec((BATCH, _ROWS_BLK), lambda i: (0, i)),
    ],
    out_shape=[
        jax.ShapeDtypeStruct((BATCH, OUTPUT_SIZE), jnp.float32),
        jax.ShapeDtypeStruct((BATCH, N_NODES), jnp.float32),
    ],
)


@jax.jit
def kernel(x, states, edge_index, edge_weight, W_out):
    states_t = _tc_pre(states)
    src = edge_index[0]
    dst = edge_index[1]
    parts = _sc_aggregate(states_t, src, dst, edge_weight)
    x_pad = jnp.zeros((_ROWS_BLK, BATCH), jnp.float32).at[:INPUT_SIZE].set(x.T)
    y, ns = _tc_finish(parts, x_pad, W_out)
    return (y, ns)

# --- scband reference (transcript-rebuilt; emitter-appended) ---
"""Pipeline reference for scband-neatmodule-45260365365274 (READ-ONLY COPY).

The authoritative reference and input builder live on the scoring server;
editing this copy changes nothing except your own understanding.
"""

import jax, jax.numpy as jnp
import numpy as np

N_NODES = 100000
N_EDGES = 3200000
INPUT_SIZE = 512
OUTPUT_SIZE = 128
BATCH = 8


def setup_inputs(seed: int = 0) -> dict:
    key = jax.random.key(seed)
    k1, k2, k3, k4, k5 = jax.random.split(key, 5)
    # forward args
    x = jax.random.normal(k1, (BATCH, INPUT_SIZE), dtype=jnp.float32)
    states = jax.random.normal(k2, (BATCH, N_NODES), dtype=jnp.float32) * 0.1
    # wiring constants/parameters (materialized from the Wiring digraph)
    edge_index = jax.random.randint(k3, (2, N_EDGES), 0, N_NODES, dtype=jnp.int32)
    edge_weight = jax.random.normal(k4, (N_EDGES,), dtype=jnp.float32) * (1.0 / np.sqrt(32.0))
    W_out = jax.random.normal(k5, (N_NODES, OUTPUT_SIZE), dtype=jnp.float32) * (1.0 / np.sqrt(N_NODES))
    return {"x": x, "states": states, "edge_index": edge_index, "edge_weight": edge_weight, "W_out": W_out}


def reference(x, states, edge_index, edge_weight, W_out):
    # One recurrent step of the NEAT wiring graph:
    #   each neuron aggregates (sum) weighted messages from its in-edges,
    #   input neurons additionally receive the external input x,
    #   activation = tanh, readout = linear map of all neuron states.
    src = edge_index[0]
    dst = edge_index[1]
    # gather source neuron states along edges: [B, E]
    msgs = jnp.take(states, src, axis=1) * edge_weight[None, :]
    # scatter-add aggregation into destination neurons: [B, N]
    agg = jnp.zeros((states.shape[0], N_NODES), dtype=states.dtype).at[:, dst].add(msgs)
    # inject external input into the first INPUT_SIZE (input) neurons
    agg = agg.at[:, :INPUT_SIZE].add(x)
    new_states = jnp.tanh(agg)
    # readout from all neuron states
    y = new_states @ W_out
    return (y, new_states)

if __name__ == "__main__":
    import jax
    _d = setup_inputs()
    print(jax.jit(kernel)(*tuple(_d.values())))

</pallas_src>

<mosaic_0001>
#map = affine_map<(d0, d1) -> (0, 0)>
#map1 = affine_map<(d0, d1) -> (0)>
#map2 = affine_map<(d0, d1) -> (0, 0, 0)>
module attributes {stable_mosaic.version = 14 : i64} {
  func.func @_sc_body(%arg0: i32, %arg1: i32, %arg2: memref<100000x16xf32, #tpu.memory_space<hbm>>, %arg3: memref<3200000xi32, #tpu.memory_space<hbm>>, %arg4: memref<3200000xi32, #tpu.memory_space<hbm>>, %arg5: memref<3200000xf32, #tpu.memory_space<hbm>>, %arg6: memref<2x100352x16xf32, #tpu.memory_space<hbm>>, %arg7: memref<100352x16xf32, #tpu.memory_space<vmem_shared>>, %arg8: memref<800xi32, #tpu.memory_space<vmem>>, %arg9: memref<800xi32, #tpu.memory_space<vmem>>, %arg10: memref<800xf32, #tpu.memory_space<vmem>>, %arg11: memref<800x16xf32, #tpu.memory_space<vmem>>, %arg12: memref<!tpu.dma_semaphore, #tpu.memory_space<semaphore_mem>>, %arg13: memref<!tpu.dma_semaphore, #tpu.memory_space<semaphore_mem>>, %arg14: memref<!tpu.dma_semaphore, #tpu.memory_space<semaphore_mem>>, %arg15: memref<!tpu.dma_semaphore, #tpu.memory_space<semaphore_mem>>, %arg16: memref<800xi32, #tpu.memory_space<vmem>>, %arg17: memref<800xi32, #tpu.memory_space<vmem>>, %arg18: memref<800xf32, #tpu.memory_space<vmem>>, %arg19: memref<800x16xf32, #tpu.memory_space<vmem>>, %arg20: memref<!tpu.dma_semaphore, #tpu.memory_space<semaphore_mem>>, %arg21: memref<!tpu.dma_semaphore, #tpu.memory_space<semaphore_mem>>, %arg22: memref<!tpu.dma_semaphore, #tpu.memory_space<semaphore_mem>>, %arg23: memref<!tpu.dma_semaphore, #tpu.memory_space<semaphore_mem>>) attributes {dimension_semantics = [#tpu.dimension_semantics<core_parallel>, #tpu.dimension_semantics<subcore_parallel>], iteration_bounds = array<i64: 2, 16>, scalar_prefetch = 0 : i64, scratch_operands = 17 : i64, tpu.core_type = #tpu.core_type<sc_vector_subcore>, window_params = [{transform_indices = #map}, {transform_indices = #map1}, {transform_indices = #map1}, {transform_indices = #map1}, {transform_indices = #map2}]} {
    %mul3A = arith.constant 2 : i32
    %mul3A_0 = arith.muli %arg1, %mul3A : i32
    %add3A = arith.addi %mul3A_0, %arg0 : i32
    %mul3A_1 = arith.constant 100000 : i32
    %mul3A_2 = arith.muli %add3A, %mul3A_1 : i32
    %mul3A_3 = arith.constant 6272 : i32
    %mul3A_4 = arith.muli %arg1, %mul3A_3 : i32
    %broadcast_in_dim3A = arith.constant 0.000000e+00 : f32
    %broadcast_in_dim3A_5 = vector.broadcast %broadcast_in_dim3A : f32 to vector<16xf32>
    %scan3A = arith.constant 0 : i32
    %scan3A_6 = arith.constant 0 : i32
    %scan3A_7 = arith.constant 784 : i32
    %scan3A_8 = arith.addi %scan3A_6, %scan3A_7 : i32
    %scan3A_9 = arith.constant 1 : i32
    scf.for %scan3A_109 = %scan3A_6 to %scan3A_8 step %scan3A_9  : i32 {
      %swap3A = arith.index_cast %scan3A_109 : i32 to index
      %swap3A_110 = arith.constant 0 : index
      %swap3A_111 = tpu.vector_load %arg11[%swap3A, %swap3A_110] {strides = array<i32>} : memref<800x16xf32, #tpu.memory_space<vmem>>, vector<1x16xf32>,
      %swap3A_112 = vector.shape_cast %swap3A_111 : vector<1x16xf32> to vector<16xf32>
      %swap3A_113 = vector.shape_cast %broadcast_in_dim3A_5 : vector<16xf32> to vector<1x16xf32>
      tpu.vector_store %arg11[%swap3A, %swap3A_110], %swap3A_113 {strides = array<i32>} : memref<800x16xf32, #tpu.memory_space<vmem>>, vector<1x16xf32>,
    }
    %scan3A_10 = arith.constant 784 : i32
    %add3A_11 = arith.constant 0 : i32
    %add3A_12 = arith.addi %mul3A_4, %add3A_11 : i32
    "tpu.region"() ({
      %run_scoped3A = tpu.sem_alloc : memref<!tpu.dma_semaphore, #tpu.memory_space<semaphore_mem>>
      %dma_start3A_109 = arith.constant 0 : i32
      %dma_start3A_110 = arith.constant 0 : i32
      %dma_start3A_111 = tpu.memref_slice %arg11[%dma_start3A_109, %dma_start3A_110] : memref<800x16xf32, #tpu.memory_space<vmem>> -> memref<784x16xf32, #tpu.memory_space<vmem>>
      %dma_start3A_112 = arith.constant 0 : i32
      %dma_start3A_113 = tpu.memref_slice %arg7[%add3A_12, %dma_start3A_112] : memref<100352x16xf32, #tpu.memory_space<vmem_shared>> -> memref<784x16xf32, #tpu.memory_space<vmem_shared>>
      %dma_start3A_114 = arith.constant 0 : i32
      %dma_start3A_115 = tpu.memref_slice %arg7[%add3A_12, %dma_start3A_114] : memref<100352x16xf32, #tpu.memory_space<vmem_shared>> -> memref<784x16xf32, #tpu.memory_space<vmem_shared>>
      %dma_start3A_116 = arith.constant 0 : i32
      %dma_start3A_117 = arith.constant 0 : i32
      %dma_start3A_118 = tpu.memref_slice %arg11[%dma_start3A_116, %dma_start3A_117] : memref<800x16xf32, #tpu.memory_space<vmem>> -> memref<784x16xf32, #tpu.memory_space<vmem>>
      tpu.enqueue_dma source(%dma_start3A_118 : memref<784x16xf32, #tpu.memory_space<vmem>>) target(%dma_start3A_115 : memref<784x16xf32, #tpu.memory_space<vmem_shared>>) target_semaphore(%run_scoped3A : memref<!tpu.dma_semaphore, #tpu.memory_space<semaphore_mem>>)
      %dma_wait3A_119 = arith.constant 0 : i32
      %dma_wait3A_120 = arith.constant 0 : i32
      %dma_wait3A_121 = tpu.memref_slice %arg11[%dma_wait3A_119, %dma_wait3A_120] : memref<800x16xf32, #tpu.memory_space<vmem>> -> memref<784x16xf32, #tpu.memory_space<vmem>>
      %dma_wait3A_122 = arith.constant 0 : i32
      %dma_wait3A_123 = tpu.memref_slice %arg7[%add3A_12, %dma_wait3A_122] : memref<100352x16xf32, #tpu.memory_space<vmem_shared>> -> memref<784x16xf32, #tpu.memory_space<vmem_shared>>
      %dma_wait3A_124 = arith.constant 0 : i32
      %dma_wait3A_125 = tpu.memref_slice %arg7[%add3A_12, %dma_wait3A_124] : memref<100352x16xf32, #tpu.memory_space<vmem_shared>> -> memref<784x16xf32, #tpu.memory_space<vmem_shared>>
      %dma_wait3A_126 = arith.constant 0 : i32
      %dma_wait3A_127 = arith.constant 0 : i32
      %dma_wait3A_128 = tpu.memref_slice %arg11[%dma_wait3A_126, %dma_wait3A_127] : memref<800x16xf32, #tpu.memory_space<vmem>> -> memref<784x16xf32, #tpu.memory_space<vmem>>
      tpu.wait_dma2 semaphore(%run_scoped3A : memref<!tpu.dma_semaphore, #tpu.memory_space<semaphore_mem>>) src(%dma_wait3A_128 : memref<784x16xf32, #tpu.memory_space<vmem>>) dst(%dma_wait3A_125 : memref<784x16xf32, #tpu.memory_space<vmem_shared>>)
      tpu.yield
    }) : () -> ()
    %add3A_13 = arith.constant 784 : i32
    %add3A_14 = arith.addi %mul3A_4, %add3A_13 : i32
    "tpu.region"() ({
      %run_scoped3A = tpu.sem_alloc : memref<!tpu.dma_semaphore, #tpu.memory_space<semaphore_mem>>
      %dma_start3A_109 = arith.constant 0 : i32
      %dma_start3A_110 = arith.constant 0 : i32
      %dma_start3A_111 = tpu.memref_slice %arg11[%dma_start3A_109, %dma_start3A_110] : memref<800x16xf32, #tpu.memory_space<vmem>> -> memref<784x16xf32, #tpu.memory_space<vmem>>
      %dma_start3A_112 = arith.constant 0 : i32
      %dma_start3A_113 = tpu.memref_slice %arg7[%add3A_14, %dma_start3A_112] : memref<100352x16xf32, #tpu.memory_space<vmem_shared>> -> memref<784x16xf32, #tpu.memory_space<vmem_shared>>
      %dma_start3A_114 = arith.constant 0 : i32
      %dma_start3A_115 = tpu.memref_slice %arg7[%add3A_14, %dma_start3A_114] : memref<100352x16xf32, #tpu.memory_space<vmem_shared>> -> memref<784x16xf32, #tpu.memory_space<vmem_shared>>
      %dma_start3A_116 = arith.constant 0 : i32
      %dma_start3A_117 = arith.constant 0 : i32
      %dma_start3A_118 = tpu.memref_slice %arg11[%dma_start3A_116, %dma_start3A_117] : memref<800x16xf32, #tpu.memory_space<vmem>> -> memref<784x16xf32, #tpu.memory_space<vmem>>
      tpu.enqueue_dma source(%dma_start3A_118 : memref<784x16xf32, #tpu.memory_space<vmem>>) target(%dma_start3A_115 : memref<784x16xf32, #tpu.memory_space<vmem_shared>>) target_semaphore(%run_scoped3A : memref<!tpu.dma_semaphore, #tpu.memory_space<semaphore_mem>>)
      %dma_wait3A_119 = arith.constant 0 : i32
      %dma_wait3A_120 = arith.constant 0 : i32
      %dma_wait3A_121 = tpu.memref_slice %arg11[%dma_wait3A_119, %dma_wait3A_120] : memref<800x16xf32, #tpu.memory_space<vmem>> -> memref<784x16xf32, #tpu.memory_space<vmem>>
      %dma_wait3A_122 = arith.constant 0 : i32
      %dma_wait3A_123 = tpu.memref_slice %arg7[%add3A_14, %dma_wait3A_122] : memref<100352x16xf32, #tpu.memory_space<vmem_shared>> -> memref<784x16xf32, #tpu.memory_space<vmem_shared>>
      %dma_wait3A_124 = arith.constant 0 : i32
      %dma_wait3A_125 = tpu.memref_slice %arg7[%add3A_14, %dma_wait3A_124] : memref<100352x16xf32, #tpu.memory_space<vmem_shared>> -> memref<784x16xf32, #tpu.memory_space<vmem_shared>>
      %dma_wait3A_126 = arith.constant 0 : i32
      %dma_wait3A_127 = arith.constant 0 : i32
      %dma_wait3A_128 = tpu.memref_slice %arg11[%dma_wait3A_126, %dma_wait3A_127] : memref<800x16xf32, #tpu.memory_space<vmem>> -> memref<784x16xf32, #tpu.memory_space<vmem>>
      tpu.wait_dma2 semaphore(%run_scoped3A : memref<!tpu.dma_semaphore, #tpu.memory_space<semaphore_mem>>) src(%dma_wait3A_128 : memref<784x16xf32, #tpu.memory_space<vmem>>) dst(%dma_wait3A_125 : memref<784x16xf32, #tpu.memory_space<vmem_shared>>)
      tpu.yield
    }) : () -> ()
    %add3A_15 = arith.constant 1568 : i32
    %add3A_16 = arith.addi %mul3A_4, %add3A_15 : i32
    "tpu.region"() ({
      %run_scoped3A = tpu.sem_alloc : memref<!tpu.dma_semaphore, #tpu.memory_space<semaphore_mem>>
      %dma_start3A_109 = arith.constant 0 : i32
      %dma_start3A_110 = arith.constant 0 : i32
      %dma_start3A_111 = tpu.memref_slice %arg11[%dma_start3A_109, %dma_start3A_110] : memref<800x16xf32, #tpu.memory_space<vmem>> -> memref<784x16xf32, #tpu.memory_space<vmem>>
      %dma_start3A_112 = arith.constant 0 : i32
      %dma_start3A_113 = tpu.memref_slice %arg7[%add3A_16, %dma_start3A_112] : memref<100352x16xf32, #tpu.memory_space<vmem_shared>> -> memref<784x16xf32, #tpu.memory_space<vmem_shared>>
      %dma_start3A_114 = arith.constant 0 : i32
      %dma_start3A_115 = tpu.memref_slice %arg7[%add3A_16, %dma_start3A_114] : memref<100352x16xf32, #tpu.memory_space<vmem_shared>> -> memref<784x16xf32, #tpu.memory_space<vmem_shared>>
      %dma_start3A_116 = arith.constant 0 : i32
      %dma_start3A_117 = arith.constant 0 : i32
      %dma_start3A_118 = tpu.memref_slice %arg11[%dma_start3A_116, %dma_start3A_117] : memref<800x16xf32, #tpu.memory_space<vmem>> -> memref<784x16xf32, #tpu.memory_space<vmem>>
      tpu.enqueue_dma source(%dma_start3A_118 : memref<784x16xf32, #tpu.memory_space<vmem>>) target(%dma_start3A_115 : memref<784x16xf32, #tpu.memory_space<vmem_shared>>) target_semaphore(%run_scoped3A : memref<!tpu.dma_semaphore, #tpu.memory_space<semaphore_mem>>)
      %dma_wait3A_119 = arith.constant 0 : i32
      %dma_wait3A_120 = arith.constant 0 : i32
      %dma_wait3A_121 = tpu.memref_slice %arg11[%dma_wait3A_119, %dma_wait3A_120] : memref<800x16xf32, #tpu.memory_space<vmem>> -> memref<784x16xf32, #tpu.memory_space<vmem>>
      %dma_wait3A_122 = arith.constant 0 : i32
      %dma_wait3A_123 = tpu.memref_slice %arg7[%add3A_16, %dma_wait3A_122] : memref<100352x16xf32, #tpu.memory_space<vmem_shared>> -> memref<784x16xf32, #tpu.memory_space<vmem_shared>>
      %dma_wait3A_124 = arith.constant 0 : i32
      %dma_wait3A_125 = tpu.memref_slice %arg7[%add3A_16, %dma_wait3A_124] : memref<100352x16xf32, #tpu.memory_space<vmem_shared>> -> memref<784x16xf32, #tpu.memory_space<vmem_shared>>
      %dma_wait3A_126 = arith.constant 0 : i32
      %dma_wait3A_127 = arith.constant 0 : i32
      %dma_wait3A_128 = tpu.memref_slice %arg11[%dma_wait3A_126, %dma_wait3A_127] : memref<800x16xf32, #tpu.memory_space<vmem>> -> memref<784x16xf32, #tpu.memory_space<vmem>>
      tpu.wait_dma2 semaphore(%run_scoped3A : memref<!tpu.dma_semaphore, #tpu.memory_space<semaphore_mem>>) src(%dma_wait3A_128 : memref<784x16xf32, #tpu.memory_space<vmem>>) dst(%dma_wait3A_125 : memref<784x16xf32, #tpu.memory_space<vmem_shared>>)
      tpu.yield
    }) : () -> ()
    %add3A_17 = arith.constant 2352 : i32
    %add3A_18 = arith.addi %mul3A_4, %add3A_17 : i32
    "tpu.region"() ({
      %run_scoped3A = tpu.sem_alloc : memref<!tpu.dma_semaphore, #tpu.memory_space<semaphore_mem>>
      %dma_start3A_109 = arith.constant 0 : i32
      %dma_start3A_110 = arith.constant 0 : i32
      %dma_start3A_111 = tpu.memref_slice %arg11[%dma_start3A_109, %dma_start3A_110] : memref<800x16xf32, #tpu.memory_space<vmem>> -> memref<784x16xf32, #tpu.memory_space<vmem>>
      %dma_start3A_112 = arith.constant 0 : i32
      %dma_start3A_113 = tpu.memref_slice %arg7[%add3A_18, %dma_start3A_112] : memref<100352x16xf32, #tpu.memory_space<vmem_shared>> -> memref<784x16xf32, #tpu.memory_space<vmem_shared>>
      %dma_start3A_114 = arith.constant 0 : i32
      %dma_start3A_115 = tpu.memref_slice %arg7[%add3A_18, %dma_start3A_114] : memref<100352x16xf32, #tpu.memory_space<vmem_shared>> -> memref<784x16xf32, #tpu.memory_space<vmem_shared>>
      %dma_start3A_116 = arith.constant 0 : i32
      %dma_start3A_117 = arith.constant 0 : i32
      %dma_start3A_118 = tpu.memref_slice %arg11[%dma_start3A_116, %dma_start3A_117] : memref<800x16xf32, #tpu.memory_space<vmem>> -> memref<784x16xf32, #tpu.memory_space<vmem>>
      tpu.enqueue_dma source(%dma_start3A_118 : memref<784x16xf32, #tpu.memory_space<vmem>>) target(%dma_start3A_115 : memref<784x16xf32, #tpu.memory_space<vmem_shared>>) target_semaphore(%run_scoped3A : memref<!tpu.dma_semaphore, #tpu.memory_space<semaphore_mem>>)
      %dma_wait3A_119 = arith.constant 0 : i32
      %dma_wait3A_120 = arith.constant 0 : i32
      %dma_wait3A_121 = tpu.memref_slice %arg11[%dma_wait3A_119, %dma_wait3A_120] : memref<800x16xf32, #tpu.memory_space<vmem>> -> memref<784x16xf32, #tpu.memory_space<vmem>>
      %dma_wait3A_122 = arith.constant 0 : i32
      %dma_wait3A_123 = tpu.memref_slice %arg7[%add3A_18, %dma_wait3A_122] : memref<100352x16xf32, #tpu.memory_space<vmem_shared>> -> memref<784x16xf32, #tpu.memory_space<vmem_shared>>
      %dma_wait3A_124 = arith.constant 0 : i32
      %dma_wait3A_125 = tpu.memref_slice %arg7[%add3A_18, %dma_wait3A_124] : memref<100352x16xf32, #tpu.memory_space<vmem_shared>> -> memref<784x16xf32, #tpu.memory_space<vmem_shared>>
      %dma_wait3A_126 = arith.constant 0 : i32
      %dma_wait3A_127 = arith.constant 0 : i32
      %dma_wait3A_128 = tpu.memref_slice %arg11[%dma_wait3A_126, %dma_wait3A_127] : memref<800x16xf32, #tpu.memory_space<vmem>> -> memref<784x16xf32, #tpu.memory_space<vmem>>
      tpu.wait_dma2 semaphore(%run_scoped3A : memref<!tpu.dma_semaphore, #tpu.memory_space<semaphore_mem>>) src(%dma_wait3A_128 : memref<784x16xf32, #tpu.memory_space<vmem>>) dst(%dma_wait3A_125 : memref<784x16xf32, #tpu.memory_space<vmem_shared>>)
      tpu.yield
    }) : () -> ()
    %add3A_19 = arith.constant 3136 : i32
    %add3A_20 = arith.addi %mul3A_4, %add3A_19 : i32
    "tpu.region"() ({
      %run_scoped3A = tpu.sem_alloc : memref<!tpu.dma_semaphore, #tpu.memory_space<semaphore_mem>>
      %dma_start3A_109 = arith.constant 0 : i32
      %dma_start3A_110 = arith.constant 0 : i32
      %dma_start3A_111 = tpu.memref_slice %arg11[%dma_start3A_109, %dma_start3A_110] : memref<800x16xf32, #tpu.memory_space<vmem>> -> memref<784x16xf32, #tpu.memory_space<vmem>>
      %dma_start3A_112 = arith.constant 0 : i32
      %dma_start3A_113 = tpu.memref_slice %arg7[%add3A_20, %dma_start3A_112] : memref<100352x16xf32, #tpu.memory_space<vmem_shared>> -> memref<784x16xf32, #tpu.memory_space<vmem_shared>>
      %dma_start3A_114 = arith.constant 0 : i32
      %dma_start3A_115 = tpu.memref_slice %arg7[%add3A_20, %dma_start3A_114] : memref<100352x16xf32, #tpu.memory_space<vmem_shared>> -> memref<784x16xf32, #tpu.memory_space<vmem_shared>>
      %dma_start3A_116 = arith.constant 0 : i32
      %dma_start3A_117 = arith.constant 0 : i32
      %dma_start3A_118 = tpu.memref_slice %arg11[%dma_start3A_116, %dma_start3A_117] : memref<800x16xf32, #tpu.memory_space<vmem>> -> memref<784x16xf32, #tpu.memory_space<vmem>>
      tpu.enqueue_dma source(%dma_start3A_118 : memref<784x16xf32, #tpu.memory_space<vmem>>) target(%dma_start3A_115 : memref<784x16xf32, #tpu.memory_space<vmem_shared>>) target_semaphore(%run_scoped3A : memref<!tpu.dma_semaphore, #tpu.memory_space<semaphore_mem>>)
      %dma_wait3A_119 = arith.constant 0 : i32
      %dma_wait3A_120 = arith.constant 0 : i32
      %dma_wait3A_121 = tpu.memref_slice %arg11[%dma_wait3A_119, %dma_wait3A_120] : memref<800x16xf32, #tpu.memory_space<vmem>> -> memref<784x16xf32, #tpu.memory_space<vmem>>
      %dma_wait3A_122 = arith.constant 0 : i32
      %dma_wait3A_123 = tpu.memref_slice %arg7[%add3A_20, %dma_wait3A_122] : memref<100352x16xf32, #tpu.memory_space<vmem_shared>> -> memref<784x16xf32, #tpu.memory_space<vmem_shared>>
      %dma_wait3A_124 = arith.constant 0 : i32
      %dma_wait3A_125 = tpu.memref_slice %arg7[%add3A_20, %dma_wait3A_124] : memref<100352x16xf32, #tpu.memory_space<vmem_shared>> -> memref<784x16xf32, #tpu.memory_space<vmem_shared>>
      %dma_wait3A_126 = arith.constant 0 : i32
      %dma_wait3A_127 = arith.constant 0 : i32
      %dma_wait3A_128 = tpu.memref_slice %arg11[%dma_wait3A_126, %dma_wait3A_127] : memref<800x16xf32, #tpu.memory_space<vmem>> -> memref<784x16xf32, #tpu.memory_space<vmem>>
      tpu.wait_dma2 semaphore(%run_scoped3A : memref<!tpu.dma_semaphore, #tpu.memory_space<semaphore_mem>>) src(%dma_wait3A_128 : memref<784x16xf32, #tpu.memory_space<vmem>>) dst(%dma_wait3A_125 : memref<784x16xf32, #tpu.memory_space<vmem_shared>>)
      tpu.yield
    }) : () -> ()
    %add3A_21 = arith.constant 3920 : i32
    %add3A_22 = arith.addi %mul3A_4, %add3A_21 : i32
    "tpu.region"() ({
      %run_scoped3A = tpu.sem_alloc : memref<!tpu.dma_semaphore, #tpu.memory_space<semaphore_mem>>
      %dma_start3A_109 = arith.constant 0 : i32
      %dma_start3A_110 = arith.constant 0 : i32
      %dma_start3A_111 = tpu.memref_slice %arg11[%dma_start3A_109, %dma_start3A_110] : memref<800x16xf32, #tpu.memory_space<vmem>> -> memref<784x16xf32, #tpu.memory_space<vmem>>
      %dma_start3A_112 = arith.constant 0 : i32
      %dma_start3A_113 = tpu.memref_slice %arg7[%add3A_22, %dma_start3A_112] : memref<100352x16xf32, #tpu.memory_space<vmem_shared>> -> memref<784x16xf32, #tpu.memory_space<vmem_shared>>
      %dma_start3A_114 = arith.constant 0 : i32
      %dma_start3A_115 = tpu.memref_slice %arg7[%add3A_22, %dma_start3A_114] : memref<100352x16xf32, #tpu.memory_space<vmem_shared>> -> memref<784x16xf32, #tpu.memory_space<vmem_shared>>
      %dma_start3A_116 = arith.constant 0 : i32
      %dma_start3A_117 = arith.constant 0 : i32
      %dma_start3A_118 = tpu.memref_slice %arg11[%dma_start3A_116, %dma_start3A_117] : memref<800x16xf32, #tpu.memory_space<vmem>> -> memref<784x16xf32, #tpu.memory_space<vmem>>
      tpu.enqueue_dma source(%dma_start3A_118 : memref<784x16xf32, #tpu.memory_space<vmem>>) target(%dma_start3A_115 : memref<784x16xf32, #tpu.memory_space<vmem_shared>>) target_semaphore(%run_scoped3A : memref<!tpu.dma_semaphore, #tpu.memory_space<semaphore_mem>>)
      %dma_wait3A_119 = arith.constant 0 : i32
      %dma_wait3A_120 = arith.constant 0 : i32
      %dma_wait3A_121 = tpu.memref_slice %arg11[%dma_wait3A_119, %dma_wait3A_120] : memref<800x16xf32, #tpu.memory_space<vmem>> -> memref<784x16xf32, #tpu.memory_space<vmem>>
      %dma_wait3A_122 = arith.constant 0 : i32
      %dma_wait3A_123 = tpu.memref_slice %arg7[%add3A_22, %dma_wait3A_122] : memref<100352x16xf32, #tpu.memory_space<vmem_shared>> -> memref<784x16xf32, #tpu.memory_space<vmem_shared>>
      %dma_wait3A_124 = arith.constant 0 : i32
      %dma_wait3A_125 = tpu.memref_slice %arg7[%add3A_22, %dma_wait3A_124] : memref<100352x16xf32, #tpu.memory_space<vmem_shared>> -> memref<784x16xf32, #tpu.memory_space<vmem_shared>>
      %dma_wait3A_126 = arith.constant 0 : i32
      %dma_wait3A_127 = arith.constant 0 : i32
      %dma_wait3A_128 = tpu.memref_slice %arg11[%dma_wait3A_126, %dma_wait3A_127] : memref<800x16xf32, #tpu.memory_space<vmem>> -> memref<784x16xf32, #tpu.memory_space<vmem>>
      tpu.wait_dma2 semaphore(%run_scoped3A : memref<!tpu.dma_semaphore, #tpu.memory_space<semaphore_mem>>) src(%dma_wait3A_128 : memref<784x16xf32, #tpu.memory_space<vmem>>) dst(%dma_wait3A_125 : memref<784x16xf32, #tpu.memory_space<vmem_shared>>)
      tpu.yield
    }) : () -> ()
    %add3A_23 = arith.constant 4704 : i32
    %add3A_24 = arith.addi %mul3A_4, %add3A_23 : i32
    "tpu.region"() ({
      %run_scoped3A = tpu.sem_alloc : memref<!tpu.dma_semaphore, #tpu.memory_space<semaphore_mem>>
      %dma_start3A_109 = arith.constant 0 : i32
      %dma_start3A_110 = arith.constant 0 : i32
      %dma_start3A_111 = tpu.memref_slice %arg11[%dma_start3A_109, %dma_start3A_110] : memref<800x16xf32, #tpu.memory_space<vmem>> -> memref<784x16xf32, #tpu.memory_space<vmem>>
      %dma_start3A_112 = arith.constant 0 : i32
      %dma_start3A_113 = tpu.memref_slice %arg7[%add3A_24, %dma_start3A_112] : memref<100352x16xf32, #tpu.memory_space<vmem_shared>> -> memref<784x16xf32, #tpu.memory_space<vmem_shared>>
      %dma_start3A_114 = arith.constant 0 : i32
      %dma_start3A_115 = tpu.memref_slice %arg7[%add3A_24, %dma_start3A_114] : memref<100352x16xf32, #tpu.memory_space<vmem_shared>> -> memref<784x16xf32, #tpu.memory_space<vmem_shared>>
      %dma_start3A_116 = arith.constant 0 : i32
      %dma_start3A_117 = arith.constant 0 : i32
      %dma_start3A_118 = tpu.memref_slice %arg11[%dma_start3A_116, %dma_start3A_117] : memref<800x16xf32, #tpu.memory_space<vmem>> -> memref<784x16xf32, #tpu.memory_space<vmem>>
      tpu.enqueue_dma source(%dma_start3A_118 : memref<784x16xf32, #tpu.memory_space<vmem>>) target(%dma_start3A_115 : memref<784x16xf32, #tpu.memory_space<vmem_shared>>) target_semaphore(%run_scoped3A : memref<!tpu.dma_semaphore, #tpu.memory_space<semaphore_mem>>)
      %dma_wait3A_119 = arith.constant 0 : i32
      %dma_wait3A_120 = arith.constant 0 : i32
      %dma_wait3A_121 = tpu.memref_slice %arg11[%dma_wait3A_119, %dma_wait3A_120] : memref<800x16xf32, #tpu.memory_space<vmem>> -> memref<784x16xf32, #tpu.memory_space<vmem>>
      %dma_wait3A_122 = arith.constant 0 : i32
      %dma_wait3A_123 = tpu.memref_slice %arg7[%add3A_24, %dma_wait3A_122] : memref<100352x16xf32, #tpu.memory_space<vmem_shared>> -> memref<784x16xf32, #tpu.memory_space<vmem_shared>>
      %dma_wait3A_124 = arith.constant 0 : i32
      %dma_wait3A_125 = tpu.memref_slice %arg7[%add3A_24, %dma_wait3A_124] : memref<100352x16xf32, #tpu.memory_space<vmem_shared>> -> memref<784x16xf32, #tpu.memory_space<vmem_shared>>
      %dma_wait3A_126 = arith.constant 0 : i32
      %dma_wait3A_127 = arith.constant 0 : i32
      %dma_wait3A_128 = tpu.memref_slice %arg11[%dma_wait3A_126, %dma_wait3A_127] : memref<800x16xf32, #tpu.memory_space<vmem>> -> memref<784x16xf32, #tpu.memory_space<vmem>>
      tpu.wait_dma2 semaphore(%run_scoped3A : memref<!tpu.dma_semaphore, #tpu.memory_space<semaphore_mem>>) src(%dma_wait3A_128 : memref<784x16xf32, #tpu.memory_space<vmem>>) dst(%dma_wait3A_125 : memref<784x16xf32, #tpu.memory_space<vmem_shared>>)
      tpu.yield
    }) : () -> ()
    %add3A_25 = arith.constant 5488 : i32
    %add3A_26 = arith.addi %mul3A_4, %add3A_25 : i32
    "tpu.region"() ({
      %run_scoped3A = tpu.sem_alloc : memref<!tpu.dma_semaphore, #tpu.memory_space<semaphore_mem>>
      %dma_start3A_109 = arith.constant 0 : i32
      %dma_start3A_110 = arith.constant 0 : i32
      %dma_start3A_111 = tpu.memref_slice %arg11[%dma_start3A_109, %dma_start3A_110] : memref<800x16xf32, #tpu.memory_space<vmem>> -> memref<784x16xf32, #tpu.memory_space<vmem>>
      %dma_start3A_112 = arith.constant 0 : i32
      %dma_start3A_113 = tpu.memref_slice %arg7[%add3A_26, %dma_start3A_112] : memref<100352x16xf32, #tpu.memory_space<vmem_shared>> -> memref<784x16xf32, #tpu.memory_space<vmem_shared>>
      %dma_start3A_114 = arith.constant 0 : i32
      %dma_start3A_115 = tpu.memref_slice %arg7[%add3A_26, %dma_start3A_114] : memref<100352x16xf32, #tpu.memory_space<vmem_shared>> -> memref<784x16xf32, #tpu.memory_space<vmem_shared>>
      %dma_start3A_116 = arith.constant 0 : i32
      %dma_start3A_117 = arith.constant 0 : i32
      %dma_start3A_118 = tpu.memref_slice %arg11[%dma_start3A_116, %dma_start3A_117] : memref<800x16xf32, #tpu.memory_space<vmem>> -> memref<784x16xf32, #tpu.memory_space<vmem>>
      tpu.enqueue_dma source(%dma_start3A_118 : memref<784x16xf32, #tpu.memory_space<vmem>>) target(%dma_start3A_115 : memref<784x16xf32, #tpu.memory_space<vmem_shared>>) target_semaphore(%run_scoped3A : memref<!tpu.dma_semaphore, #tpu.memory_space<semaphore_mem>>)
      %dma_wait3A_119 = arith.constant 0 : i32
      %dma_wait3A_120 = arith.constant 0 : i32
      %dma_wait3A_121 = tpu.memref_slice %arg11[%dma_wait3A_119, %dma_wait3A_120] : memref<800x16xf32, #tpu.memory_space<vmem>> -> memref<784x16xf32, #tpu.memory_space<vmem>>
      %dma_wait3A_122 = arith.constant 0 : i32
      %dma_wait3A_123 = tpu.memref_slice %arg7[%add3A_26, %dma_wait3A_122] : memref<100352x16xf32, #tpu.memory_space<vmem_shared>> -> memref<784x16xf32, #tpu.memory_space<vmem_shared>>
      %dma_wait3A_124 = arith.constant 0 : i32
      %dma_wait3A_125 = tpu.memref_slice %arg7[%add3A_26, %dma_wait3A_124] : memref<100352x16xf32, #tpu.memory_space<vmem_shared>> -> memref<784x16xf32, #tpu.memory_space<vmem_shared>>
      %dma_wait3A_126 = arith.constant 0 : i32
      %dma_wait3A_127 = arith.constant 0 : i32
      %dma_wait3A_128 = tpu.memref_slice %arg11[%dma_wait3A_126, %dma_wait3A_127] : memref<800x16xf32, #tpu.memory_space<vmem>> -> memref<784x16xf32, #tpu.memory_space<vmem>>
      tpu.wait_dma2 semaphore(%run_scoped3A : memref<!tpu.dma_semaphore, #tpu.memory_space<semaphore_mem>>) src(%dma_wait3A_128 : memref<784x16xf32, #tpu.memory_space<vmem>>) dst(%dma_wait3A_125 : memref<784x16xf32, #tpu.memory_space<vmem_shared>>)
      tpu.yield
    }) : () -> ()
    %barrier3A = arith.constant 0 : index
    tpu.barrier barrier_id(%barrier3A)
    %broadcast_in_dim3A_27 = arith.constant 0 : i32
    %broadcast_in_dim3A_28 = vector.broadcast %broadcast_in_dim3A_27 : i32 to vector<16xi32>
    %broadcast_in_dim3A_29 = arith.constant 1 : i32
    %broadcast_in_dim3A_30 = vector.broadcast %broadcast_in_dim3A_29 : i32 to vector<16xi32>
    %broadcast_in_dim3A_31 = arith.constant 2 : i32
    %broadcast_in_dim3A_32 = vector.broadcast %broadcast_in_dim3A_31 : i32 to vector<16xi32>
    %broadcast_in_dim3A_33 = arith.constant 3 : i32
    %broadcast_in_dim3A_34 = vector.broadcast %broadcast_in_dim3A_33 : i32 to vector<16xi32>
    %broadcast_in_dim3A_35 = arith.constant 4 : i32
    %broadcast_in_dim3A_36 = vector.broadcast %broadcast_in_dim3A_35 : i32 to vector<16xi32>
    %broadcast_in_dim3A_37 = arith.constant 5 : i32
    %broadcast_in_dim3A_38 = vector.broadcast %broadcast_in_dim3A_37 : i32 to vector<16xi32>
    %broadcast_in_dim3A_39 = arith.constant 6 : i32
    %broadcast_in_dim3A_40 = vector.broadcast %broadcast_in_dim3A_39 : i32 to vector<16xi32>
    %broadcast_in_dim3A_41 = arith.constant 7 : i32
    %broadcast_in_dim3A_42 = vector.broadcast %broadcast_in_dim3A_41 : i32 to vector<16xi32>
    %broadcast_in_dim3A_43 = arith.constant 8 : i32
    %broadcast_in_dim3A_44 = vector.broadcast %broadcast_in_dim3A_43 : i32 to vector<16xi32>
    %broadcast_in_dim3A_45 = arith.constant 9 : i32
    %broadcast_in_dim3A_46 = vector.broadcast %broadcast_in_dim3A_45 : i32 to vector<16xi32>
    %broadcast_in_dim3A_47 = arith.constant 10 : i32
    %broadcast_in_dim3A_48 = vector.broadcast %broadcast_in_dim3A_47 : i32 to vector<16xi32>
    %broadcast_in_dim3A_49 = arith.constant 11 : i32
    %broadcast_in_dim3A_50 = vector.broadcast %broadcast_in_dim3A_49 : i32 to vector<16xi32>
    %broadcast_in_dim3A_51 = arith.constant 12 : i32
    %broadcast_in_dim3A_52 = vector.broadcast %broadcast_in_dim3A_51 : i32 to vector<16xi32>
    %broadcast_in_dim3A_53 = arith.constant 13 : i32
    %broadcast_in_dim3A_54 = vector.broadcast %broadcast_in_dim3A_53 : i32 to vector<16xi32>
    %broadcast_in_dim3A_55 = arith.constant 14 : i32
    %broadcast_in_dim3A_56 = vector.broadcast %broadcast_in_dim3A_55 : i32 to vector<16xi32>
    %broadcast_in_dim3A_57 = arith.constant 15 : i32
    %broadcast_in_dim3A_58 = vector.broadcast %broadcast_in_dim3A_57 : i32 to vector<16xi32>
    %add3A_59 = arith.constant 0 : i32
    %add3A_60 = arith.addi %mul3A_2, %add3A_59 : i32
    %dma_start3A = tpu.memref_slice %arg3[%add3A_60] : memref<3200000xi32, #tpu.memory_space<hbm>> -> memref<800xi32, #tpu.memory_space<hbm>>
    %dma_start3A_61 = tpu.memref_slice %arg3[%add3A_60] : memref<3200000xi32, #tpu.memory_space<hbm>> -> memref<800xi32, #tpu.memory_space<hbm>>
    tpu.enqueue_dma source(%dma_start3A_61 : memref<800xi32, #tpu.memory_space<hbm>>) target(%arg8 : memref<800xi32, #tpu.memory_space<vmem>>) target_semaphore(%arg12 : memref<!tpu.dma_semaphore, #tpu.memory_space<semaphore_mem>>)
    %add3A_62 = arith.constant 0 : i32
    %add3A_63 = arith.addi %mul3A_2, %add3A_62 : i32
    %dma_wait3A = tpu.memref_slice %arg3[%add3A_63] : memref<3200000xi32, #tpu.memory_space<hbm>> -> memref<800xi32, #tpu.memory_space<hbm>>
    %dma_wait3A_64 = tpu.memref_slice %arg3[%add3A_63] : memref<3200000xi32, #tpu.memory_space<hbm>> -> memref<800xi32, #tpu.memory_space<hbm>>
    tpu.wait_dma2 semaphore(%arg12 : memref<!tpu.dma_semaphore, #tpu.memory_space<semaphore_mem>>) src(%dma_wait3A_64 : memref<800xi32, #tpu.memory_space<hbm>>) dst(%arg8 : memref<800xi32, #tpu.memory_space<vmem>>)
    %dma_start3A_65 = arith.constant 0 : i32
    %dma_start3A_66 = arith.constant 0 : i32
    %dma_start3A_67 = tpu.memref_slice %arg2[%dma_start3A_65, %dma_start3A_66] : memref<100000x16xf32, #tpu.memory_space<hbm>> -> memref<100000x16xf32, #tpu.memory_space<hbm>>
    tpu.enqueue_indirect_dma source(%dma_start3A_67 : memref<100000x16xf32, #tpu.memory_space<hbm>>) target(%arg11 : memref<800x16xf32, #tpu.memory_space<vmem>>) offsets(%arg8 : memref<800xi32, #tpu.memory_space<vmem>>) semaphore(%arg14 : memref<!tpu.dma_semaphore, #tpu.memory_space<semaphore_mem>>)
    %add3A_68 = arith.constant 0 : i32
    %add3A_69 = arith.addi %mul3A_2, %add3A_68 : i32
    %dma_start3A_70 = tpu.memref_slice %arg4[%add3A_69] : memref<3200000xi32, #tpu.memory_space<hbm>> -> memref<800xi32, #tpu.memory_space<hbm>>
    %dma_start3A_71 = tpu.memref_slice %arg4[%add3A_69] : memref<3200000xi32, #tpu.memory_space<hbm>> -> memref<800xi32, #tpu.memory_space<hbm>>
    tpu.enqueue_dma source(%dma_start3A_71 : memref<800xi32, #tpu.memory_space<hbm>>) target(%arg9 : memref<800xi32, #tpu.memory_space<vmem>>) target_semaphore(%arg13 : memref<!tpu.dma_semaphore, #tpu.memory_space<semaphore_mem>>)
    %dma_start3A_72 = tpu.memref_slice %arg5[%add3A_69] : memref<3200000xf32, #tpu.memory_space<hbm>> -> memref<800xf32, #tpu.memory_space<hbm>>
    %dma_start3A_73 = tpu.memref_slice %arg5[%add3A_69] : memref<3200000xf32, #tpu.memory_space<hbm>> -> memref<800xf32, #tpu.memory_space<hbm>>
    tpu.enqueue_dma source(%dma_start3A_73 : memref<800xf32, #tpu.memory_space<hbm>>) target(%arg10 : memref<800xf32, #tpu.memory_space<vmem>>) target_semaphore(%arg13 : memref<!tpu.dma_semaphore, #tpu.memory_space<semaphore_mem>>)
    %add3A_74 = arith.constant 800 : i32
    %add3A_75 = arith.addi %mul3A_2, %add3A_74 : i32
    %dma_start3A_76 = tpu.memref_slice %arg3[%add3A_75] : memref<3200000xi32, #tpu.memory_space<hbm>> -> memref<800xi32, #tpu.memory_space<hbm>>
    %dma_start3A_77 = tpu.memref_slice %arg3[%add3A_75] : memref<3200000xi32, #tpu.memory_space<hbm>> -> memref<800xi32, #tpu.memory_space<hbm>>
    tpu.enqueue_dma source(%dma_start3A_77 : memref<800xi32, #tpu.memory_space<hbm>>) target(%arg16 : memref<800xi32, #tpu.memory_space<vmem>>) target_semaphore(%arg20 : memref<!tpu.dma_semaphore, #tpu.memory_space<semaphore_mem>>)
    %scan3A_78 = arith.constant 0 : i32
    %scan3A_79 = arith.constant 0 : i32
    %scan3A_80 = arith.constant 62 : i32
    %scan3A_81 = arith.addi %scan3A_79, %scan3A_80 : i32
    %scan3A_82 = arith.constant 1 : i32
    scf.for %scan3A_109 = %scan3A_79 to %scan3A_81 step %scan3A_82  : i32 {
      %mul3A_110 = arith.constant 2 : i32
      %mul3A_111 = arith.muli %mul3A_110, %scan3A_109 : i32
      %eq3A = arith.constant 0 : i32
      %eq3A_112 = arith.cmpi eq, %mul3A_111, %eq3A : i32
      %convert_element_type3A = arith.extui %eq3A_112 : i1 to i32
      %cond3A = arith.constant 0 : i32
      %cond3A_113 = arith.cmpi ne, %convert_element_type3A, %cond3A : i32
      scf.if %cond3A_113 {
        %dma_wait3A_167 = arith.constant 0 : i32
        %dma_wait3A_168 = arith.constant 0 : i32
        %dma_wait3A_169 = tpu.memref_slice %arg2[%dma_wait3A_167, %dma_wait3A_168] : memref<100000x16xf32, #tpu.memory_space<hbm>> -> memref<100000x16xf32, #tpu.memory_space<hbm>>
        tpu.wait_indirect_dma semaphore(%arg14 : memref<!tpu.dma_semaphore, #tpu.memory_space<semaphore_mem>>) src(%dma_wait3A_169 : memref<100000x16xf32, #tpu.memory_space<hbm>>) dst(%arg11 : memref<800x16xf32, #tpu.memory_space<vmem>>)
        %add3A_170 = arith.constant 800 : i32
        %add3A_171 = arith.addi %mul3A_2, %add3A_170 : i32
        %dma_wait3A_172 = tpu.memref_slice %arg3[%add3A_171] : memref<3200000xi32, #tpu.memory_space<hbm>> -> memref<800xi32, #tpu.memory_space<hbm>>
        %dma_wait3A_173 = tpu.memref_slice %arg3[%add3A_171] : memref<3200000xi32, #tpu.memory_space<hbm>> -> memref<800xi32, #tpu.memory_space<hbm>>
        tpu.wait_dma2 semaphore(%arg20 : memref<!tpu.dma_semaphore, #tpu.memory_space<semaphore_mem>>) src(%dma_wait3A_173 : memref<800xi32, #tpu.memory_space<hbm>>) dst(%arg16 : memref<800xi32, #tpu.memory_space<vmem>>)
        %dma_start3A_174 = arith.constant 0 : i32
        %dma_start3A_175 = arith.constant 0 : i32
        %dma_start3A_176 = tpu.memref_slice %arg2[%dma_start3A_174, %dma_start3A_175] : memref<100000x16xf32, #tpu.memory_space<hbm>> -> memref<100000x16xf32, #tpu.memory_space<hbm>>
        tpu.enqueue_indirect_dma source(%dma_start3A_176 : memref<100000x16xf32, #tpu.memory_space<hbm>>) target(%arg19 : memref<800x16xf32, #tpu.memory_space<vmem>>) offsets(%arg16 : memref<800xi32, #tpu.memory_space<vmem>>) semaphore(%arg22 : memref<!tpu.dma_semaphore, #tpu.memory_space<semaphore_mem>>)
        %add3A_177 = arith.constant 800 : i32
        %add3A_178 = arith.addi %mul3A_2, %add3A_177 : i32
        %dma_start3A_179 = tpu.memref_slice %arg4[%add3A_178] : memref<3200000xi32, #tpu.memory_space<hbm>> -> memref<800xi32, #tpu.memory_space<hbm>>
        %dma_start3A_180 = tpu.memref_slice %arg4[%add3A_178] : memref<3200000xi32, #tpu.memory_space<hbm>> -> memref<800xi32, #tpu.memory_space<hbm>>
        tpu.enqueue_dma source(%dma_start3A_180 : memref<800xi32, #tpu.memory_space<hbm>>) target(%arg17 : memref<800xi32, #tpu.memory_space<vmem>>) target_semaphore(%arg21 : memref<!tpu.dma_semaphore, #tpu.memory_space<semaphore_mem>>)
        %dma_start3A_181 = tpu.memref_slice %arg5[%add3A_178] : memref<3200000xf32, #tpu.memory_space<hbm>> -> memref<800xf32, #tpu.memory_space<hbm>>
        %dma_start3A_182 = tpu.memref_slice %arg5[%add3A_178] : memref<3200000xf32, #tpu.memory_space<hbm>> -> memref<800xf32, #tpu.memory_space<hbm>>
        tpu.enqueue_dma source(%dma_start3A_182 : memref<800xf32, #tpu.memory_space<hbm>>) target(%arg18 : memref<800xf32, #tpu.memory_space<vmem>>) target_semaphore(%arg21 : memref<!tpu.dma_semaphore, #tpu.memory_space<semaphore_mem>>)
        %add3A_183 = arith.constant 0 : i32
        %add3A_184 = arith.addi %mul3A_2, %add3A_183 : i32
        %dma_wait3A_185 = tpu.memref_slice %arg4[%add3A_184] : memref<3200000xi32, #tpu.memory_space<hbm>> -> memref<800xi32, #tpu.memory_space<hbm>>
        %dma_wait3A_186 = tpu.memref_slice %arg4[%add3A_184] : memref<3200000xi32, #tpu.memory_space<hbm>> -> memref<800xi32, #tpu.memory_space<hbm>>
        tpu.wait_dma2 semaphore(%arg13 : memref<!tpu.dma_semaphore, #tpu.memory_space<semaphore_mem>>) src(%dma_wait3A_186 : memref<800xi32, #tpu.memory_space<hbm>>) dst(%arg9 : memref<800xi32, #tpu.memory_space<vmem>>)
        %dma_wait3A_187 = tpu.memref_slice %arg5[%add3A_184] : memref<3200000xf32, #tpu.memory_space<hbm>> -> memref<800xf32, #tpu.memory_space<hbm>>
        %dma_wait3A_188 = tpu.memref_slice %arg5[%add3A_184] : memref<3200000xf32, #tpu.memory_space<hbm>> -> memref<800xf32, #tpu.memory_space<hbm>>
        tpu.wait_dma2 semaphore(%arg13 : memref<!tpu.dma_semaphore, #tpu.memory_space<semaphore_mem>>) src(%dma_wait3A_188 : memref<800xf32, #tpu.memory_space<hbm>>) dst(%arg10 : memref<800xf32, #tpu.memory_space<vmem>>)
        %scan3A_189 = arith.constant 0 : i32
        %scan3A_190 = arith.constant 0 : i32
        %scan3A_191 = arith.constant 50 : i32
        %scan3A_192 = arith.addi %scan3A_190, %scan3A_191 : i32
        %scan3A_193 = arith.constant 1 : i32
        scf.for %scan3A_202 = %scan3A_190 to %scan3A_192 step %scan3A_193  : i32 {
          %mul3A_203 = arith.constant 16 : i32
          %mul3A_204 = arith.muli %scan3A_202, %mul3A_203 : i32
          %get3A = arith.index_cast %mul3A_204 : i32 to index
          %get3A_205 = tpu.vector_load %arg10[%get3A] {strides = array<i32>} : memref<800xf32, #tpu.memory_space<vmem>>, vector<16xf32>,
          %get3A_206 = vector.shape_cast %get3A_205 : vector<16xf32> to vector<16xf32>
          %mul3A_207 = arith.constant 16 : i32
          %mul3A_208 = arith.muli %scan3A_202, %mul3A_207 : i32
          %add3A_209 = arith.constant 0 : i32
          %add3A_210 = arith.addi %mul3A_208, %add3A_209 : i32
          %get3A_211 = arith.index_cast %add3A_210 : i32 to index
          %get3A_212 = arith.constant 0 : index
          %get3A_213 = tpu.vector_load %arg11[%get3A_211, %get3A_212] {strides = array<i32>} : memref<800x16xf32, #tpu.memory_space<vmem>>, vector<1x16xf32>,
          %get3A_214 = vector.shape_cast %get3A_213 : vector<1x16xf32> to vector<16xf32>
          %broadcast_in_dim3A_215 = vector.shape_cast %broadcast_in_dim3A_28 : vector<16xi32> to vector<16x1xi32>
          %gather3A = vector.shape_cast %broadcast_in_dim3A_215 : vector<16x1xi32> to vector<16xi32>
          %gather3A_216 = tpu.dynamic_gather %get3A_206[%gather3A] in [0] : vector<16xf32>, vector<16xi32> -> vector<16xf32>
          %mul3A_217 = arith.mulf %get3A_214, %gather3A_216 : vector<16xf32>
          %swap3A = arith.index_cast %add3A_210 : i32 to index
          %swap3A_218 = arith.constant 0 : index
          %swap3A_219 = tpu.vector_load %arg11[%swap3A, %swap3A_218] {strides = array<i32>} : memref<800x16xf32, #tpu.memory_space<vmem>>, vector<1x16xf32>,
          %swap3A_220 = vector.shape_cast %swap3A_219 : vector<1x16xf32> to vector<16xf32>
          %swap3A_221 = vector.shape_cast %mul3A_217 : vector<16xf32> to vector<1x16xf32>
          tpu.vector_store %arg11[%swap3A, %swap3A_218], %swap3A_221 {strides = array<i32>} : memref<800x16xf32, #tpu.memory_space<vmem>>, vector<1x16xf32>,
          %mul3A_222 = arith.constant 16 : i32
          %mul3A_223 = arith.muli %scan3A_202, %mul3A_222 : i32
          %add3A_224 = arith.constant 1 : i32
          %add3A_225 = arith.addi %mul3A_223, %add3A_224 : i32
          %get3A_226 = arith.index_cast %add3A_225 : i32 to index
          %get3A_227 = arith.constant 0 : index
          %get3A_228 = tpu.vector_load %arg11[%get3A_226, %get3A_227] {strides = array<i32>} : memref<800x16xf32, #tpu.memory_space<vmem>>, vector<1x16xf32>,
          %get3A_229 = vector.shape_cast %get3A_228 : vector<1x16xf32> to vector<16xf32>
          %broadcast_in_dim3A_230 = vector.shape_cast %broadcast_in_dim3A_30 : vector<16xi32> to vector<16x1xi32>
          %gather3A_231 = vector.shape_cast %broadcast_in_dim3A_230 : vector<16x1xi32> to vector<16xi32>
          %gather3A_232 = tpu.dynamic_gather %get3A_206[%gather3A_231] in [0] : vector<16xf32>, vector<16xi32> -> vector<16xf32>
          %mul3A_233 = arith.mulf %get3A_229, %gather3A_232 : vector<16xf32>
          %swap3A_234 = arith.index_cast %add3A_225 : i32 to index
          %swap3A_235 = arith.constant 0 : index
          %swap3A_236 = tpu.vector_load %arg11[%swap3A_234, %swap3A_235] {strides = array<i32>} : memref<800x16xf32, #tpu.memory_space<vmem>>, vector<1x16xf32>,
          %swap3A_237 = vector.shape_cast %swap3A_236 : vector<1x16xf32> to vector<16xf32>
          %swap3A_238 = vector.shape_cast %mul3A_233 : vector<16xf32> to vector<1x16xf32>
          tpu.vector_store %arg11[%swap3A_234, %swap3A_235], %swap3A_238 {strides = array<i32>} : memref<800x16xf32, #tpu.memory_space<vmem>>, vector<1x16xf32>,
          %mul3A_239 = arith.constant 16 : i32
          %mul3A_240 = arith.muli %scan3A_202, %mul3A_239 : i32
          %add3A_241 = arith.constant 2 : i32
          %add3A_242 = arith.addi %mul3A_240, %add3A_241 : i32
          %get3A_243 = arith.index_cast %add3A_242 : i32 to index
          %get3A_244 = arith.constant 0 : index
          %get3A_245 = tpu.vector_load %arg11[%get3A_243, %get3A_244] {strides = array<i32>} : memref<800x16xf32, #tpu.memory_space<vmem>>, vector<1x16xf32>,
          %get3A_246 = vector.shape_cast %get3A_245 : vector<1x16xf32> to vector<16xf32>
          %broadcast_in_dim3A_247 = vector.shape_cast %broadcast_in_dim3A_32 : vector<16xi32> to vector<16x1xi32>
          %gather3A_248 = vector.shape_cast %broadcast_in_dim3A_247 : vector<16x1xi32> to vector<16xi32>
          %gather3A_249 = tpu.dynamic_gather %get3A_206[%gather3A_248] in [0] : vector<16xf32>, vector<16xi32> -> vector<16xf32>
          %mul3A_250 = arith.mulf %get3A_246, %gather3A_249 : vector<16xf32>
          %swap3A_251 = arith.index_cast %add3A_242 : i32 to index
          %swap3A_252 = arith.constant 0 : index
          %swap3A_253 = tpu.vector_load %arg11[%swap3A_251, %swap3A_252] {strides = array<i32>} : memref<800x16xf32, #tpu.memory_space<vmem>>, vector<1x16xf32>,
          %swap3A_254 = vector.shape_cast %swap3A_253 : vector<1x16xf32> to vector<16xf32>
          %swap3A_255 = vector.shape_cast %mul3A_250 : vector<16xf32> to vector<1x16xf32>
          tpu.vector_store %arg11[%swap3A_251, %swap3A_252], %swap3A_255 {strides = array<i32>} : memref<800x16xf32, #tpu.memory_space<vmem>>, vector<1x16xf32>,
          %mul3A_256 = arith.constant 16 : i32
          %mul3A_257 = arith.muli %scan3A_202, %mul3A_256 : i32
          %add3A_258 = arith.constant 3 : i32
          %add3A_259 = arith.addi %mul3A_257, %add3A_258 : i32
          %get3A_260 = arith.index_cast %add3A_259 : i32 to index
          %get3A_261 = arith.constant 0 : index
          %get3A_262 = tpu.vector_load %arg11[%get3A_260, %get3A_261] {strides = array<i32>} : memref<800x16xf32, #tpu.memory_space<vmem>>, vector<1x16xf32>,
          %get3A_263 = vector.shape_cast %get3A_262 : vector<1x16xf32> to vector<16xf32>
          %broadcast_in_dim3A_264 = vector.shape_cast %broadcast_in_dim3A_34 : vector<16xi32> to vector<16x1xi32>
          %gather3A_265 = vector.shape_cast %broadcast_in_dim3A_264 : vector<16x1xi32> to vector<16xi32>
          %gather3A_266 = tpu.dynamic_gather %get3A_206[%gather3A_265] in [0] : vector<16xf32>, vector<16xi32> -> vector<16xf32>
          %mul3A_267 = arith.mulf %get3A_263, %gather3A_266 : vector<16xf32>
          %swap3A_268 = arith.index_cast %add3A_259 : i32 to index
          %swap3A_269 = arith.constant 0 : index
          %swap3A_270 = tpu.vector_load %arg11[%swap3A_268, %swap3A_269] {strides = array<i32>} : memref<800x16xf32, #tpu.memory_space<vmem>>, vector<1x16xf32>,
          %swap3A_271 = vector.shape_cast %swap3A_270 : vector<1x16xf32> to vector<16xf32>
          %swap3A_272 = vector.shape_cast %mul3A_267 : vector<16xf32> to vector<1x16xf32>
          tpu.vector_store %arg11[%swap3A_268, %swap3A_269], %swap3A_272 {strides = array<i32>} : memref<800x16xf32, #tpu.memory_space<vmem>>, vector<1x16xf32>,
          %mul3A_273 = arith.constant 16 : i32
          %mul3A_274 = arith.muli %scan3A_202, %mul3A_273 : i32
          %add3A_275 = arith.constant 4 : i32
          %add3A_276 = arith.addi %mul3A_274, %add3A_275 : i32
          %get3A_277 = arith.index_cast %add3A_276 : i32 to index
          %get3A_278 = arith.constant 0 : index
          %get3A_279 = tpu.vector_load %arg11[%get3A_277, %get3A_278] {strides = array<i32>} : memref<800x16xf32, #tpu.memory_space<vmem>>, vector<1x16xf32>,
          %get3A_280 = vector.shape_cast %get3A_279 : vector<1x16xf32> to vector<16xf32>
          %broadcast_in_dim3A_281 = vector.shape_cast %broadcast_in_dim3A_36 : vector<16xi32> to vector<16x1xi32>
          %gather3A_282 = vector.shape_cast %broadcast_in_dim3A_281 : vector<16x1xi32> to vector<16xi32>
          %gather3A_283 = tpu.dynamic_gather %get3A_206[%gather3A_282] in [0] : vector<16xf32>, vector<16xi32> -> vector<16xf32>
          %mul3A_284 = arith.mulf %get3A_280, %gather3A_283 : vector<16xf32>
          %swap3A_285 = arith.index_cast %add3A_276 : i32 to index
          %swap3A_286 = arith.constant 0 : index
          %swap3A_287 = tpu.vector_load %arg11[%swap3A_285, %swap3A_286] {strides = array<i32>} : memref<800x16xf32, #tpu.memory_space<vmem>>, vector<1x16xf32>,
          %swap3A_288 = vector.shape_cast %swap3A_287 : vector<1x16xf32> to vector<16xf32>
          %swap3A_289 = vector.shape_cast %mul3A_284 : vector<16xf32> to vector<1x16xf32>
          tpu.vector_store %arg11[%swap3A_285, %swap3A_286], %swap3A_289 {strides = array<i32>} : memref<800x16xf32, #tpu.memory_space<vmem>>, vector<1x16xf32>,
          %mul3A_290 = arith.constant 16 : i32
          %mul3A_291 = arith.muli %scan3A_202, %mul3A_290 : i32
          %add3A_292 = arith.constant 5 : i32
          %add3A_293 = arith.addi %mul3A_291, %add3A_292 : i32
          %get3A_294 = arith.index_cast %add3A_293 : i32 to index
          %get3A_295 = arith.constant 0 : index
          %get3A_296 = tpu.vector_load %arg11[%get3A_294, %get3A_295] {strides = array<i32>} : memref<800x16xf32, #tpu.memory_space<vmem>>, vector<1x16xf32>,
          %get3A_297 = vector.shape_cast %get3A_296 : vector<1x16xf32> to vector<16xf32>
          %broadcast_in_dim3A_298 = vector.shape_cast %broadcast_in_dim3A_38 : vector<16xi32> to vector<16x1xi32>
          %gather3A_299 = vector.shape_cast %broadcast_in_dim3A_298 : vector<16x1xi32> to vector<16xi32>
          %gather3A_300 = tpu.dynamic_gather %get3A_206[%gather3A_299] in [0] : vector<16xf32>, vector<16xi32> -> vector<16xf32>
          %mul3A_301 = arith.mulf %get3A_297, %gather3A_300 : vector<16xf32>
          %swap3A_302 = arith.index_cast %add3A_293 : i32 to index
          %swap3A_303 = arith.constant 0 : index
          %swap3A_304 = tpu.vector_load %arg11[%swap3A_302, %swap3A_303] {strides = array<i32>} : memref<800x16xf32, #tpu.memory_space<vmem>>, vector<1x16xf32>,
          %swap3A_305 = vector.shape_cast %swap3A_304 : vector<1x16xf32> to vector<16xf32>
          %swap3A_306 = vector.shape_cast %mul3A_301 : vector<16xf32> to vector<1x16xf32>
          tpu.vector_store %arg11[%swap3A_302, %swap3A_303], %swap3A_306 {strides = array<i32>} : memref<800x16xf32, #tpu.memory_space<vmem>>, vector<1x16xf32>,
          %mul3A_307 = arith.constant 16 : i32
          %mul3A_308 = arith.muli %scan3A_202, %mul3A_307 : i32
          %add3A_309 = arith.constant 6 : i32
          %add3A_310 = arith.addi %mul3A_308, %add3A_309 : i32
          %get3A_311 = arith.index_cast %add3A_310 : i32 to index
          %get3A_312 = arith.constant 0 : index
          %get3A_313 = tpu.vector_load %arg11[%get3A_311, %get3A_312] {strides = array<i32>} : memref<800x16xf32, #tpu.memory_space<vmem>>, vector<1x16xf32>,
          %get3A_314 = vector.shape_cast %get3A_313 : vector<1x16xf32> to vector<16xf32>
          %broadcast_in_dim3A_315 = vector.shape_cast %broadcast_in_dim3A_40 : vector<16xi32> to vector<16x1xi32>
          %gather3A_316 = vector.shape_cast %broadcast_in_dim3A_315 : vector<16x1xi32> to vector<16xi32>
          %gather3A_317 = tpu.dynamic_gather %get3A_206[%gather3A_316] in [0] : vector<16xf32>, vector<16xi32> -> vector<16xf32>
          %mul3A_318 = arith.mulf %get3A_314, %gather3A_317 : vector<16xf32>
          %swap3A_319 = arith.index_cast %add3A_310 : i32 to index
          %swap3A_320 = arith.constant 0 : index
          %swap3A_321 = tpu.vector_load %arg11[%swap3A_319, %swap3A_320] {strides = array<i32>} : memref<800x16xf32, #tpu.memory_space<vmem>>, vector<1x16xf32>,
          %swap3A_322 = vector.shape_cast %swap3A_321 : vector<1x16xf32> to vector<16xf32>
          %swap3A_323 = vector.shape_cast %mul3A_318 : vector<16xf32> to vector<1x16xf32>
          tpu.vector_store %arg11[%swap3A_319, %swap3A_320], %swap3A_323 {strides = array<i32>} : memref<800x16xf32, #tpu.memory_space<vmem>>, vector<1x16xf32>,
          %mul3A_324 = arith.constant 16 : i32
          %mul3A_325 = arith.muli %scan3A_202, %mul3A_324 : i32
          %add3A_326 = arith.constant 7 : i32
          %add3A_327 = arith.addi %mul3A_325, %add3A_326 : i32
          %get3A_328 = arith.index_cast %add3A_327 : i32 to index
          %get3A_329 = arith.constant 0 : index
          %get3A_330 = tpu.vector_load %arg11[%get3A_328, %get3A_329] {strides = array<i32>} : memref<800x16xf32, #tpu.memory_space<vmem>>, vector<1x16xf32>,
          %get3A_331 = vector.shape_cast %get3A_330 : vector<1x16xf32> to vector<16xf32>
          %broadcast_in_dim3A_332 = vector.shape_cast %broadcast_in_dim3A_42 : vector<16xi32> to vector<16x1xi32>
          %gather3A_333 = vector.shape_cast %broadcast_in_dim3A_332 : vector<16x1xi32> to vector<16xi32>
          %gather3A_334 = tpu.dynamic_gather %get3A_206[%gather3A_333] in [0] : vector<16xf32>, vector<16xi32> -> vector<16xf32>
          %mul3A_335 = arith.mulf %get3A_331, %gather3A_334 : vector<16xf32>
          %swap3A_336 = arith.index_cast %add3A_327 : i32 to index
          %swap3A_337 = arith.constant 0 : index
          %swap3A_338 = tpu.vector_load %arg11[%swap3A_336, %swap3A_337] {strides = array<i32>} : memref<800x16xf32, #tpu.memory_space<vmem>>, vector<1x16xf32>,
          %swap3A_339 = vector.shape_cast %swap3A_338 : vector<1x16xf32> to vector<16xf32>
          %swap3A_340 = vector.shape_cast %mul3A_335 : vector<16xf32> to vector<1x16xf32>
          tpu.vector_store %arg11[%swap3A_336, %swap3A_337], %swap3A_340 {strides = array<i32>} : memref<800x16xf32, #tpu.memory_space<vmem>>, vector<1x16xf32>,
          %mul3A_341 = arith.constant 16 : i32
          %mul3A_342 = arith.muli %scan3A_202, %mul3A_341 : i32
          %add3A_343 = arith.constant 8 : i32
          %add3A_344 = arith.addi %mul3A_342, %add3A_343 : i32
          %get3A_345 = arith.index_cast %add3A_344 : i32 to index
          %get3A_346 = arith.constant 0 : index
          %get3A_347 = tpu.vector_load %arg11[%get3A_345, %get3A_346] {strides = array<i32>} : memref<800x16xf32, #tpu.memory_space<vmem>>, vector<1x16xf32>,
          %get3A_348 = vector.shape_cast %get3A_347 : vector<1x16xf32> to vector<16xf32>
          %broadcast_in_dim3A_349 = vector.shape_cast %broadcast_in_dim3A_44 : vector<16xi32> to vector<16x1xi32>
          %gather3A_350 = vector.shape_cast %broadcast_in_dim3A_349 : vector<16x1xi32> to vector<16xi32>
          %gather3A_351 = tpu.dynamic_gather %get3A_206[%gather3A_350] in [0] : vector<16xf32>, vector<16xi32> -> vector<16xf32>
          %mul3A_352 = arith.mulf %get3A_348, %gather3A_351 : vector<16xf32>
          %swap3A_353 = arith.index_cast %add3A_344 : i32 to index
          %swap3A_354 = arith.constant 0 : index
          %swap3A_355 = tpu.vector_load %arg11[%swap3A_353, %swap3A_354] {strides = array<i32>} : memref<800x16xf32, #tpu.memory_space<vmem>>, vector<1x16xf32>,
          %swap3A_356 = vector.shape_cast %swap3A_355 : vector<1x16xf32> to vector<16xf32>
          %swap3A_357 = vector.shape_cast %mul3A_352 : vector<16xf32> to vector<1x16xf32>
          tpu.vector_store %arg11[%swap3A_353, %swap3A_354], %swap3A_357 {strides = array<i32>} : memref<800x16xf32, #tpu.memory_space<vmem>>, vector<1x16xf32>,
          %mul3A_358 = arith.constant 16 : i32
          %mul3A_359 = arith.muli %scan3A_202, %mul3A_358 : i32
          %add3A_360 = arith.constant 9 : i32
          %add3A_361 = arith.addi %mul3A_359, %add3A_360 : i32
          %get3A_362 = arith.index_cast %add3A_361 : i32 to index
          %get3A_363 = arith.constant 0 : index
          %get3A_364 = tpu.vector_load %arg11[%get3A_362, %get3A_363] {strides = array<i32>} : memref<800x16xf32, #tpu.memory_space<vmem>>, vector<1x16xf32>,
          %get3A_365 = vector.shape_cast %get3A_364 : vector<1x16xf32> to vector<16xf32>
          %broadcast_in_dim3A_366 = vector.shape_cast %broadcast_in_dim3A_46 : vector<16xi32> to vector<16x1xi32>
          %gather3A_367 = vector.shape_cast %broadcast_in_dim3A_366 : vector<16x1xi32> to vector<16xi32>
          %gather3A_368 = tpu.dynamic_gather %get3A_206[%gather3A_367] in [0] : vector<16xf32>, vector<16xi32> -> vector<16xf32>
          %mul3A_369 = arith.mulf %get3A_365, %gather3A_368 : vector<16xf32>
          %swap3A_370 = arith.index_cast %add3A_361 : i32 to index
          %swap3A_371 = arith.constant 0 : index
          %swap3A_372 = tpu.vector_load %arg11[%swap3A_370, %swap3A_371] {strides = array<i32>} : memref<800x16xf32, #tpu.memory_space<vmem>>, vector<1x16xf32>,
          %swap3A_373 = vector.shape_cast %swap3A_372 : vector<1x16xf32> to vector<16xf32>
          %swap3A_374 = vector.shape_cast %mul3A_369 : vector<16xf32> to vector<1x16xf32>
          tpu.vector_store %arg11[%swap3A_370, %swap3A_371], %swap3A_374 {strides = array<i32>} : memref<800x16xf32, #tpu.memory_space<vmem>>, vector<1x16xf32>,
          %mul3A_375 = arith.constant 16 : i32
          %mul3A_376 = arith.muli %scan3A_202, %mul3A_375 : i32
          %add3A_377 = arith.constant 10 : i32
          %add3A_378 = arith.addi %mul3A_376, %add3A_377 : i32
          %get3A_379 = arith.index_cast %add3A_378 : i32 to index
          %get3A_380 = arith.constant 0 : index
          %get3A_381 = tpu.vector_load %arg11[%get3A_379, %get3A_380] {strides = array<i32>} : memref<800x16xf32, #tpu.memory_space<vmem>>, vector<1x16xf32>,
          %get3A_382 = vector.shape_cast %get3A_381 : vector<1x16xf32> to vector<16xf32>
          %broadcast_in_dim3A_383 = vector.shape_cast %broadcast_in_dim3A_48 : vector<16xi32> to vector<16x1xi32>
          %gather3A_384 = vector.shape_cast %broadcast_in_dim3A_383 : vector<16x1xi32> to vector<16xi32>
          %gather3A_385 = tpu.dynamic_gather %get3A_206[%gather3A_384] in [0] : vector<16xf32>, vector<16xi32> -> vector<16xf32>
          %mul3A_386 = arith.mulf %get3A_382, %gather3A_385 : vector<16xf32>
          %swap3A_387 = arith.index_cast %add3A_378 : i32 to index
          %swap3A_388 = arith.constant 0 : index
          %swap3A_389 = tpu.vector_load %arg11[%swap3A_387, %swap3A_388] {strides = array<i32>} : memref<800x16xf32, #tpu.memory_space<vmem>>, vector<1x16xf32>,
          %swap3A_390 = vector.shape_cast %swap3A_389 : vector<1x16xf32> to vector<16xf32>
          %swap3A_391 = vector.shape_cast %mul3A_386 : vector<16xf32> to vector<1x16xf32>
          tpu.vector_store %arg11[%swap3A_387, %swap3A_388], %swap3A_391 {strides = array<i32>} : memref<800x16xf32, #tpu.memory_space<vmem>>, vector<1x16xf32>,
          %mul3A_392 = arith.constant 16 : i32
          %mul3A_393 = arith.muli %scan3A_202, %mul3A_392 : i32
          %add3A_394 = arith.constant 11 : i32
          %add3A_395 = arith.addi %mul3A_393, %add3A_394 : i32
          %get3A_396 = arith.index_cast %add3A_395 : i32 to index
          %get3A_397 = arith.constant 0 : index
          %get3A_398 = tpu.vector_load %arg11[%get3A_396, %get3A_397] {strides = array<i32>} : memref<800x16xf32, #tpu.memory_space<vmem>>, vector<1x16xf32>,
          %get3A_399 = vector.shape_cast %get3A_398 : vector<1x16xf32> to vector<16xf32>
          %broadcast_in_dim3A_400 = vector.shape_cast %broadcast_in_dim3A_50 : vector<16xi32> to vector<16x1xi32>
          %gather3A_401 = vector.shape_cast %broadcast_in_dim3A_400 : vector<16x1xi32> to vector<16xi32>
          %gather3A_402 = tpu.dynamic_gather %get3A_206[%gather3A_401] in [0] : vector<16xf32>, vector<16xi32> -> vector<16xf32>
          %mul3A_403 = arith.mulf %get3A_399, %gather3A_402 : vector<16xf32>
          %swap3A_404 = arith.index_cast %add3A_395 : i32 to index
          %swap3A_405 = arith.constant 0 : index
          %swap3A_406 = tpu.vector_load %arg11[%swap3A_404, %swap3A_405] {strides = array<i32>} : memref<800x16xf32, #tpu.memory_space<vmem>>, vector<1x16xf32>,
          %swap3A_407 = vector.shape_cast %swap3A_406 : vector<1x16xf32> to vector<16xf32>
          %swap3A_408 = vector.shape_cast %mul3A_403 : vector<16xf32> to vector<1x16xf32>
          tpu.vector_store %arg11[%swap3A_404, %swap3A_405], %swap3A_408 {strides = array<i32>} : memref<800x16xf32, #tpu.memory_space<vmem>>, vector<1x16xf32>,
          %mul3A_409 = arith.constant 16 : i32
          %mul3A_410 = arith.muli %scan3A_202, %mul3A_409 : i32
          %add3A_411 = arith.constant 12 : i32
          %add3A_412 = arith.addi %mul3A_410, %add3A_411 : i32
          %get3A_413 = arith.index_cast %add3A_412 : i32 to index
          %get3A_414 = arith.constant 0 : index
          %get3A_415 = tpu.vector_load %arg11[%get3A_413, %get3A_414] {strides = array<i32>} : memref<800x16xf32, #tpu.memory_space<vmem>>, vector<1x16xf32>,
          %get3A_416 = vector.shape_cast %get3A_415 : vector<1x16xf32> to vector<16xf32>
          %broadcast_in_dim3A_417 = vector.shape_cast %broadcast_in_dim3A_52 : vector<16xi32> to vector<16x1xi32>
          %gather3A_418 = vector.shape_cast %broadcast_in_dim3A_417 : vector<16x1xi32> to vector<16xi32>
          %gather3A_419 = tpu.dynamic_gather %get3A_206[%gather3A_418] in [0] : vector<16xf32>, vector<16xi32> -> vector<16xf32>
          %mul3A_420 = arith.mulf %get3A_416, %gather3A_419 : vector<16xf32>
          %swap3A_421 = arith.index_cast %add3A_412 : i32 to index
          %swap3A_422 = arith.constant 0 : index
          %swap3A_423 = tpu.vector_load %arg11[%swap3A_421, %swap3A_422] {strides = array<i32>} : memref<800x16xf32, #tpu.memory_space<vmem>>, vector<1x16xf32>,
          %swap3A_424 = vector.shape_cast %swap3A_423 : vector<1x16xf32> to vector<16xf32>
          %swap3A_425 = vector.shape_cast %mul3A_420 : vector<16xf32> to vector<1x16xf32>
          tpu.vector_store %arg11[%swap3A_421, %swap3A_422], %swap3A_425 {strides = array<i32>} : memref<800x16xf32, #tpu.memory_space<vmem>>, vector<1x16xf32>,
          %mul3A_426 = arith.constant 16 : i32
          %mul3A_427 = arith.muli %scan3A_202, %mul3A_426 : i32
          %add3A_428 = arith.constant 13 : i32
          %add3A_429 = arith.addi %mul3A_427, %add3A_428 : i32
          %get3A_430 = arith.index_cast %add3A_429 : i32 to index
          %get3A_431 = arith.constant 0 : index
          %get3A_432 = tpu.vector_load %arg11[%get3A_430, %get3A_431] {strides = array<i32>} : memref<800x16xf32, #tpu.memory_space<vmem>>, vector<1x16xf32>,
          %get3A_433 = vector.shape_cast %get3A_432 : vector<1x16xf32> to vector<16xf32>
          %broadcast_in_dim3A_434 = vector.shape_cast %broadcast_in_dim3A_54 : vector<16xi32> to vector<16x1xi32>
          %gather3A_435 = vector.shape_cast %broadcast_in_dim3A_434 : vector<16x1xi32> to vector<16xi32>
          %gather3A_436 = tpu.dynamic_gather %get3A_206[%gather3A_435] in [0] : vector<16xf32>, vector<16xi32> -> vector<16xf32>
          %mul3A_437 = arith.mulf %get3A_433, %gather3A_436 : vector<16xf32>
          %swap3A_438 = arith.index_cast %add3A_429 : i32 to index
          %swap3A_439 = arith.constant 0 : index
          %swap3A_440 = tpu.vector_load %arg11[%swap3A_438, %swap3A_439] {strides = array<i32>} : memref<800x16xf32, #tpu.memory_space<vmem>>, vector<1x16xf32>,
          %swap3A_441 = vector.shape_cast %swap3A_440 : vector<1x16xf32> to vector<16xf32>
          %swap3A_442 = vector.shape_cast %mul3A_437 : vector<16xf32> to vector<1x16xf32>
          tpu.vector_store %arg11[%swap3A_438, %swap3A_439], %swap3A_442 {strides = array<i32>} : memref<800x16xf32, #tpu.memory_space<vmem>>, vector<1x16xf32>,
          %mul3A_443 = arith.constant 16 : i32
          %mul3A_444 = arith.muli %scan3A_202, %mul3A_443 : i32
          %add3A_445 = arith.constant 14 : i32
          %add3A_446 = arith.addi %mul3A_444, %add3A_445 : i32
          %get3A_447 = arith.index_cast %add3A_446 : i32 to index
          %get3A_448 = arith.constant 0 : index
          %get3A_449 = tpu.vector_load %arg11[%get3A_447, %get3A_448] {strides = array<i32>} : memref<800x16xf32, #tpu.memory_space<vmem>>, vector<1x16xf32>,
          %get3A_450 = vector.shape_cast %get3A_449 : vector<1x16xf32> to vector<16xf32>
          %broadcast_in_dim3A_451 = vector.shape_cast %broadcast_in_dim3A_56 : vector<16xi32> to vector<16x1xi32>
          %gather3A_452 = vector.shape_cast %broadcast_in_dim3A_451 : vector<16x1xi32> to vector<16xi32>
          %gather3A_453 = tpu.dynamic_gather %get3A_206[%gather3A_452] in [0] : vector<16xf32>, vector<16xi32> -> vector<16xf32>
          %mul3A_454 = arith.mulf %get3A_450, %gather3A_453 : vector<16xf32>
          %swap3A_455 = arith.index_cast %add3A_446 : i32 to index
          %swap3A_456 = arith.constant 0 : index
          %swap3A_457 = tpu.vector_load %arg11[%swap3A_455, %swap3A_456] {strides = array<i32>} : memref<800x16xf32, #tpu.memory_space<vmem>>, vector<1x16xf32>,
          %swap3A_458 = vector.shape_cast %swap3A_457 : vector<1x16xf32> to vector<16xf32>
          %swap3A_459 = vector.shape_cast %mul3A_454 : vector<16xf32> to vector<1x16xf32>
          tpu.vector_store %arg11[%swap3A_455, %swap3A_456], %swap3A_459 {strides = array<i32>} : memref<800x16xf32, #tpu.memory_space<vmem>>, vector<1x16xf32>,
          %mul3A_460 = arith.constant 16 : i32
          %mul3A_461 = arith.muli %scan3A_202, %mul3A_460 : i32
          %add3A_462 = arith.constant 15 : i32
          %add3A_463 = arith.addi %mul3A_461, %add3A_462 : i32
          %get3A_464 = arith.index_cast %add3A_463 : i32 to index
          %get3A_465 = arith.constant 0 : index
          %get3A_466 = tpu.vector_load %arg11[%get3A_464, %get3A_465] {strides = array<i32>} : memref<800x16xf32, #tpu.memory_space<vmem>>, vector<1x16xf32>,
          %get3A_467 = vector.shape_cast %get3A_466 : vector<1x16xf32> to vector<16xf32>
          %broadcast_in_dim3A_468 = vector.shape_cast %broadcast_in_dim3A_58 : vector<16xi32> to vector<16x1xi32>
          %gather3A_469 = vector.shape_cast %broadcast_in_dim3A_468 : vector<16x1xi32> to vector<16xi32>
          %gather3A_470 = tpu.dynamic_gather %get3A_206[%gather3A_469] in [0] : vector<16xf32>, vector<16xi32> -> vector<16xf32>
          %mul3A_471 = arith.mulf %get3A_467, %gather3A_470 : vector<16xf32>
          %swap3A_472 = arith.index_cast %add3A_463 : i32 to index
          %swap3A_473 = arith.constant 0 : index
          %swap3A_474 = tpu.vector_load %arg11[%swap3A_472, %swap3A_473] {strides = array<i32>} : memref<800x16xf32, #tpu.memory_space<vmem>>, vector<1x16xf32>,
          %swap3A_475 = vector.shape_cast %swap3A_474 : vector<1x16xf32> to vector<16xf32>
          %swap3A_476 = vector.shape_cast %mul3A_471 : vector<16xf32> to vector<1x16xf32>
          tpu.vector_store %arg11[%swap3A_472, %swap3A_473], %swap3A_476 {strides = array<i32>} : memref<800x16xf32, #tpu.memory_space<vmem>>, vector<1x16xf32>,
        }
        %scan3A_194 = arith.constant 50 : i32
        %dma_start3A_195 = arith.constant 0 : i32
        %dma_start3A_196 = arith.constant 0 : i32
        %dma_start3A_197 = tpu.memref_slice %arg7[%dma_start3A_195, %dma_start3A_196] : memref<100352x16xf32, #tpu.memory_space<vmem_shared>> -> memref<100352x16xf32, #tpu.memory_space<vmem_shared>>
        tpu.enqueue_indirect_dma source(%arg11 : memref<800x16xf32, #tpu.memory_space<vmem>>) target(%dma_start3A_197 : memref<100352x16xf32, #tpu.memory_space<vmem_shared>>) offsets(%arg9 : memref<800xi32, #tpu.memory_space<vmem>>) semaphore(%arg15 : memref<!tpu.dma_semaphore, #tpu.memory_space<semaphore_mem>>) {add = true}
        %add3A_198 = arith.constant 1600 : i32
        %add3A_199 = arith.addi %mul3A_2, %add3A_198 : i32
        %dma_start3A_200 = tpu.memref_slice %arg3[%add3A_199] : memref<3200000xi32, #tpu.memory_space<hbm>> -> memref<800xi32, #tpu.memory_space<hbm>>
        %dma_start3A_201 = tpu.memref_slice %arg3[%add3A_199] : memref<3200000xi32, #tpu.memory_space<hbm>> -> memref<800xi32, #tpu.memory_space<hbm>>
        tpu.enqueue_dma source(%dma_start3A_201 : memref<800xi32, #tpu.memory_space<hbm>>) target(%arg8 : memref<800xi32, #tpu.memory_space<vmem>>) target_semaphore(%arg12 : memref<!tpu.dma_semaphore, #tpu.memory_space<semaphore_mem>>)
      } else {
      }
      %gt3A = arith.constant 0 : i32
      %gt3A_114 = arith.cmpi sgt, %mul3A_111, %gt3A : i32
      %convert_element_type3A_115 = arith.extui %gt3A_114 : i1 to i32
      %cond3A_116 = arith.constant 0 : i32
      %cond3A_117 = arith.cmpi ne, %convert_element_type3A_115, %cond3A_116 : i32
      scf.if %cond3A_117 {
        %dma_wait3A_167 = arith.constant 0 : i32
        %dma_wait3A_168 = arith.constant 0 : i32
        %dma_wait3A_169 = tpu.memref_slice %arg2[%dma_wait3A_167, %dma_wait3A_168] : memref<100000x16xf32, #tpu.memory_space<hbm>> -> memref<100000x16xf32, #tpu.memory_space<hbm>>
        tpu.wait_indirect_dma semaphore(%arg14 : memref<!tpu.dma_semaphore, #tpu.memory_space<semaphore_mem>>) src(%dma_wait3A_169 : memref<100000x16xf32, #tpu.memory_space<hbm>>) dst(%arg11 : memref<800x16xf32, #tpu.memory_space<vmem>>)
        %add3A_170 = arith.constant 1 : i32
        %add3A_171 = arith.addi %mul3A_111, %add3A_170 : i32
        %mul3A_172 = arith.constant 800 : i32
        %mul3A_173 = arith.muli %add3A_171, %mul3A_172 : i32
        %add3A_174 = arith.addi %mul3A_2, %mul3A_173 : i32
        %dma_wait3A_175 = tpu.memref_slice %arg3[%add3A_174] : memref<3200000xi32, #tpu.memory_space<hbm>> -> memref<800xi32, #tpu.memory_space<hbm>>
        %dma_wait3A_176 = tpu.memref_slice %arg3[%add3A_174] : memref<3200000xi32, #tpu.memory_space<hbm>> -> memref<800xi32, #tpu.memory_space<hbm>>
        tpu.wait_dma2 semaphore(%arg20 : memref<!tpu.dma_semaphore, #tpu.memory_space<semaphore_mem>>) src(%dma_wait3A_176 : memref<800xi32, #tpu.memory_space<hbm>>) dst(%arg16 : memref<800xi32, #tpu.memory_space<vmem>>)
        %dma_wait3A_177 = arith.constant 0 : i32
        %dma_wait3A_178 = arith.constant 0 : i32
        %dma_wait3A_179 = tpu.memref_slice %arg7[%dma_wait3A_177, %dma_wait3A_178] : memref<100352x16xf32, #tpu.memory_space<vmem_shared>> -> memref<100352x16xf32, #tpu.memory_space<vmem_shared>>
        tpu.wait_indirect_dma semaphore(%arg23 : memref<!tpu.dma_semaphore, #tpu.memory_space<semaphore_mem>>) src(%arg19 : memref<800x16xf32, #tpu.memory_space<vmem>>) dst(%dma_wait3A_179 : memref<100352x16xf32, #tpu.memory_space<vmem_shared>>)
        %dma_start3A_180 = arith.constant 0 : i32
        %dma_start3A_181 = arith.constant 0 : i32
        %dma_start3A_182 = tpu.memref_slice %arg2[%dma_start3A_180, %dma_start3A_181] : memref<100000x16xf32, #tpu.memory_space<hbm>> -> memref<100000x16xf32, #tpu.memory_space<hbm>>
        tpu.enqueue_indirect_dma source(%dma_start3A_182 : memref<100000x16xf32, #tpu.memory_space<hbm>>) target(%arg19 : memref<800x16xf32, #tpu.memory_space<vmem>>) offsets(%arg16 : memref<800xi32, #tpu.memory_space<vmem>>) semaphore(%arg22 : memref<!tpu.dma_semaphore, #tpu.memory_space<semaphore_mem>>)
        %add3A_183 = arith.constant 1 : i32
        %add3A_184 = arith.addi %mul3A_111, %add3A_183 : i32
        %mul3A_185 = arith.constant 800 : i32
        %mul3A_186 = arith.muli %add3A_184, %mul3A_185 : i32
        %add3A_187 = arith.addi %mul3A_2, %mul3A_186 : i32
        %dma_start3A_188 = tpu.memref_slice %arg4[%add3A_187] : memref<3200000xi32, #tpu.memory_space<hbm>> -> memref<800xi32, #tpu.memory_space<hbm>>
        %dma_start3A_189 = tpu.memref_slice %arg4[%add3A_187] : memref<3200000xi32, #tpu.memory_space<hbm>> -> memref<800xi32, #tpu.memory_space<hbm>>
        tpu.enqueue_dma source(%dma_start3A_189 : memref<800xi32, #tpu.memory_space<hbm>>) target(%arg17 : memref<800xi32, #tpu.memory_space<vmem>>) target_semaphore(%arg21 : memref<!tpu.dma_semaphore, #tpu.memory_space<semaphore_mem>>)
        %dma_start3A_190 = tpu.memref_slice %arg5[%add3A_187] : memref<3200000xf32, #tpu.memory_space<hbm>> -> memref<800xf32, #tpu.memory_space<hbm>>
        %dma_start3A_191 = tpu.memref_slice %arg5[%add3A_187] : memref<3200000xf32, #tpu.memory_space<hbm>> -> memref<800xf32, #tpu.memory_space<hbm>>
        tpu.enqueue_dma source(%dma_start3A_191 : memref<800xf32, #tpu.memory_space<hbm>>) target(%arg18 : memref<800xf32, #tpu.memory_space<vmem>>) target_semaphore(%arg21 : memref<!tpu.dma_semaphore, #tpu.memory_space<semaphore_mem>>)
        %mul3A_192 = arith.constant 800 : i32
        %mul3A_193 = arith.muli %mul3A_111, %mul3A_192 : i32
        %add3A_194 = arith.addi %mul3A_2, %mul3A_193 : i32
        %dma_wait3A_195 = tpu.memref_slice %arg4[%add3A_194] : memref<3200000xi32, #tpu.memory_space<hbm>> -> memref<800xi32, #tpu.memory_space<hbm>>
        %dma_wait3A_196 = tpu.memref_slice %arg4[%add3A_194] : memref<3200000xi32, #tpu.memory_space<hbm>> -> memref<800xi32, #tpu.memory_space<hbm>>
        tpu.wait_dma2 semaphore(%arg13 : memref<!tpu.dma_semaphore, #tpu.memory_space<semaphore_mem>>) src(%dma_wait3A_196 : memref<800xi32, #tpu.memory_space<hbm>>) dst(%arg9 : memref<800xi32, #tpu.memory_space<vmem>>)
        %dma_wait3A_197 = tpu.memref_slice %arg5[%add3A_194] : memref<3200000xf32, #tpu.memory_space<hbm>> -> memref<800xf32, #tpu.memory_space<hbm>>
        %dma_wait3A_198 = tpu.memref_slice %arg5[%add3A_194] : memref<3200000xf32, #tpu.memory_space<hbm>> -> memref<800xf32, #tpu.memory_space<hbm>>
        tpu.wait_dma2 semaphore(%arg13 : memref<!tpu.dma_semaphore, #tpu.memory_space<semaphore_mem>>) src(%dma_wait3A_198 : memref<800xf32, #tpu.memory_space<hbm>>) dst(%arg10 : memref<800xf32, #tpu.memory_space<vmem>>)
        %scan3A_199 = arith.constant 0 : i32
        %scan3A_200 = arith.constant 0 : i32
        %scan3A_201 = arith.constant 50 : i32
        %scan3A_202 = arith.addi %scan3A_200, %scan3A_201 : i32
        %scan3A_203 = arith.constant 1 : i32
        scf.for %scan3A_215 = %scan3A_200 to %scan3A_202 step %scan3A_203  : i32 {
          %mul3A_216 = arith.constant 16 : i32
          %mul3A_217 = arith.muli %scan3A_215, %mul3A_216 : i32
          %get3A = arith.index_cast %mul3A_217 : i32 to index
          %get3A_218 = tpu.vector_load %arg10[%get3A] {strides = array<i32>} : memref<800xf32, #tpu.memory_space<vmem>>, vector<16xf32>,
          %get3A_219 = vector.shape_cast %get3A_218 : vector<16xf32> to vector<16xf32>
          %mul3A_220 = arith.constant 16 : i32
          %mul3A_221 = arith.muli %scan3A_215, %mul3A_220 : i32
          %add3A_222 = arith.constant 0 : i32
          %add3A_223 = arith.addi %mul3A_221, %add3A_222 : i32
          %get3A_224 = arith.index_cast %add3A_223 : i32 to index
          %get3A_225 = arith.constant 0 : index
          %get3A_226 = tpu.vector_load %arg11[%get3A_224, %get3A_225] {strides = array<i32>} : memref<800x16xf32, #tpu.memory_space<vmem>>, vector<1x16xf32>,
          %get3A_227 = vector.shape_cast %get3A_226 : vector<1x16xf32> to vector<16xf32>
          %broadcast_in_dim3A_228 = vector.shape_cast %broadcast_in_dim3A_28 : vector<16xi32> to vector<16x1xi32>
          %gather3A = vector.shape_cast %broadcast_in_dim3A_228 : vector<16x1xi32> to vector<16xi32>
          %gather3A_229 = tpu.dynamic_gather %get3A_219[%gather3A] in [0] : vector<16xf32>, vector<16xi32> -> vector<16xf32>
          %mul3A_230 = arith.mulf %get3A_227, %gather3A_229 : vector<16xf32>
          %swap3A = arith.index_cast %add3A_223 : i32 to index
          %swap3A_231 = arith.constant 0 : index
          %swap3A_232 = tpu.vector_load %arg11[%swap3A, %swap3A_231] {strides = array<i32>} : memref<800x16xf32, #tpu.memory_space<vmem>>, vector<1x16xf32>,
          %swap3A_233 = vector.shape_cast %swap3A_232 : vector<1x16xf32> to vector<16xf32>
          %swap3A_234 = vector.shape_cast %mul3A_230 : vector<16xf32> to vector<1x16xf32>
          tpu.vector_store %arg11[%swap3A, %swap3A_231], %swap3A_234 {strides = array<i32>} : memref<800x16xf32, #tpu.memory_space<vmem>>, vector<1x16xf32>,
          %mul3A_235 = arith.constant 16 : i32
          %mul3A_236 = arith.muli %scan3A_215, %mul3A_235 : i32
          %add3A_237 = arith.constant 1 : i32
          %add3A_238 = arith.addi %mul3A_236, %add3A_237 : i32
          %get3A_239 = arith.index_cast %add3A_238 : i32 to index
          %get3A_240 = arith.constant 0 : index
          %get3A_241 = tpu.vector_load %arg11[%get3A_239, %get3A_240] {strides = array<i32>} : memref<800x16xf32, #tpu.memory_space<vmem>>, vector<1x16xf32>,
          %get3A_242 = vector.shape_cast %get3A_241 : vector<1x16xf32> to vector<16xf32>
          %broadcast_in_dim3A_243 = vector.shape_cast %broadcast_in_dim3A_30 : vector<16xi32> to vector<16x1xi32>
          %gather3A_244 = vector.shape_cast %broadcast_in_dim3A_243 : vector<16x1xi32> to vector<16xi32>
          %gather3A_245 = tpu.dynamic_gather %get3A_219[%gather3A_244] in [0] : vector<16xf32>, vector<16xi32> -> vector<16xf32>
          %mul3A_246 = arith.mulf %get3A_242, %gather3A_245 : vector<16xf32>
          %swap3A_247 = arith.index_cast %add3A_238 : i32 to index
          %swap3A_248 = arith.constant 0 : index
          %swap3A_249 = tpu.vector_load %arg11[%swap3A_247, %swap3A_248] {strides = array<i32>} : memref<800x16xf32, #tpu.memory_space<vmem>>, vector<1x16xf32>,
          %swap3A_250 = vector.shape_cast %swap3A_249 : vector<1x16xf32> to vector<16xf32>
          %swap3A_251 = vector.shape_cast %mul3A_246 : vector<16xf32> to vector<1x16xf32>
          tpu.vector_store %arg11[%swap3A_247, %swap3A_248], %swap3A_251 {strides = array<i32>} : memref<800x16xf32, #tpu.memory_space<vmem>>, vector<1x16xf32>,
          %mul3A_252 = arith.constant 16 : i32
          %mul3A_253 = arith.muli %scan3A_215, %mul3A_252 : i32
          %add3A_254 = arith.constant 2 : i32
          %add3A_255 = arith.addi %mul3A_253, %add3A_254 : i32
          %get3A_256 = arith.index_cast %add3A_255 : i32 to index
          %get3A_257 = arith.constant 0 : index
          %get3A_258 = tpu.vector_load %arg11[%get3A_256, %get3A_257] {strides = array<i32>} : memref<800x16xf32, #tpu.memory_space<vmem>>, vector<1x16xf32>,
          %get3A_259 = vector.shape_cast %get3A_258 : vector<1x16xf32> to vector<16xf32>
          %broadcast_in_dim3A_260 = vector.shape_cast %broadcast_in_dim3A_32 : vector<16xi32> to vector<16x1xi32>
          %gather3A_261 = vector.shape_cast %broadcast_in_dim3A_260 : vector<16x1xi32> to vector<16xi32>
          %gather3A_262 = tpu.dynamic_gather %get3A_219[%gather3A_261] in [0] : vector<16xf32>, vector<16xi32> -> vector<16xf32>
          %mul3A_263 = arith.mulf %get3A_259, %gather3A_262 : vector<16xf32>
          %swap3A_264 = arith.index_cast %add3A_255 : i32 to index
          %swap3A_265 = arith.constant 0 : index
          %swap3A_266 = tpu.vector_load %arg11[%swap3A_264, %swap3A_265] {strides = array<i32>} : memref<800x16xf32, #tpu.memory_space<vmem>>, vector<1x16xf32>,
          %swap3A_267 = vector.shape_cast %swap3A_266 : vector<1x16xf32> to vector<16xf32>
          %swap3A_268 = vector.shape_cast %mul3A_263 : vector<16xf32> to vector<1x16xf32>
          tpu.vector_store %arg11[%swap3A_264, %swap3A_265], %swap3A_268 {strides = array<i32>} : memref<800x16xf32, #tpu.memory_space<vmem>>, vector<1x16xf32>,
          %mul3A_269 = arith.constant 16 : i32
          %mul3A_270 = arith.muli %scan3A_215, %mul3A_269 : i32
          %add3A_271 = arith.constant 3 : i32
          %add3A_272 = arith.addi %mul3A_270, %add3A_271 : i32
          %get3A_273 = arith.index_cast %add3A_272 : i32 to index
          %get3A_274 = arith.constant 0 : index
          %get3A_275 = tpu.vector_load %arg11[%get3A_273, %get3A_274] {strides = array<i32>} : memref<800x16xf32, #tpu.memory_space<vmem>>, vector<1x16xf32>,
          %get3A_276 = vector.shape_cast %get3A_275 : vector<1x16xf32> to vector<16xf32>
          %broadcast_in_dim3A_277 = vector.shape_cast %broadcast_in_dim3A_34 : vector<16xi32> to vector<16x1xi32>
          %gather3A_278 = vector.shape_cast %broadcast_in_dim3A_277 : vector<16x1xi32> to vector<16xi32>
          %gather3A_279 = tpu.dynamic_gather %get3A_219[%gather3A_278] in [0] : vector<16xf32>, vector<16xi32> -> vector<16xf32>
          %mul3A_280 = arith.mulf %get3A_276, %gather3A_279 : vector<16xf32>
          %swap3A_281 = arith.index_cast %add3A_272 : i32 to index
          %swap3A_282 = arith.constant 0 : index
          %swap3A_283 = tpu.vector_load %arg11[%swap3A_281, %swap3A_282] {strides = array<i32>} : memref<800x16xf32, #tpu.memory_space<vmem>>, vector<1x16xf32>,
          %swap3A_284 = vector.shape_cast %swap3A_283 : vector<1x16xf32> to vector<16xf32>
          %swap3A_285 = vector.shape_cast %mul3A_280 : vector<16xf32> to vector<1x16xf32>
          tpu.vector_store %arg11[%swap3A_281, %swap3A_282], %swap3A_285 {strides = array<i32>} : memref<800x16xf32, #tpu.memory_space<vmem>>, vector<1x16xf32>,
          %mul3A_286 = arith.constant 16 : i32
          %mul3A_287 = arith.muli %scan3A_215, %mul3A_286 : i32
          %add3A_288 = arith.constant 4 : i32
          %add3A_289 = arith.addi %mul3A_287, %add3A_288 : i32
          %get3A_290 = arith.index_cast %add3A_289 : i32 to index
          %get3A_291 = arith.constant 0 : index
          %get3A_292 = tpu.vector_load %arg11[%get3A_290, %get3A_291] {strides = array<i32>} : memref<800x16xf32, #tpu.memory_space<vmem>>, vector<1x16xf32>,
          %get3A_293 = vector.shape_cast %get3A_292 : vector<1x16xf32> to vector<16xf32>
          %broadcast_in_dim3A_294 = vector.shape_cast %broadcast_in_dim3A_36 : vector<16xi32> to vector<16x1xi32>
          %gather3A_295 = vector.shape_cast %broadcast_in_dim3A_294 : vector<16x1xi32> to vector<16xi32>
          %gather3A_296 = tpu.dynamic_gather %get3A_219[%gather3A_295] in [0] : vector<16xf32>, vector<16xi32> -> vector<16xf32>
          %mul3A_297 = arith.mulf %get3A_293, %gather3A_296 : vector<16xf32>
          %swap3A_298 = arith.index_cast %add3A_289 : i32 to index
          %swap3A_299 = arith.constant 0 : index
          %swap3A_300 = tpu.vector_load %arg11[%swap3A_298, %swap3A_299] {strides = array<i32>} : memref<800x16xf32, #tpu.memory_space<vmem>>, vector<1x16xf32>,
          %swap3A_301 = vector.shape_cast %swap3A_300 : vector<1x16xf32> to vector<16xf32>
          %swap3A_302 = vector.shape_cast %mul3A_297 : vector<16xf32> to vector<1x16xf32>
          tpu.vector_store %arg11[%swap3A_298, %swap3A_299], %swap3A_302 {strides = array<i32>} : memref<800x16xf32, #tpu.memory_space<vmem>>, vector<1x16xf32>,
          %mul3A_303 = arith.constant 16 : i32
          %mul3A_304 = arith.muli %scan3A_215, %mul3A_303 : i32
          %add3A_305 = arith.constant 5 : i32
          %add3A_306 = arith.addi %mul3A_304, %add3A_305 : i32
          %get3A_307 = arith.index_cast %add3A_306 : i32 to index
          %get3A_308 = arith.constant 0 : index
          %get3A_309 = tpu.vector_load %arg11[%get3A_307, %get3A_308] {strides = array<i32>} : memref<800x16xf32, #tpu.memory_space<vmem>>, vector<1x16xf32>,
          %get3A_310 = vector.shape_cast %get3A_309 : vector<1x16xf32> to vector<16xf32>
          %broadcast_in_dim3A_311 = vector.shape_cast %broadcast_in_dim3A_38 : vector<16xi32> to vector<16x1xi32>
          %gather3A_312 = vector.shape_cast %broadcast_in_dim3A_311 : vector<16x1xi32> to vector<16xi32>
          %gather3A_313 = tpu.dynamic_gather %get3A_219[%gather3A_312] in [0] : vector<16xf32>, vector<16xi32> -> vector<16xf32>
          %mul3A_314 = arith.mulf %get3A_310, %gather3A_313 : vector<16xf32>
          %swap3A_315 = arith.index_cast %add3A_306 : i32 to index
          %swap3A_316 = arith.constant 0 : index
          %swap3A_317 = tpu.vector_load %arg11[%swap3A_315, %swap3A_316] {strides = array<i32>} : memref<800x16xf32, #tpu.memory_space<vmem>>, vector<1x16xf32>,
          %swap3A_318 = vector.shape_cast %swap3A_317 : vector<1x16xf32> to vector<16xf32>
          %swap3A_319 = vector.shape_cast %mul3A_314 : vector<16xf32> to vector<1x16xf32>
          tpu.vector_store %arg11[%swap3A_315, %swap3A_316], %swap3A_319 {strides = array<i32>} : memref<800x16xf32, #tpu.memory_space<vmem>>, vector<1x16xf32>,
          %mul3A_320 = arith.constant 16 : i32
          %mul3A_321 = arith.muli %scan3A_215, %mul3A_320 : i32
          %add3A_322 = arith.constant 6 : i32
          %add3A_323 = arith.addi %mul3A_321, %add3A_322 : i32
          %get3A_324 = arith.index_cast %add3A_323 : i32 to index
          %get3A_325 = arith.constant 0 : index
          %get3A_326 = tpu.vector_load %arg11[%get3A_324, %get3A_325] {strides = array<i32>} : memref<800x16xf32, #tpu.memory_space<vmem>>, vector<1x16xf32>,
          %get3A_327 = vector.shape_cast %get3A_326 : vector<1x16xf32> to vector<16xf32>
          %broadcast_in_dim3A_328 = vector.shape_cast %broadcast_in_dim3A_40 : vector<16xi32> to vector<16x1xi32>
          %gather3A_329 = vector.shape_cast %broadcast_in_dim3A_328 : vector<16x1xi32> to vector<16xi32>
          %gather3A_330 = tpu.dynamic_gather %get3A_219[%gather3A_329] in [0] : vector<16xf32>, vector<16xi32> -> vector<16xf32>
          %mul3A_331 = arith.mulf %get3A_327, %gather3A_330 : vector<16xf32>
          %swap3A_332 = arith.index_cast %add3A_323 : i32 to index
          %swap3A_333 = arith.constant 0 : index
          %swap3A_334 = tpu.vector_load %arg11[%swap3A_332, %swap3A_333] {strides = array<i32>} : memref<800x16xf32, #tpu.memory_space<vmem>>, vector<1x16xf32>,
          %swap3A_335 = vector.shape_cast %swap3A_334 : vector<1x16xf32> to vector<16xf32>
          %swap3A_336 = vector.shape_cast %mul3A_331 : vector<16xf32> to vector<1x16xf32>
          tpu.vector_store %arg11[%swap3A_332, %swap3A_333], %swap3A_336 {strides = array<i32>} : memref<800x16xf32, #tpu.memory_space<vmem>>, vector<1x16xf32>,
          %mul3A_337 = arith.constant 16 : i32
          %mul3A_338 = arith.muli %scan3A_215, %mul3A_337 : i32
          %add3A_339 = arith.constant 7 : i32
          %add3A_340 = arith.addi %mul3A_338, %add3A_339 : i32
          %get3A_341 = arith.index_cast %add3A_340 : i32 to index
          %get3A_342 = arith.constant 0 : index
          %get3A_343 = tpu.vector_load %arg11[%get3A_341, %get3A_342] {strides = array<i32>} : memref<800x16xf32, #tpu.memory_space<vmem>>, vector<1x16xf32>,
          %get3A_344 = vector.shape_cast %get3A_343 : vector<1x16xf32> to vector<16xf32>
          %broadcast_in_dim3A_345 = vector.shape_cast %broadcast_in_dim3A_42 : vector<16xi32> to vector<16x1xi32>
          %gather3A_346 = vector.shape_cast %broadcast_in_dim3A_345 : vector<16x1xi32> to vector<16xi32>
          %gather3A_347 = tpu.dynamic_gather %get3A_219[%gather3A_346] in [0] : vector<16xf32>, vector<16xi32> -> vector<16xf32>
          %mul3A_348 = arith.mulf %get3A_344, %gather3A_347 : vector<16xf32>
          %swap3A_349 = arith.index_cast %add3A_340 : i32 to index
          %swap3A_350 = arith.constant 0 : index
          %swap3A_351 = tpu.vector_load %arg11[%swap3A_349, %swap3A_350] {strides = array<i32>} : memref<800x16xf32, #tpu.memory_space<vmem>>, vector<1x16xf32>,
          %swap3A_352 = vector.shape_cast %swap3A_351 : vector<1x16xf32> to vector<16xf32>
          %swap3A_353 = vector.shape_cast %mul3A_348 : vector<16xf32> to vector<1x16xf32>
          tpu.vector_store %arg11[%swap3A_349, %swap3A_350], %swap3A_353 {strides = array<i32>} : memref<800x16xf32, #tpu.memory_space<vmem>>, vector<1x16xf32>,
          %mul3A_354 = arith.constant 16 : i32
          %mul3A_355 = arith.muli %scan3A_215, %mul3A_354 : i32
          %add3A_356 = arith.constant 8 : i32
          %add3A_357 = arith.addi %mul3A_355, %add3A_356 : i32
          %get3A_358 = arith.index_cast %add3A_357 : i32 to index
          %get3A_359 = arith.constant 0 : index
          %get3A_360 = tpu.vector_load %arg11[%get3A_358, %get3A_359] {strides = array<i32>} : memref<800x16xf32, #tpu.memory_space<vmem>>, vector<1x16xf32>,
          %get3A_361 = vector.shape_cast %get3A_360 : vector<1x16xf32> to vector<16xf32>
          %broadcast_in_dim3A_362 = vector.shape_cast %broadcast_in_dim3A_44 : vector<16xi32> to vector<16x1xi32>
          %gather3A_363 = vector.shape_cast %broadcast_in_dim3A_362 : vector<16x1xi32> to vector<16xi32>
          %gather3A_364 = tpu.dynamic_gather %get3A_219[%gather3A_363] in [0] : vector<16xf32>, vector<16xi32> -> vector<16xf32>
          %mul3A_365 = arith.mulf %get3A_361, %gather3A_364 : vector<16xf32>
          %swap3A_366 = arith.index_cast %add3A_357 : i32 to index
          %swap3A_367 = arith.constant 0 : index
          %swap3A_368 = tpu.vector_load %arg11[%swap3A_366, %swap3A_367] {strides = array<i32>} : memref<800x16xf32, #tpu.memory_space<vmem>>, vector<1x16xf32>,
          %swap3A_369 = vector.shape_cast %swap3A_368 : vector<1x16xf32> to vector<16xf32>
          %swap3A_370 = vector.shape_cast %mul3A_365 : vector<16xf32> to vector<1x16xf32>
          tpu.vector_store %arg11[%swap3A_366, %swap3A_367], %swap3A_370 {strides = array<i32>} : memref<800x16xf32, #tpu.memory_space<vmem>>, vector<1x16xf32>,
          %mul3A_371 = arith.constant 16 : i32
          %mul3A_372 = arith.muli %scan3A_215, %mul3A_371 : i32
          %add3A_373 = arith.constant 9 : i32
          %add3A_374 = arith.addi %mul3A_372, %add3A_373 : i32
          %get3A_375 = arith.index_cast %add3A_374 : i32 to index
          %get3A_376 = arith.constant 0 : index
          %get3A_377 = tpu.vector_load %arg11[%get3A_375, %get3A_376] {strides = array<i32>} : memref<800x16xf32, #tpu.memory_space<vmem>>, vector<1x16xf32>,
          %get3A_378 = vector.shape_cast %get3A_377 : vector<1x16xf32> to vector<16xf32>
          %broadcast_in_dim3A_379 = vector.shape_cast %broadcast_in_dim3A_46 : vector<16xi32> to vector<16x1xi32>
          %gather3A_380 = vector.shape_cast %broadcast_in_dim3A_379 : vector<16x1xi32> to vector<16xi32>
          %gather3A_381 = tpu.dynamic_gather %get3A_219[%gather3A_380] in [0] : vector<16xf32>, vector<16xi32> -> vector<16xf32>
          %mul3A_382 = arith.mulf %get3A_378, %gather3A_381 : vector<16xf32>
          %swap3A_383 = arith.index_cast %add3A_374 : i32 to index
          %swap3A_384 = arith.constant 0 : index
          %swap3A_385 = tpu.vector_load %arg11[%swap3A_383, %swap3A_384] {strides = array<i32>} : memref<800x16xf32, #tpu.memory_space<vmem>>, vector<1x16xf32>,
          %swap3A_386 = vector.shape_cast %swap3A_385 : vector<1x16xf32> to vector<16xf32>
          %swap3A_387 = vector.shape_cast %mul3A_382 : vector<16xf32> to vector<1x16xf32>
          tpu.vector_store %arg11[%swap3A_383, %swap3A_384], %swap3A_387 {strides = array<i32>} : memref<800x16xf32, #tpu.memory_space<vmem>>, vector<1x16xf32>,
          %mul3A_388 = arith.constant 16 : i32
          %mul3A_389 = arith.muli %scan3A_215, %mul3A_388 : i32
          %add3A_390 = arith.constant 10 : i32
          %add3A_391 = arith.addi %mul3A_389, %add3A_390 : i32
          %get3A_392 = arith.index_cast %add3A_391 : i32 to index
          %get3A_393 = arith.constant 0 : index
          %get3A_394 = tpu.vector_load %arg11[%get3A_392, %get3A_393] {strides = array<i32>} : memref<800x16xf32, #tpu.memory_space<vmem>>, vector<1x16xf32>,
          %get3A_395 = vector.shape_cast %get3A_394 : vector<1x16xf32> to vector<16xf32>
          %broadcast_in_dim3A_396 = vector.shape_cast %broadcast_in_dim3A_48 : vector<16xi32> to vector<16x1xi32>
          %gather3A_397 = vector.shape_cast %broadcast_in_dim3A_396 : vector<16x1xi32> to vector<16xi32>
          %gather3A_398 = tpu.dynamic_gather %get3A_219[%gather3A_397] in [0] : vector<16xf32>, vector<16xi32> -> vector<16xf32>
          %mul3A_399 = arith.mulf %get3A_395, %gather3A_398 : vector<16xf32>
          %swap3A_400 = arith.index_cast %add3A_391 : i32 to index
          %swap3A_401 = arith.constant 0 : index
          %swap3A_402 = tpu.vector_load %arg11[%swap3A_400, %swap3A_401] {strides = array<i32>} : memref<800x16xf32, #tpu.memory_space<vmem>>, vector<1x16xf32>,
          %swap3A_403 = vector.shape_cast %swap3A_402 : vector<1x16xf32> to vector<16xf32>
          %swap3A_404 = vector.shape_cast %mul3A_399 : vector<16xf32> to vector<1x16xf32>
          tpu.vector_store %arg11[%swap3A_400, %swap3A_401], %swap3A_404 {strides = array<i32>} : memref<800x16xf32, #tpu.memory_space<vmem>>, vector<1x16xf32>,
          %mul3A_405 = arith.constant 16 : i32
          %mul3A_406 = arith.muli %scan3A_215, %mul3A_405 : i32
          %add3A_407 = arith.constant 11 : i32
          %add3A_408 = arith.addi %mul3A_406, %add3A_407 : i32
          %get3A_409 = arith.index_cast %add3A_408 : i32 to index
          %get3A_410 = arith.constant 0 : index
          %get3A_411 = tpu.vector_load %arg11[%get3A_409, %get3A_410] {strides = array<i32>} : memref<800x16xf32, #tpu.memory_space<vmem>>, vector<1x16xf32>,
          %get3A_412 = vector.shape_cast %get3A_411 : vector<1x16xf32> to vector<16xf32>
          %broadcast_in_dim3A_413 = vector.shape_cast %broadcast_in_dim3A_50 : vector<16xi32> to vector<16x1xi32>
          %gather3A_414 = vector.shape_cast %broadcast_in_dim3A_413 : vector<16x1xi32> to vector<16xi32>
          %gather3A_415 = tpu.dynamic_gather %get3A_219[%gather3A_414] in [0] : vector<16xf32>, vector<16xi32> -> vector<16xf32>
          %mul3A_416 = arith.mulf %get3A_412, %gather3A_415 : vector<16xf32>
          %swap3A_417 = arith.index_cast %add3A_408 : i32 to index
          %swap3A_418 = arith.constant 0 : index
          %swap3A_419 = tpu.vector_load %arg11[%swap3A_417, %swap3A_418] {strides = array<i32>} : memref<800x16xf32, #tpu.memory_space<vmem>>, vector<1x16xf32>,
          %swap3A_420 = vector.shape_cast %swap3A_419 : vector<1x16xf32> to vector<16xf32>
          %swap3A_421 = vector.shape_cast %mul3A_416 : vector<16xf32> to vector<1x16xf32>
          tpu.vector_store %arg11[%swap3A_417, %swap3A_418], %swap3A_421 {strides = array<i32>} : memref<800x16xf32, #tpu.memory_space<vmem>>, vector<1x16xf32>,
          %mul3A_422 = arith.constant 16 : i32
          %mul3A_423 = arith.muli %scan3A_215, %mul3A_422 : i32
          %add3A_424 = arith.constant 12 : i32
          %add3A_425 = arith.addi %mul3A_423, %add3A_424 : i32
          %get3A_426 = arith.index_cast %add3A_425 : i32 to index
          %get3A_427 = arith.constant 0 : index
          %get3A_428 = tpu.vector_load %arg11[%get3A_426, %get3A_427] {strides = array<i32>} : memref<800x16xf32, #tpu.memory_space<vmem>>, vector<1x16xf32>,
          %get3A_429 = vector.shape_cast %get3A_428 : vector<1x16xf32> to vector<16xf32>
          %broadcast_in_dim3A_430 = vector.shape_cast %broadcast_in_dim3A_52 : vector<16xi32> to vector<16x1xi32>
          %gather3A_431 = vector.shape_cast %broadcast_in_dim3A_430 : vector<16x1xi32> to vector<16xi32>
          %gather3A_432 = tpu.dynamic_gather %get3A_219[%gather3A_431] in [0] : vector<16xf32>, vector<16xi32> -> vector<16xf32>
          %mul3A_433 = arith.mulf %get3A_429, %gather3A_432 : vector<16xf32>
          %swap3A_434 = arith.index_cast %add3A_425 : i32 to index
          %swap3A_435 = arith.constant 0 : index
          %swap3A_436 = tpu.vector_load %arg11[%swap3A_434, %swap3A_435] {strides = array<i32>} : memref<800x16xf32, #tpu.memory_space<vmem>>, vector<1x16xf32>,
          %swap3A_437 = vector.shape_cast %swap3A_436 : vector<1x16xf32> to vector<16xf32>
          %swap3A_438 = vector.shape_cast %mul3A_433 : vector<16xf32> to vector<1x16xf32>
          tpu.vector_store %arg11[%swap3A_434, %swap3A_435], %swap3A_438 {strides = array<i32>} : memref<800x16xf32, #tpu.memory_space<vmem>>, vector<1x16xf32>,
          %mul3A_439 = arith.constant 16 : i32
          %mul3A_440 = arith.muli %scan3A_215, %mul3A_439 : i32
          %add3A_441 = arith.constant 13 : i32
          %add3A_442 = arith.addi %mul3A_440, %add3A_441 : i32
          %get3A_443 = arith.index_cast %add3A_442 : i32 to index
          %get3A_444 = arith.constant 0 : index
          %get3A_445 = tpu.vector_load %arg11[%get3A_443, %get3A_444] {strides = array<i32>} : memref<800x16xf32, #tpu.memory_space<vmem>>, vector<1x16xf32>,
          %get3A_446 = vector.shape_cast %get3A_445 : vector<1x16xf32> to vector<16xf32>
          %broadcast_in_dim3A_447 = vector.shape_cast %broadcast_in_dim3A_54 : vector<16xi32> to vector<16x1xi32>
          %gather3A_448 = vector.shape_cast %broadcast_in_dim3A_447 : vector<16x1xi32> to vector<16xi32>
          %gather3A_449 = tpu.dynamic_gather %get3A_219[%gather3A_448] in [0] : vector<16xf32>, vector<16xi32> -> vector<16xf32>
          %mul3A_450 = arith.mulf %get3A_446, %gather3A_449 : vector<16xf32>
          %swap3A_451 = arith.index_cast %add3A_442 : i32 to index
          %swap3A_452 = arith.constant 0 : index
          %swap3A_453 = tpu.vector_load %arg11[%swap3A_451, %swap3A_452] {strides = array<i32>} : memref<800x16xf32, #tpu.memory_space<vmem>>, vector<1x16xf32>,
          %swap3A_454 = vector.shape_cast %swap3A_453 : vector<1x16xf32> to vector<16xf32>
          %swap3A_455 = vector.shape_cast %mul3A_450 : vector<16xf32> to vector<1x16xf32>
          tpu.vector_store %arg11[%swap3A_451, %swap3A_452], %swap3A_455 {strides = array<i32>} : memref<800x16xf32, #tpu.memory_space<vmem>>, vector<1x16xf32>,
          %mul3A_456 = arith.constant 16 : i32
          %mul3A_457 = arith.muli %scan3A_215, %mul3A_456 : i32
          %add3A_458 = arith.constant 14 : i32
          %add3A_459 = arith.addi %mul3A_457, %add3A_458 : i32
          %get3A_460 = arith.index_cast %add3A_459 : i32 to index
          %get3A_461 = arith.constant 0 : index
          %get3A_462 = tpu.vector_load %arg11[%get3A_460, %get3A_461] {strides = array<i32>} : memref<800x16xf32, #tpu.memory_space<vmem>>, vector<1x16xf32>,
          %get3A_463 = vector.shape_cast %get3A_462 : vector<1x16xf32> to vector<16xf32>
          %broadcast_in_dim3A_464 = vector.shape_cast %broadcast_in_dim3A_56 : vector<16xi32> to vector<16x1xi32>
          %gather3A_465 = vector.shape_cast %broadcast_in_dim3A_464 : vector<16x1xi32> to vector<16xi32>
          %gather3A_466 = tpu.dynamic_gather %get3A_219[%gather3A_465] in [0] : vector<16xf32>, vector<16xi32> -> vector<16xf32>
          %mul3A_467 = arith.mulf %get3A_463, %gather3A_466 : vector<16xf32>
          %swap3A_468 = arith.index_cast %add3A_459 : i32 to index
          %swap3A_469 = arith.constant 0 : index
          %swap3A_470 = tpu.vector_load %arg11[%swap3A_468, %swap3A_469] {strides = array<i32>} : memref<800x16xf32, #tpu.memory_space<vmem>>, vector<1x16xf32>,
          %swap3A_471 = vector.shape_cast %swap3A_470 : vector<1x16xf32> to vector<16xf32>
          %swap3A_472 = vector.shape_cast %mul3A_467 : vector<16xf32> to vector<1x16xf32>
          tpu.vector_store %arg11[%swap3A_468, %swap3A_469], %swap3A_472 {strides = array<i32>} : memref<800x16xf32, #tpu.memory_space<vmem>>, vector<1x16xf32>,
          %mul3A_473 = arith.constant 16 : i32
          %mul3A_474 = arith.muli %scan3A_215, %mul3A_473 : i32
          %add3A_475 = arith.constant 15 : i32
          %add3A_476 = arith.addi %mul3A_474, %add3A_475 : i32
          %get3A_477 = arith.index_cast %add3A_476 : i32 to index
          %get3A_478 = arith.constant 0 : index
          %get3A_479 = tpu.vector_load %arg11[%get3A_477, %get3A_478] {strides = array<i32>} : memref<800x16xf32, #tpu.memory_space<vmem>>, vector<1x16xf32>,
          %get3A_480 = vector.shape_cast %get3A_479 : vector<1x16xf32> to vector<16xf32>
          %broadcast_in_dim3A_481 = vector.shape_cast %broadcast_in_dim3A_58 : vector<16xi32> to vector<16x1xi32>
          %gather3A_482 = vector.shape_cast %broadcast_in_dim3A_481 : vector<16x1xi32> to vector<16xi32>
          %gather3A_483 = tpu.dynamic_gather %get3A_219[%gather3A_482] in [0] : vector<16xf32>, vector<16xi32> -> vector<16xf32>
          %mul3A_484 = arith.mulf %get3A_480, %gather3A_483 : vector<16xf32>
          %swap3A_485 = arith.index_cast %add3A_476 : i32 to index
          %swap3A_486 = arith.constant 0 : index
          %swap3A_487 = tpu.vector_load %arg11[%swap3A_485, %swap3A_486] {strides = array<i32>} : memref<800x16xf32, #tpu.memory_space<vmem>>, vector<1x16xf32>,
          %swap3A_488 = vector.shape_cast %swap3A_487 : vector<1x16xf32> to vector<16xf32>
          %swap3A_489 = vector.shape_cast %mul3A_484 : vector<16xf32> to vector<1x16xf32>
          tpu.vector_store %arg11[%swap3A_485, %swap3A_486], %swap3A_489 {strides = array<i32>} : memref<800x16xf32, #tpu.memory_space<vmem>>, vector<1x16xf32>,
        }
        %scan3A_204 = arith.constant 50 : i32
        %dma_start3A_205 = arith.constant 0 : i32
        %dma_start3A_206 = arith.constant 0 : i32
        %dma_start3A_207 = tpu.memref_slice %arg7[%dma_start3A_205, %dma_start3A_206] : memref<100352x16xf32, #tpu.memory_space<vmem_shared>> -> memref<100352x16xf32, #tpu.memory_space<vmem_shared>>
        tpu.enqueue_indirect_dma source(%arg11 : memref<800x16xf32, #tpu.memory_space<vmem>>) target(%dma_start3A_207 : memref<100352x16xf32, #tpu.memory_space<vmem_shared>>) offsets(%arg9 : memref<800xi32, #tpu.memory_space<vmem>>) semaphore(%arg15 : memref<!tpu.dma_semaphore, #tpu.memory_space<semaphore_mem>>) {add = true}
        %add3A_208 = arith.constant 2 : i32
        %add3A_209 = arith.addi %mul3A_111, %add3A_208 : i32
        %lt3A_210 = arith.constant 125 : i32
        %lt3A_211 = arith.cmpi slt, %add3A_209, %lt3A_210 : i32
        %convert_element_type3A_212 = arith.extui %lt3A_211 : i1 to i32
        %cond3A_213 = arith.constant 0 : i32
        %cond3A_214 = arith.cmpi ne, %convert_element_type3A_212, %cond3A_213 : i32
        scf.if %cond3A_214 {
          %add3A_215 = arith.constant 2 : i32
          %add3A_216 = arith.addi %mul3A_111, %add3A_215 : i32
          %mul3A_217 = arith.constant 800 : i32
          %mul3A_218 = arith.muli %add3A_216, %mul3A_217 : i32
          %add3A_219 = arith.addi %mul3A_2, %mul3A_218 : i32
          %dma_start3A_220 = tpu.memref_slice %arg3[%add3A_219] : memref<3200000xi32, #tpu.memory_space<hbm>> -> memref<800xi32, #tpu.memory_space<hbm>>
          %dma_start3A_221 = tpu.memref_slice %arg3[%add3A_219] : memref<3200000xi32, #tpu.memory_space<hbm>> -> memref<800xi32, #tpu.memory_space<hbm>>
          tpu.enqueue_dma source(%dma_start3A_221 : memref<800xi32, #tpu.memory_space<hbm>>) target(%arg8 : memref<800xi32, #tpu.memory_space<vmem>>) target_semaphore(%arg12 : memref<!tpu.dma_semaphore, #tpu.memory_space<semaphore_mem>>)
        } else {
        }
      } else {
      }
      %add3A_118 = arith.constant 1 : i32
      %add3A_119 = arith.addi %mul3A_111, %add3A_118 : i32
      %dma_wait3A_120 = arith.constant 0 : i32
      %dma_wait3A_121 = arith.constant 0 : i32
      %dma_wait3A_122 = tpu.memref_slice %arg2[%dma_wait3A_120, %dma_wait3A_121] : memref<100000x16xf32, #tpu.memory_space<hbm>> -> memref<100000x16xf32, #tpu.memory_space<hbm>>
      tpu.wait_indirect_dma semaphore(%arg22 : memref<!tpu.dma_semaphore, #tpu.memory_space<semaphore_mem>>) src(%dma_wait3A_122 : memref<100000x16xf32, #tpu.memory_space<hbm>>) dst(%arg19 : memref<800x16xf32, #tpu.memory_space<vmem>>)
      %add3A_123 = arith.constant 1 : i32
      %add3A_124 = arith.addi %add3A_119, %add3A_123 : i32
      %mul3A_125 = arith.constant 800 : i32
      %mul3A_126 = arith.muli %add3A_124, %mul3A_125 : i32
      %add3A_127 = arith.addi %mul3A_2, %mul3A_126 : i32
      %dma_wait3A_128 = tpu.memref_slice %arg3[%add3A_127] : memref<3200000xi32, #tpu.memory_space<hbm>> -> memref<800xi32, #tpu.memory_space<hbm>>
      %dma_wait3A_129 = tpu.memref_slice %arg3[%add3A_127] : memref<3200000xi32, #tpu.memory_space<hbm>> -> memref<800xi32, #tpu.memory_space<hbm>>
      tpu.wait_dma2 semaphore(%arg12 : memref<!tpu.dma_semaphore, #tpu.memory_space<semaphore_mem>>) src(%dma_wait3A_129 : memref<800xi32, #tpu.memory_space<hbm>>) dst(%arg8 : memref<800xi32, #tpu.memory_space<vmem>>)
      %dma_wait3A_130 = arith.constant 0 : i32
      %dma_wait3A_131 = arith.constant 0 : i32
      %dma_wait3A_132 = tpu.memref_slice %arg7[%dma_wait3A_130, %dma_wait3A_131] : memref<100352x16xf32, #tpu.memory_space<vmem_shared>> -> memref<100352x16xf32, #tpu.memory_space<vmem_shared>>
      tpu.wait_indirect_dma semaphore(%arg15 : memref<!tpu.dma_semaphore, #tpu.memory_space<semaphore_mem>>) src(%arg11 : memref<800x16xf32, #tpu.memory_space<vmem>>) dst(%dma_wait3A_132 : memref<100352x16xf32, #tpu.memory_space<vmem_shared>>)
      %dma_start3A_133 = arith.constant 0 : i32
      %dma_start3A_134 = arith.constant 0 : i32
      %dma_start3A_135 = tpu.memref_slice %arg2[%dma_start3A_133, %dma_start3A_134] : memref<100000x16xf32, #tpu.memory_space<hbm>> -> memref<100000x16xf32, #tpu.memory_space<hbm>>
      tpu.enqueue_indirect_dma source(%dma_start3A_135 : memref<100000x16xf32, #tpu.memory_space<hbm>>) target(%arg11 : memref<800x16xf32, #tpu.memory_space<vmem>>) offsets(%arg8 : memref<800xi32, #tpu.memory_space<vmem>>) semaphore(%arg14 : memref<!tpu.dma_semaphore, #tpu.memory_space<semaphore_mem>>)
      %add3A_136 = arith.constant 1 : i32
      %add3A_137 = arith.addi %add3A_119, %add3A_136 : i32
      %mul3A_138 = arith.constant 800 : i32
      %mul3A_139 = arith.muli %add3A_137, %mul3A_138 : i32
      %add3A_140 = arith.addi %mul3A_2, %mul3A_139 : i32
      %dma_start3A_141 = tpu.memref_slice %arg4[%add3A_140] : memref<3200000xi32, #tpu.memory_space<hbm>> -> memref<800xi32, #tpu.memory_space<hbm>>
      %dma_start3A_142 = tpu.memref_slice %arg4[%add3A_140] : memref<3200000xi32, #tpu.memory_space<hbm>> -> memref<800xi32, #tpu.memory_space<hbm>>
      tpu.enqueue_dma source(%dma_start3A_142 : memref<800xi32, #tpu.memory_space<hbm>>) target(%arg9 : memref<800xi32, #tpu.memory_space<vmem>>) target_semaphore(%arg13 : memref<!tpu.dma_semaphore, #tpu.memory_space<semaphore_mem>>)
      %dma_start3A_143 = tpu.memref_slice %arg5[%add3A_140] : memref<3200000xf32, #tpu.memory_space<hbm>> -> memref<800xf32, #tpu.memory_space<hbm>>
      %dma_start3A_144 = tpu.memref_slice %arg5[%add3A_140] : memref<3200000xf32, #tpu.memory_space<hbm>> -> memref<800xf32, #tpu.memory_space<hbm>>
      tpu.enqueue_dma source(%dma_start3A_144 : memref<800xf32, #tpu.memory_space<hbm>>) target(%arg10 : memref<800xf32, #tpu.memory_space<vmem>>) target_semaphore(%arg13 : memref<!tpu.dma_semaphore, #tpu.memory_space<semaphore_mem>>)
      %mul3A_145 = arith.constant 800 : i32
      %mul3A_146 = arith.muli %add3A_119, %mul3A_145 : i32
      %add3A_147 = arith.addi %mul3A_2, %mul3A_146 : i32
      %dma_wait3A_148 = tpu.memref_slice %arg4[%add3A_147] : memref<3200000xi32, #tpu.memory_space<hbm>> -> memref<800xi32, #tpu.memory_space<hbm>>
      %dma_wait3A_149 = tpu.memref_slice %arg4[%add3A_147] : memref<3200000xi32, #tpu.memory_space<hbm>> -> memref<800xi32, #tpu.memory_space<hbm>>
      tpu.wait_dma2 semaphore(%arg21 : memref<!tpu.dma_semaphore, #tpu.memory_space<semaphore_mem>>) src(%dma_wait3A_149 : memref<800xi32, #tpu.memory_space<hbm>>) dst(%arg17 : memref<800xi32, #tpu.memory_space<vmem>>)
      %dma_wait3A_150 = tpu.memref_slice %arg5[%add3A_147] : memref<3200000xf32, #tpu.memory_space<hbm>> -> memref<800xf32, #tpu.memory_space<hbm>>
      %dma_wait3A_151 = tpu.memref_slice %arg5[%add3A_147] : memref<3200000xf32, #tpu.memory_space<hbm>> -> memref<800xf32, #tpu.memory_space<hbm>>
      tpu.wait_dma2 semaphore(%arg21 : memref<!tpu.dma_semaphore, #tpu.memory_space<semaphore_mem>>) src(%dma_wait3A_151 : memref<800xf32, #tpu.memory_space<hbm>>) dst(%arg18 : memref<800xf32, #tpu.memory_space<vmem>>)
      %scan3A_152 = arith.constant 0 : i32
      %scan3A_153 = arith.constant 0 : i32
      %scan3A_154 = arith.constant 50 : i32
      %scan3A_155 = arith.addi %scan3A_153, %scan3A_154 : i32
      %scan3A_156 = arith.constant 1 : i32
      scf.for %scan3A_167 = %scan3A_153 to %scan3A_155 step %scan3A_156  : i32 {
        %mul3A_168 = arith.constant 16 : i32
        %mul3A_169 = arith.muli %scan3A_167, %mul3A_168 : i32
        %get3A = arith.index_cast %mul3A_169 : i32 to index
        %get3A_170 = tpu.vector_load %arg18[%get3A] {strides = array<i32>} : memref<800xf32, #tpu.memory_space<vmem>>, vector<16xf32>,
        %get3A_171 = vector.shape_cast %get3A_170 : vector<16xf32> to vector<16xf32>
        %mul3A_172 = arith.constant 16 : i32
        %mul3A_173 = arith.muli %scan3A_167, %mul3A_172 : i32
        %add3A_174 = arith.constant 0 : i32
        %add3A_175 = arith.addi %mul3A_173, %add3A_174 : i32
        %get3A_176 = arith.index_cast %add3A_175 : i32 to index
        %get3A_177 = arith.constant 0 : index
        %get3A_178 = tpu.vector_load %arg19[%get3A_176, %get3A_177] {strides = array<i32>} : memref<800x16xf32, #tpu.memory_space<vmem>>, vector<1x16xf32>,
        %get3A_179 = vector.shape_cast %get3A_178 : vector<1x16xf32> to vector<16xf32>
        %broadcast_in_dim3A_180 = vector.shape_cast %broadcast_in_dim3A_28 : vector<16xi32> to vector<16x1xi32>
        %gather3A = vector.shape_cast %broadcast_in_dim3A_180 : vector<16x1xi32> to vector<16xi32>
        %gather3A_181 = tpu.dynamic_gather %get3A_171[%gather3A] in [0] : vector<16xf32>, vector<16xi32> -> vector<16xf32>
        %mul3A_182 = arith.mulf %get3A_179, %gather3A_181 : vector<16xf32>
        %swap3A = arith.index_cast %add3A_175 : i32 to index
        %swap3A_183 = arith.constant 0 : index
        %swap3A_184 = tpu.vector_load %arg19[%swap3A, %swap3A_183] {strides = array<i32>} : memref<800x16xf32, #tpu.memory_space<vmem>>, vector<1x16xf32>,
        %swap3A_185 = vector.shape_cast %swap3A_184 : vector<1x16xf32> to vector<16xf32>
        %swap3A_186 = vector.shape_cast %mul3A_182 : vector<16xf32> to vector<1x16xf32>
        tpu.vector_store %arg19[%swap3A, %swap3A_183], %swap3A_186 {strides = array<i32>} : memref<800x16xf32, #tpu.memory_space<vmem>>, vector<1x16xf32>,
        %mul3A_187 = arith.constant 16 : i32
        %mul3A_188 = arith.muli %scan3A_167, %mul3A_187 : i32
        %add3A_189 = arith.constant 1 : i32
        %add3A_190 = arith.addi %mul3A_188, %add3A_189 : i32
        %get3A_191 = arith.index_cast %add3A_190 : i32 to index
        %get3A_192 = arith.constant 0 : index
        %get3A_193 = tpu.vector_load %arg19[%get3A_191, %get3A_192] {strides = array<i32>} : memref<800x16xf32, #tpu.memory_space<vmem>>, vector<1x16xf32>,
        %get3A_194 = vector.shape_cast %get3A_193 : vector<1x16xf32> to vector<16xf32>
        %broadcast_in_dim3A_195 = vector.shape_cast %broadcast_in_dim3A_30 : vector<16xi32> to vector<16x1xi32>
        %gather3A_196 = vector.shape_cast %broadcast_in_dim3A_195 : vector<16x1xi32> to vector<16xi32>
        %gather3A_197 = tpu.dynamic_gather %get3A_171[%gather3A_196] in [0] : vector<16xf32>, vector<16xi32> -> vector<16xf32>
        %mul3A_198 = arith.mulf %get3A_194, %gather3A_197 : vector<16xf32>
        %swap3A_199 = arith.index_cast %add3A_190 : i32 to index
        %swap3A_200 = arith.constant 0 : index
        %swap3A_201 = tpu.vector_load %arg19[%swap3A_199, %swap3A_200] {strides = array<i32>} : memref<800x16xf32, #tpu.memory_space<vmem>>, vector<1x16xf32>,
        %swap3A_202 = vector.shape_cast %swap3A_201 : vector<1x16xf32> to vector<16xf32>
        %swap3A_203 = vector.shape_cast %mul3A_198 : vector<16xf32> to vector<1x16xf32>
        tpu.vector_store %arg19[%swap3A_199, %swap3A_200], %swap3A_203 {strides = array<i32>} : memref<800x16xf32, #tpu.memory_space<vmem>>, vector<1x16xf32>,
        %mul3A_204 = arith.constant 16 : i32
        %mul3A_205 = arith.muli %scan3A_167, %mul3A_204 : i32
        %add3A_206 = arith.constant 2 : i32
        %add3A_207 = arith.addi %mul3A_205, %add3A_206 : i32
        %get3A_208 = arith.index_cast %add3A_207 : i32 to index
        %get3A_209 = arith.constant 0 : index
        %get3A_210 = tpu.vector_load %arg19[%get3A_208, %get3A_209] {strides = array<i32>} : memref<800x16xf32, #tpu.memory_space<vmem>>, vector<1x16xf32>,
        %get3A_211 = vector.shape_cast %get3A_210 : vector<1x16xf32> to vector<16xf32>
        %broadcast_in_dim3A_212 = vector.shape_cast %broadcast_in_dim3A_32 : vector<16xi32> to vector<16x1xi32>
        %gather3A_213 = vector.shape_cast %broadcast_in_dim3A_212 : vector<16x1xi32> to vector<16xi32>
        %gather3A_214 = tpu.dynamic_gather %get3A_171[%gather3A_213] in [0] : vector<16xf32>, vector<16xi32> -> vector<16xf32>
        %mul3A_215 = arith.mulf %get3A_211, %gather3A_214 : vector<16xf32>
        %swap3A_216 = arith.index_cast %add3A_207 : i32 to index
        %swap3A_217 = arith.constant 0 : index
        %swap3A_218 = tpu.vector_load %arg19[%swap3A_216, %swap3A_217] {strides = array<i32>} : memref<800x16xf32, #tpu.memory_space<vmem>>, vector<1x16xf32>,
        %swap3A_219 = vector.shape_cast %swap3A_218 : vector<1x16xf32> to vector<16xf32>
        %swap3A_220 = vector.shape_cast %mul3A_215 : vector<16xf32> to vector<1x16xf32>
        tpu.vector_store %arg19[%swap3A_216, %swap3A_217], %swap3A_220 {strides = array<i32>} : memref<800x16xf32, #tpu.memory_space<vmem>>, vector<1x16xf32>,
        %mul3A_221 = arith.constant 16 : i32
        %mul3A_222 = arith.muli %scan3A_167, %mul3A_221 : i32
        %add3A_223 = arith.constant 3 : i32
        %add3A_224 = arith.addi %mul3A_222, %add3A_223 : i32
        %get3A_225 = arith.index_cast %add3A_224 : i32 to index
        %get3A_226 = arith.constant 0 : index
        %get3A_227 = tpu.vector_load %arg19[%get3A_225, %get3A_226] {strides = array<i32>} : memref<800x16xf32, #tpu.memory_space<vmem>>, vector<1x16xf32>,
        %get3A_228 = vector.shape_cast %get3A_227 : vector<1x16xf32> to vector<16xf32>
        %broadcast_in_dim3A_229 = vector.shape_cast %broadcast_in_dim3A_34 : vector<16xi32> to vector<16x1xi32>
        %gather3A_230 = vector.shape_cast %broadcast_in_dim3A_229 : vector<16x1xi32> to vector<16xi32>
        %gather3A_231 = tpu.dynamic_gather %get3A_171[%gather3A_230] in [0] : vector<16xf32>, vector<16xi32> -> vector<16xf32>
        %mul3A_232 = arith.mulf %get3A_228, %gather3A_231 : vector<16xf32>
        %swap3A_233 = arith.index_cast %add3A_224 : i32 to index
        %swap3A_234 = arith.constant 0 : index
        %swap3A_235 = tpu.vector_load %arg19[%swap3A_233, %swap3A_234] {strides = array<i32>} : memref<800x16xf32, #tpu.memory_space<vmem>>, vector<1x16xf32>,
        %swap3A_236 = vector.shape_cast %swap3A_235 : vector<1x16xf32> to vector<16xf32>
        %swap3A_237 = vector.shape_cast %mul3A_232 : vector<16xf32> to vector<1x16xf32>
        tpu.vector_store %arg19[%swap3A_233, %swap3A_234], %swap3A_237 {strides = array<i32>} : memref<800x16xf32, #tpu.memory_space<vmem>>, vector<1x16xf32>,
        %mul3A_238 = arith.constant 16 : i32
        %mul3A_239 = arith.muli %scan3A_167, %mul3A_238 : i32
        %add3A_240 = arith.constant 4 : i32
        %add3A_241 = arith.addi %mul3A_239, %add3A_240 : i32
        %get3A_242 = arith.index_cast %add3A_241 : i32 to index
        %get3A_243 = arith.constant 0 : index
        %get3A_244 = tpu.vector_load %arg19[%get3A_242, %get3A_243] {strides = array<i32>} : memref<800x16xf32, #tpu.memory_space<vmem>>, vector<1x16xf32>,
        %get3A_245 = vector.shape_cast %get3A_244 : vector<1x16xf32> to vector<16xf32>
        %broadcast_in_dim3A_246 = vector.shape_cast %broadcast_in_dim3A_36 : vector<16xi32> to vector<16x1xi32>
        %gather3A_247 = vector.shape_cast %broadcast_in_dim3A_246 : vector<16x1xi32> to vector<16xi32>
        %gather3A_248 = tpu.dynamic_gather %get3A_171[%gather3A_247] in [0] : vector<16xf32>, vector<16xi32> -> vector<16xf32>
        %mul3A_249 = arith.mulf %get3A_245, %gather3A_248 : vector<16xf32>
        %swap3A_250 = arith.index_cast %add3A_241 : i32 to index
        %swap3A_251 = arith.constant 0 : index
        %swap3A_252 = tpu.vector_load %arg19[%swap3A_250, %swap3A_251] {strides = array<i32>} : memref<800x16xf32, #tpu.memory_space<vmem>>, vector<1x16xf32>,
        %swap3A_253 = vector.shape_cast %swap3A_252 : vector<1x16xf32> to vector<16xf32>
        %swap3A_254 = vector.shape_cast %mul3A_249 : vector<16xf32> to vector<1x16xf32>
        tpu.vector_store %arg19[%swap3A_250, %swap3A_251], %swap3A_254 {strides = array<i32>} : memref<800x16xf32, #tpu.memory_space<vmem>>, vector<1x16xf32>,
        %mul3A_255 = arith.constant 16 : i32
        %mul3A_256 = arith.muli %scan3A_167, %mul3A_255 : i32
        %add3A_257 = arith.constant 5 : i32
        %add3A_258 = arith.addi %mul3A_256, %add3A_257 : i32
        %get3A_259 = arith.index_cast %add3A_258 : i32 to index
        %get3A_260 = arith.constant 0 : index
        %get3A_261 = tpu.vector_load %arg19[%get3A_259, %get3A_260] {strides = array<i32>} : memref<800x16xf32, #tpu.memory_space<vmem>>, vector<1x16xf32>,
        %get3A_262 = vector.shape_cast %get3A_261 : vector<1x16xf32> to vector<16xf32>
        %broadcast_in_dim3A_263 = vector.shape_cast %broadcast_in_dim3A_38 : vector<16xi32> to vector<16x1xi32>
        %gather3A_264 = vector.shape_cast %broadcast_in_dim3A_263 : vector<16x1xi32> to vector<16xi32>
        %gather3A_265 = tpu.dynamic_gather %get3A_171[%gather3A_264] in [0] : vector<16xf32>, vector<16xi32> -> vector<16xf32>
        %mul3A_266 = arith.mulf %get3A_262, %gather3A_265 : vector<16xf32>
        %swap3A_267 = arith.index_cast %add3A_258 : i32 to index
        %swap3A_268 = arith.constant 0 : index
        %swap3A_269 = tpu.vector_load %arg19[%swap3A_267, %swap3A_268] {strides = array<i32>} : memref<800x16xf32, #tpu.memory_space<vmem>>, vector<1x16xf32>,
        %swap3A_270 = vector.shape_cast %swap3A_269 : vector<1x16xf32> to vector<16xf32>
        %swap3A_271 = vector.shape_cast %mul3A_266 : vector<16xf32> to vector<1x16xf32>
        tpu.vector_store %arg19[%swap3A_267, %swap3A_268], %swap3A_271 {strides = array<i32>} : memref<800x16xf32, #tpu.memory_space<vmem>>, vector<1x16xf32>,
        %mul3A_272 = arith.constant 16 : i32
        %mul3A_273 = arith.muli %scan3A_167, %mul3A_272 : i32
        %add3A_274 = arith.constant 6 : i32
        %add3A_275 = arith.addi %mul3A_273, %add3A_274 : i32
        %get3A_276 = arith.index_cast %add3A_275 : i32 to index
        %get3A_277 = arith.constant 0 : index
        %get3A_278 = tpu.vector_load %arg19[%get3A_276, %get3A_277] {strides = array<i32>} : memref<800x16xf32, #tpu.memory_space<vmem>>, vector<1x16xf32>,
        %get3A_279 = vector.shape_cast %get3A_278 : vector<1x16xf32> to vector<16xf32>
        %broadcast_in_dim3A_280 = vector.shape_cast %broadcast_in_dim3A_40 : vector<16xi32> to vector<16x1xi32>
        %gather3A_281 = vector.shape_cast %broadcast_in_dim3A_280 : vector<16x1xi32> to vector<16xi32>
        %gather3A_282 = tpu.dynamic_gather %get3A_171[%gather3A_281] in [0] : vector<16xf32>, vector<16xi32> -> vector<16xf32>
        %mul3A_283 = arith.mulf %get3A_279, %gather3A_282 : vector<16xf32>
        %swap3A_284 = arith.index_cast %add3A_275 : i32 to index
        %swap3A_285 = arith.constant 0 : index
        %swap3A_286 = tpu.vector_load %arg19[%swap3A_284, %swap3A_285] {strides = array<i32>} : memref<800x16xf32, #tpu.memory_space<vmem>>, vector<1x16xf32>,
        %swap3A_287 = vector.shape_cast %swap3A_286 : vector<1x16xf32> to vector<16xf32>
        %swap3A_288 = vector.shape_cast %mul3A_283 : vector<16xf32> to vector<1x16xf32>
        tpu.vector_store %arg19[%swap3A_284, %swap3A_285], %swap3A_288 {strides = array<i32>} : memref<800x16xf32, #tpu.memory_space<vmem>>, vector<1x16xf32>,
        %mul3A_289 = arith.constant 16 : i32
        %mul3A_290 = arith.muli %scan3A_167, %mul3A_289 : i32
        %add3A_291 = arith.constant 7 : i32
        %add3A_292 = arith.addi %mul3A_290, %add3A_291 : i32
        %get3A_293 = arith.index_cast %add3A_292 : i32 to index
        %get3A_294 = arith.constant 0 : index
        %get3A_295 = tpu.vector_load %arg19[%get3A_293, %get3A_294] {strides = array<i32>} : memref<800x16xf32, #tpu.memory_space<vmem>>, vector<1x16xf32>,
        %get3A_296 = vector.shape_cast %get3A_295 : vector<1x16xf32> to vector<16xf32>
        %broadcast_in_dim3A_297 = vector.shape_cast %broadcast_in_dim3A_42 : vector<16xi32> to vector<16x1xi32>
        %gather3A_298 = vector.shape_cast %broadcast_in_dim3A_297 : vector<16x1xi32> to vector<16xi32>
        %gather3A_299 = tpu.dynamic_gather %get3A_171[%gather3A_298] in [0] : vector<16xf32>, vector<16xi32> -> vector<16xf32>
        %mul3A_300 = arith.mulf %get3A_296, %gather3A_299 : vector<16xf32>
        %swap3A_301 = arith.index_cast %add3A_292 : i32 to index
        %swap3A_302 = arith.constant 0 : index
        %swap3A_303 = tpu.vector_load %arg19[%swap3A_301, %swap3A_302] {strides = array<i32>} : memref<800x16xf32, #tpu.memory_space<vmem>>, vector<1x16xf32>,
        %swap3A_304 = vector.shape_cast %swap3A_303 : vector<1x16xf32> to vector<16xf32>
        %swap3A_305 = vector.shape_cast %mul3A_300 : vector<16xf32> to vector<1x16xf32>
        tpu.vector_store %arg19[%swap3A_301, %swap3A_302], %swap3A_305 {strides = array<i32>} : memref<800x16xf32, #tpu.memory_space<vmem>>, vector<1x16xf32>,
        %mul3A_306 = arith.constant 16 : i32
        %mul3A_307 = arith.muli %scan3A_167, %mul3A_306 : i32
        %add3A_308 = arith.constant 8 : i32
        %add3A_309 = arith.addi %mul3A_307, %add3A_308 : i32
        %get3A_310 = arith.index_cast %add3A_309 : i32 to index
        %get3A_311 = arith.constant 0 : index
        %get3A_312 = tpu.vector_load %arg19[%get3A_310, %get3A_311] {strides = array<i32>} : memref<800x16xf32, #tpu.memory_space<vmem>>, vector<1x16xf32>,
        %get3A_313 = vector.shape_cast %get3A_312 : vector<1x16xf32> to vector<16xf32>
        %broadcast_in_dim3A_314 = vector.shape_cast %broadcast_in_dim3A_44 : vector<16xi32> to vector<16x1xi32>
        %gather3A_315 = vector.shape_cast %broadcast_in_dim3A_314 : vector<16x1xi32> to vector<16xi32>
        %gather3A_316 = tpu.dynamic_gather %get3A_171[%gather3A_315] in [0] : vector<16xf32>, vector<16xi32> -> vector<16xf32>
        %mul3A_317 = arith.mulf %get3A_313, %gather3A_316 : vector<16xf32>
        %swap3A_318 = arith.index_cast %add3A_309 : i32 to index
        %swap3A_319 = arith.constant 0 : index
        %swap3A_320 = tpu.vector_load %arg19[%swap3A_318, %swap3A_319] {strides = array<i32>} : memref<800x16xf32, #tpu.memory_space<vmem>>, vector<1x16xf32>,
        %swap3A_321 = vector.shape_cast %swap3A_320 : vector<1x16xf32> to vector<16xf32>
        %swap3A_322 = vector.shape_cast %mul3A_317 : vector<16xf32> to vector<1x16xf32>
        tpu.vector_store %arg19[%swap3A_318, %swap3A_319], %swap3A_322 {strides = array<i32>} : memref<800x16xf32, #tpu.memory_space<vmem>>, vector<1x16xf32>,
        %mul3A_323 = arith.constant 16 : i32
        %mul3A_324 = arith.muli %scan3A_167, %mul3A_323 : i32
        %add3A_325 = arith.constant 9 : i32
        %add3A_326 = arith.addi %mul3A_324, %add3A_325 : i32
        %get3A_327 = arith.index_cast %add3A_326 : i32 to index
        %get3A_328 = arith.constant 0 : index
        %get3A_329 = tpu.vector_load %arg19[%get3A_327, %get3A_328] {strides = array<i32>} : memref<800x16xf32, #tpu.memory_space<vmem>>, vector<1x16xf32>,
        %get3A_330 = vector.shape_cast %get3A_329 : vector<1x16xf32> to vector<16xf32>
        %broadcast_in_dim3A_331 = vector.shape_cast %broadcast_in_dim3A_46 : vector<16xi32> to vector<16x1xi32>
        %gather3A_332 = vector.shape_cast %broadcast_in_dim3A_331 : vector<16x1xi32> to vector<16xi32>
        %gather3A_333 = tpu.dynamic_gather %get3A_171[%gather3A_332] in [0] : vector<16xf32>, vector<16xi32> -> vector<16xf32>
        %mul3A_334 = arith.mulf %get3A_330, %gather3A_333 : vector<16xf32>
        %swap3A_335 = arith.index_cast %add3A_326 : i32 to index
        %swap3A_336 = arith.constant 0 : index
        %swap3A_337 = tpu.vector_load %arg19[%swap3A_335, %swap3A_336] {strides = array<i32>} : memref<800x16xf32, #tpu.memory_space<vmem>>, vector<1x16xf32>,
        %swap3A_338 = vector.shape_cast %swap3A_337 : vector<1x16xf32> to vector<16xf32>
        %swap3A_339 = vector.shape_cast %mul3A_334 : vector<16xf32> to vector<1x16xf32>
        tpu.vector_store %arg19[%swap3A_335, %swap3A_336], %swap3A_339 {strides = array<i32>} : memref<800x16xf32, #tpu.memory_space<vmem>>, vector<1x16xf32>,
        %mul3A_340 = arith.constant 16 : i32
        %mul3A_341 = arith.muli %scan3A_167, %mul3A_340 : i32
        %add3A_342 = arith.constant 10 : i32
        %add3A_343 = arith.addi %mul3A_341, %add3A_342 : i32
        %get3A_344 = arith.index_cast %add3A_343 : i32 to index
        %get3A_345 = arith.constant 0 : index
        %get3A_346 = tpu.vector_load %arg19[%get3A_344, %get3A_345] {strides = array<i32>} : memref<800x16xf32, #tpu.memory_space<vmem>>, vector<1x16xf32>,
        %get3A_347 = vector.shape_cast %get3A_346 : vector<1x16xf32> to vector<16xf32>
        %broadcast_in_dim3A_348 = vector.shape_cast %broadcast_in_dim3A_48 : vector<16xi32> to vector<16x1xi32>
        %gather3A_349 = vector.shape_cast %broadcast_in_dim3A_348 : vector<16x1xi32> to vector<16xi32>
        %gather3A_350 = tpu.dynamic_gather %get3A_171[%gather3A_349] in [0] : vector<16xf32>, vector<16xi32> -> vector<16xf32>
        %mul3A_351 = arith.mulf %get3A_347, %gather3A_350 : vector<16xf32>
        %swap3A_352 = arith.index_cast %add3A_343 : i32 to index
        %swap3A_353 = arith.constant 0 : index
        %swap3A_354 = tpu.vector_load %arg19[%swap3A_352, %swap3A_353] {strides = array<i32>} : memref<800x16xf32, #tpu.memory_space<vmem>>, vector<1x16xf32>,
        %swap3A_355 = vector.shape_cast %swap3A_354 : vector<1x16xf32> to vector<16xf32>
        %swap3A_356 = vector.shape_cast %mul3A_351 : vector<16xf32> to vector<1x16xf32>
        tpu.vector_store %arg19[%swap3A_352, %swap3A_353], %swap3A_356 {strides = array<i32>} : memref<800x16xf32, #tpu.memory_space<vmem>>, vector<1x16xf32>,
        %mul3A_357 = arith.constant 16 : i32
        %mul3A_358 = arith.muli %scan3A_167, %mul3A_357 : i32
        %add3A_359 = arith.constant 11 : i32
        %add3A_360 = arith.addi %mul3A_358, %add3A_359 : i32
        %get3A_361 = arith.index_cast %add3A_360 : i32 to index
        %get3A_362 = arith.constant 0 : index
        %get3A_363 = tpu.vector_load %arg19[%get3A_361, %get3A_362] {strides = array<i32>} : memref<800x16xf32, #tpu.memory_space<vmem>>, vector<1x16xf32>,
        %get3A_364 = vector.shape_cast %get3A_363 : vector<1x16xf32> to vector<16xf32>
        %broadcast_in_dim3A_365 = vector.shape_cast %broadcast_in_dim3A_50 : vector<16xi32> to vector<16x1xi32>
        %gather3A_366 = vector.shape_cast %broadcast_in_dim3A_365 : vector<16x1xi32> to vector<16xi32>
        %gather3A_367 = tpu.dynamic_gather %get3A_171[%gather3A_366] in [0] : vector<16xf32>, vector<16xi32> -> vector<16xf32>
        %mul3A_368 = arith.mulf %get3A_364, %gather3A_367 : vector<16xf32>
        %swap3A_369 = arith.index_cast %add3A_360 : i32 to index
        %swap3A_370 = arith.constant 0 : index
        %swap3A_371 = tpu.vector_load %arg19[%swap3A_369, %swap3A_370] {strides = array<i32>} : memref<800x16xf32, #tpu.memory_space<vmem>>, vector<1x16xf32>,
        %swap3A_372 = vector.shape_cast %swap3A_371 : vector<1x16xf32> to vector<16xf32>
        %swap3A_373 = vector.shape_cast %mul3A_368 : vector<16xf32> to vector<1x16xf32>
        tpu.vector_store %arg19[%swap3A_369, %swap3A_370], %swap3A_373 {strides = array<i32>} : memref<800x16xf32, #tpu.memory_space<vmem>>, vector<1x16xf32>,
        %mul3A_374 = arith.constant 16 : i32
        %mul3A_375 = arith.muli %scan3A_167, %mul3A_374 : i32
        %add3A_376 = arith.constant 12 : i32
        %add3A_377 = arith.addi %mul3A_375, %add3A_376 : i32
        %get3A_378 = arith.index_cast %add3A_377 : i32 to index
        %get3A_379 = arith.constant 0 : index
        %get3A_380 = tpu.vector_load %arg19[%get3A_378, %get3A_379] {strides = array<i32>} : memref<800x16xf32, #tpu.memory_space<vmem>>, vector<1x16xf32>,
        %get3A_381 = vector.shape_cast %get3A_380 : vector<1x16xf32> to vector<16xf32>
        %broadcast_in_dim3A_382 = vector.shape_cast %broadcast_in_dim3A_52 : vector<16xi32> to vector<16x1xi32>
        %gather3A_383 = vector.shape_cast %broadcast_in_dim3A_382 : vector<16x1xi32> to vector<16xi32>
        %gather3A_384 = tpu.dynamic_gather %get3A_171[%gather3A_383] in [0] : vector<16xf32>, vector<16xi32> -> vector<16xf32>
        %mul3A_385 = arith.mulf %get3A_381, %gather3A_384 : vector<16xf32>
        %swap3A_386 = arith.index_cast %add3A_377 : i32 to index
        %swap3A_387 = arith.constant 0 : index
        %swap3A_388 = tpu.vector_load %arg19[%swap3A_386, %swap3A_387] {strides = array<i32>} : memref<800x16xf32, #tpu.memory_space<vmem>>, vector<1x16xf32>,
        %swap3A_389 = vector.shape_cast %swap3A_388 : vector<1x16xf32> to vector<16xf32>
        %swap3A_390 = vector.shape_cast %mul3A_385 : vector<16xf32> to vector<1x16xf32>
        tpu.vector_store %arg19[%swap3A_386, %swap3A_387], %swap3A_390 {strides = array<i32>} : memref<800x16xf32, #tpu.memory_space<vmem>>, vector<1x16xf32>,
        %mul3A_391 = arith.constant 16 : i32
        %mul3A_392 = arith.muli %scan3A_167, %mul3A_391 : i32
        %add3A_393 = arith.constant 13 : i32
        %add3A_394 = arith.addi %mul3A_392, %add3A_393 : i32
        %get3A_395 = arith.index_cast %add3A_394 : i32 to index
        %get3A_396 = arith.constant 0 : index
        %get3A_397 = tpu.vector_load %arg19[%get3A_395, %get3A_396] {strides = array<i32>} : memref<800x16xf32, #tpu.memory_space<vmem>>, vector<1x16xf32>,
        %get3A_398 = vector.shape_cast %get3A_397 : vector<1x16xf32> to vector<16xf32>
        %broadcast_in_dim3A_399 = vector.shape_cast %broadcast_in_dim3A_54 : vector<16xi32> to vector<16x1xi32>
        %gather3A_400 = vector.shape_cast %broadcast_in_dim3A_399 : vector<16x1xi32> to vector<16xi32>
        %gather3A_401 = tpu.dynamic_gather %get3A_171[%gather3A_400] in [0] : vector<16xf32>, vector<16xi32> -> vector<16xf32>
        %mul3A_402 = arith.mulf %get3A_398, %gather3A_401 : vector<16xf32>
        %swap3A_403 = arith.index_cast %add3A_394 : i32 to index
        %swap3A_404 = arith.constant 0 : index
        %swap3A_405 = tpu.vector_load %arg19[%swap3A_403, %swap3A_404] {strides = array<i32>} : memref<800x16xf32, #tpu.memory_space<vmem>>, vector<1x16xf32>,
        %swap3A_406 = vector.shape_cast %swap3A_405 : vector<1x16xf32> to vector<16xf32>
        %swap3A_407 = vector.shape_cast %mul3A_402 : vector<16xf32> to vector<1x16xf32>
        tpu.vector_store %arg19[%swap3A_403, %swap3A_404], %swap3A_407 {strides = array<i32>} : memref<800x16xf32, #tpu.memory_space<vmem>>, vector<1x16xf32>,
        %mul3A_408 = arith.constant 16 : i32
        %mul3A_409 = arith.muli %scan3A_167, %mul3A_408 : i32
        %add3A_410 = arith.constant 14 : i32
        %add3A_411 = arith.addi %mul3A_409, %add3A_410 : i32
        %get3A_412 = arith.index_cast %add3A_411 : i32 to index
        %get3A_413 = arith.constant 0 : index
        %get3A_414 = tpu.vector_load %arg19[%get3A_412, %get3A_413] {strides = array<i32>} : memref<800x16xf32, #tpu.memory_space<vmem>>, vector<1x16xf32>,
        %get3A_415 = vector.shape_cast %get3A_414 : vector<1x16xf32> to vector<16xf32>
        %broadcast_in_dim3A_416 = vector.shape_cast %broadcast_in_dim3A_56 : vector<16xi32> to vector<16x1xi32>
        %gather3A_417 = vector.shape_cast %broadcast_in_dim3A_416 : vector<16x1xi32> to vector<16xi32>
        %gather3A_418 = tpu.dynamic_gather %get3A_171[%gather3A_417] in [0] : vector<16xf32>, vector<16xi32> -> vector<16xf32>
        %mul3A_419 = arith.mulf %get3A_415, %gather3A_418 : vector<16xf32>
        %swap3A_420 = arith.index_cast %add3A_411 : i32 to index
        %swap3A_421 = arith.constant 0 : index
        %swap3A_422 = tpu.vector_load %arg19[%swap3A_420, %swap3A_421] {strides = array<i32>} : memref<800x16xf32, #tpu.memory_space<vmem>>, vector<1x16xf32>,
        %swap3A_423 = vector.shape_cast %swap3A_422 : vector<1x16xf32> to vector<16xf32>
        %swap3A_424 = vector.shape_cast %mul3A_419 : vector<16xf32> to vector<1x16xf32>
        tpu.vector_store %arg19[%swap3A_420, %swap3A_421], %swap3A_424 {strides = array<i32>} : memref<800x16xf32, #tpu.memory_space<vmem>>, vector<1x16xf32>,
        %mul3A_425 = arith.constant 16 : i32
        %mul3A_426 = arith.muli %scan3A_167, %mul3A_425 : i32
        %add3A_427 = arith.constant 15 : i32
        %add3A_428 = arith.addi %mul3A_426, %add3A_427 : i32
        %get3A_429 = arith.index_cast %add3A_428 : i32 to index
        %get3A_430 = arith.constant 0 : index
        %get3A_431 = tpu.vector_load %arg19[%get3A_429, %get3A_430] {strides = array<i32>} : memref<800x16xf32, #tpu.memory_space<vmem>>, vector<1x16xf32>,
        %get3A_432 = vector.shape_cast %get3A_431 : vector<1x16xf32> to vector<16xf32>
        %broadcast_in_dim3A_433 = vector.shape_cast %broadcast_in_dim3A_58 : vector<16xi32> to vector<16x1xi32>
        %gather3A_434 = vector.shape_cast %broadcast_in_dim3A_433 : vector<16x1xi32> to vector<16xi32>
        %gather3A_435 = tpu.dynamic_gather %get3A_171[%gather3A_434] in [0] : vector<16xf32>, vector<16xi32> -> vector<16xf32>
        %mul3A_436 = arith.mulf %get3A_432, %gather3A_435 : vector<16xf32>
        %swap3A_437 = arith.index_cast %add3A_428 : i32 to index
        %swap3A_438 = arith.constant 0 : index
        %swap3A_439 = tpu.vector_load %arg19[%swap3A_437, %swap3A_438] {strides = array<i32>} : memref<800x16xf32, #tpu.memory_space<vmem>>, vector<1x16xf32>,
        %swap3A_440 = vector.shape_cast %swap3A_439 : vector<1x16xf32> to vector<16xf32>
        %swap3A_441 = vector.shape_cast %mul3A_436 : vector<16xf32> to vector<1x16xf32>
        tpu.vector_store %arg19[%swap3A_437, %swap3A_438], %swap3A_441 {strides = array<i32>} : memref<800x16xf32, #tpu.memory_space<vmem>>, vector<1x16xf32>,
      }
      %scan3A_157 = arith.constant 50 : i32
      %dma_start3A_158 = arith.constant 0 : i32
      %dma_start3A_159 = arith.constant 0 : i32
      %dma_start3A_160 = tpu.memref_slice %arg7[%dma_start3A_158, %dma_start3A_159] : memref<100352x16xf32, #tpu.memory_space<vmem_shared>> -> memref<100352x16xf32, #tpu.memory_space<vmem_shared>>
      tpu.enqueue_indirect_dma source(%arg19 : memref<800x16xf32, #tpu.memory_space<vmem>>) target(%dma_start3A_160 : memref<100352x16xf32, #tpu.memory_space<vmem_shared>>) offsets(%arg17 : memref<800xi32, #tpu.memory_space<vmem>>) semaphore(%arg23 : memref<!tpu.dma_semaphore, #tpu.memory_space<semaphore_mem>>) {add = true}
      %add3A_161 = arith.constant 2 : i32
      %add3A_162 = arith.addi %add3A_119, %add3A_161 : i32
      %lt3A = arith.constant 125 : i32
      %lt3A_163 = arith.cmpi slt, %add3A_162, %lt3A : i32
      %convert_element_type3A_164 = arith.extui %lt3A_163 : i1 to i32
      %cond3A_165 = arith.constant 0 : i32
      %cond3A_166 = arith.cmpi ne, %convert_element_type3A_164, %cond3A_165 : i32
      scf.if %cond3A_166 {
        %add3A_167 = arith.constant 2 : i32
        %add3A_168 = arith.addi %add3A_119, %add3A_167 : i32
        %mul3A_169 = arith.constant 800 : i32
        %mul3A_170 = arith.muli %add3A_168, %mul3A_169 : i32
        %add3A_171 = arith.addi %mul3A_2, %mul3A_170 : i32
        %dma_start3A_172 = tpu.memref_slice %arg3[%add3A_171] : memref<3200000xi32, #tpu.memory_space<hbm>> -> memref<800xi32, #tpu.memory_space<hbm>>
        %dma_start3A_173 = tpu.memref_slice %arg3[%add3A_171] : memref<3200000xi32, #tpu.memory_space<hbm>> -> memref<800xi32, #tpu.memory_space<hbm>>
        tpu.enqueue_dma source(%dma_start3A_173 : memref<800xi32, #tpu.memory_space<hbm>>) target(%arg16 : memref<800xi32, #tpu.memory_space<vmem>>) target_semaphore(%arg20 : memref<!tpu.dma_semaphore, #tpu.memory_space<semaphore_mem>>)
      } else {
      }
    }
    %scan3A_83 = arith.constant 62 : i32
    %dma_wait3A_84 = arith.constant 0 : i32
    %dma_wait3A_85 = arith.constant 0 : i32
    %dma_wait3A_86 = tpu.memref_slice %arg2[%dma_wait3A_84, %dma_wait3A_85] : memref<100000x16xf32, #tpu.memory_space<hbm>> -> memref<100000x16xf32, #tpu.memory_space<hbm>>
    tpu.wait_indirect_dma semaphore(%arg14 : memref<!tpu.dma_semaphore, #tpu.memory_space<semaphore_mem>>) src(%dma_wait3A_86 : memref<100000x16xf32, #tpu.memory_space<hbm>>) dst(%arg11 : memref<800x16xf32, #tpu.memory_space<vmem>>)
    %dma_wait3A_87 = arith.constant 0 : i32
    %dma_wait3A_88 = arith.constant 0 : i32
    %dma_wait3A_89 = tpu.memref_slice %arg7[%dma_wait3A_87, %dma_wait3A_88] : memref<100352x16xf32, #tpu.memory_space<vmem_shared>> -> memref<100352x16xf32, #tpu.memory_space<vmem_shared>>
    tpu.wait_indirect_dma semaphore(%arg23 : memref<!tpu.dma_semaphore, #tpu.memory_space<semaphore_mem>>) src(%arg19 : memref<800x16xf32, #tpu.memory_space<vmem>>) dst(%dma_wait3A_89 : memref<100352x16xf32, #tpu.memory_space<vmem_shared>>)
    %add3A_90 = arith.constant 99200 : i32
    %add3A_91 = arith.addi %mul3A_2, %add3A_90 : i32
    %dma_wait3A_92 = tpu.memref_slice %arg4[%add3A_91] : memref<3200000xi32, #tpu.memory_space<hbm>> -> memref<800xi32, #tpu.memory_space<hbm>>
    %dma_wait3A_93 = tpu.memref_slice %arg4[%add3A_91] : memref<3200000xi32, #tpu.memory_space<hbm>> -> memref<800xi32, #tpu.memory_space<hbm>>
    tpu.wait_dma2 semaphore(%arg13 : memref<!tpu.dma_semaphore, #tpu.memory_space<semaphore_mem>>) src(%dma_wait3A_93 : memref<800xi32, #tpu.memory_space<hbm>>) dst(%arg9 : memref<800xi32, #tpu.memory_space<vmem>>)
    %dma_wait3A_94 = tpu.memref_slice %arg5[%add3A_91] : memref<3200000xf32, #tpu.memory_space<hbm>> -> memref<800xf32, #tpu.memory_space<hbm>>
    %dma_wait3A_95 = tpu.memref_slice %arg5[%add3A_91] : memref<3200000xf32, #tpu.memory_space<hbm>> -> memref<800xf32, #tpu.memory_space<hbm>>
    tpu.wait_dma2 semaphore(%arg13 : memref<!tpu.dma_semaphore, #tpu.memory_space<semaphore_mem>>) src(%dma_wait3A_95 : memref<800xf32, #tpu.memory_space<hbm>>) dst(%arg10 : memref<800xf32, #tpu.memory_space<vmem>>)
    %scan3A_96 = arith.constant 0 : i32
    %scan3A_97 = arith.constant 0 : i32
    %scan3A_98 = arith.constant 50 : i32
    %scan3A_99 = arith.addi %scan3A_97, %scan3A_98 : i32
    %scan3A_100 = arith.constant 1 : i32
    scf.for %scan3A_109 = %scan3A_97 to %scan3A_99 step %scan3A_100  : i32 {
      %mul3A_110 = arith.constant 16 : i32
      %mul3A_111 = arith.muli %scan3A_109, %mul3A_110 : i32
      %get3A = arith.index_cast %mul3A_111 : i32 to index
      %get3A_112 = tpu.vector_load %arg10[%get3A] {strides = array<i32>} : memref<800xf32, #tpu.memory_space<vmem>>, vector<16xf32>,
      %get3A_113 = vector.shape_cast %get3A_112 : vector<16xf32> to vector<16xf32>
      %mul3A_114 = arith.constant 16 : i32
      %mul3A_115 = arith.muli %scan3A_109, %mul3A_114 : i32
      %add3A_116 = arith.constant 0 : i32
      %add3A_117 = arith.addi %mul3A_115, %add3A_116 : i32
      %get3A_118 = arith.index_cast %add3A_117 : i32 to index
      %get3A_119 = arith.constant 0 : index
      %get3A_120 = tpu.vector_load %arg11[%get3A_118, %get3A_119] {strides = array<i32>} : memref<800x16xf32, #tpu.memory_space<vmem>>, vector<1x16xf32>,
      %get3A_121 = vector.shape_cast %get3A_120 : vector<1x16xf32> to vector<16xf32>
      %broadcast_in_dim3A_122 = vector.shape_cast %broadcast_in_dim3A_28 : vector<16xi32> to vector<16x1xi32>
      %gather3A = vector.shape_cast %broadcast_in_dim3A_122 : vector<16x1xi32> to vector<16xi32>
      %gather3A_123 = tpu.dynamic_gather %get3A_113[%gather3A] in [0] : vector<16xf32>, vector<16xi32> -> vector<16xf32>
      %mul3A_124 = arith.mulf %get3A_121, %gather3A_123 : vector<16xf32>
      %swap3A = arith.index_cast %add3A_117 : i32 to index
      %swap3A_125 = arith.constant 0 : index
      %swap3A_126 = tpu.vector_load %arg11[%swap3A, %swap3A_125] {strides = array<i32>} : memref<800x16xf32, #tpu.memory_space<vmem>>, vector<1x16xf32>,
      %swap3A_127 = vector.shape_cast %swap3A_126 : vector<1x16xf32> to vector<16xf32>
      %swap3A_128 = vector.shape_cast %mul3A_124 : vector<16xf32> to vector<1x16xf32>
      tpu.vector_store %arg11[%swap3A, %swap3A_125], %swap3A_128 {strides = array<i32>} : memref<800x16xf32, #tpu.memory_space<vmem>>, vector<1x16xf32>,
      %mul3A_129 = arith.constant 16 : i32
      %mul3A_130 = arith.muli %scan3A_109, %mul3A_129 : i32
      %add3A_131 = arith.constant 1 : i32
      %add3A_132 = arith.addi %mul3A_130, %add3A_131 : i32
      %get3A_133 = arith.index_cast %add3A_132 : i32 to index
      %get3A_134 = arith.constant 0 : index
      %get3A_135 = tpu.vector_load %arg11[%get3A_133, %get3A_134] {strides = array<i32>} : memref<800x16xf32, #tpu.memory_space<vmem>>, vector<1x16xf32>,
      %get3A_136 = vector.shape_cast %get3A_135 : vector<1x16xf32> to vector<16xf32>
      %broadcast_in_dim3A_137 = vector.shape_cast %broadcast_in_dim3A_30 : vector<16xi32> to vector<16x1xi32>
      %gather3A_138 = vector.shape_cast %broadcast_in_dim3A_137 : vector<16x1xi32> to vector<16xi32>
      %gather3A_139 = tpu.dynamic_gather %get3A_113[%gather3A_138] in [0] : vector<16xf32>, vector<16xi32> -> vector<16xf32>
      %mul3A_140 = arith.mulf %get3A_136, %gather3A_139 : vector<16xf32>
      %swap3A_141 = arith.index_cast %add3A_132 : i32 to index
      %swap3A_142 = arith.constant 0 : index
      %swap3A_143 = tpu.vector_load %arg11[%swap3A_141, %swap3A_142] {strides = array<i32>} : memref<800x16xf32, #tpu.memory_space<vmem>>, vector<1x16xf32>,
      %swap3A_144 = vector.shape_cast %swap3A_143 : vector<1x16xf32> to vector<16xf32>
      %swap3A_145 = vector.shape_cast %mul3A_140 : vector<16xf32> to vector<1x16xf32>
      tpu.vector_store %arg11[%swap3A_141, %swap3A_142], %swap3A_145 {strides = array<i32>} : memref<800x16xf32, #tpu.memory_space<vmem>>, vector<1x16xf32>,
      %mul3A_146 = arith.constant 16 : i32
      %mul3A_147 = arith.muli %scan3A_109, %mul3A_146 : i32
      %add3A_148 = arith.constant 2 : i32
      %add3A_149 = arith.addi %mul3A_147, %add3A_148 : i32
      %get3A_150 = arith.index_cast %add3A_149 : i32 to index
      %get3A_151 = arith.constant 0 : index
      %get3A_152 = tpu.vector_load %arg11[%get3A_150, %get3A_151] {strides = array<i32>} : memref<800x16xf32, #tpu.memory_space<vmem>>, vector<1x16xf32>,
      %get3A_153 = vector.shape_cast %get3A_152 : vector<1x16xf32> to vector<16xf32>
      %broadcast_in_dim3A_154 = vector.shape_cast %broadcast_in_dim3A_32 : vector<16xi32> to vector<16x1xi32>
      %gather3A_155 = vector.shape_cast %broadcast_in_dim3A_154 : vector<16x1xi32> to vector<16xi32>
      %gather3A_156 = tpu.dynamic_gather %get3A_113[%gather3A_155] in [0] : vector<16xf32>, vector<16xi32> -> vector<16xf32>
      %mul3A_157 = arith.mulf %get3A_153, %gather3A_156 : vector<16xf32>
      %swap3A_158 = arith.index_cast %add3A_149 : i32 to index
      %swap3A_159 = arith.constant 0 : index
      %swap3A_160 = tpu.vector_load %arg11[%swap3A_158, %swap3A_159] {strides = array<i32>} : memref<800x16xf32, #tpu.memory_space<vmem>>, vector<1x16xf32>,
      %swap3A_161 = vector.shape_cast %swap3A_160 : vector<1x16xf32> to vector<16xf32>
      %swap3A_162 = vector.shape_cast %mul3A_157 : vector<16xf32> to vector<1x16xf32>
      tpu.vector_store %arg11[%swap3A_158, %swap3A_159], %swap3A_162 {strides = array<i32>} : memref<800x16xf32, #tpu.memory_space<vmem>>, vector<1x16xf32>,
      %mul3A_163 = arith.constant 16 : i32
      %mul3A_164 = arith.muli %scan3A_109, %mul3A_163 : i32
      %add3A_165 = arith.constant 3 : i32
      %add3A_166 = arith.addi %mul3A_164, %add3A_165 : i32
      %get3A_167 = arith.index_cast %add3A_166 : i32 to index
      %get3A_168 = arith.constant 0 : index
      %get3A_169 = tpu.vector_load %arg11[%get3A_167, %get3A_168] {strides = array<i32>} : memref<800x16xf32, #tpu.memory_space<vmem>>, vector<1x16xf32>,
      %get3A_170 = vector.shape_cast %get3A_169 : vector<1x16xf32> to vector<16xf32>
      %broadcast_in_dim3A_171 = vector.shape_cast %broadcast_in_dim3A_34 : vector<16xi32> to vector<16x1xi32>
      %gather3A_172 = vector.shape_cast %broadcast_in_dim3A_171 : vector<16x1xi32> to vector<16xi32>
      %gather3A_173 = tpu.dynamic_gather %get3A_113[%gather3A_172] in [0] : vector<16xf32>, vector<16xi32> -> vector<16xf32>
      %mul3A_174 = arith.mulf %get3A_170, %gather3A_173 : vector<16xf32>
      %swap3A_175 = arith.index_cast %add3A_166 : i32 to index
      %swap3A_176 = arith.constant 0 : index
      %swap3A_177 = tpu.vector_load %arg11[%swap3A_175, %swap3A_176] {strides = array<i32>} : memref<800x16xf32, #tpu.memory_space<vmem>>, vector<1x16xf32>,
      %swap3A_178 = vector.shape_cast %swap3A_177 : vector<1x16xf32> to vector<16xf32>
      %swap3A_179 = vector.shape_cast %mul3A_174 : vector<16xf32> to vector<1x16xf32>
      tpu.vector_store %arg11[%swap3A_175, %swap3A_176], %swap3A_179 {strides = array<i32>} : memref<800x16xf32, #tpu.memory_space<vmem>>, vector<1x16xf32>,
      %mul3A_180 = arith.constant 16 : i32
      %mul3A_181 = arith.muli %scan3A_109, %mul3A_180 : i32
      %add3A_182 = arith.constant 4 : i32
      %add3A_183 = arith.addi %mul3A_181, %add3A_182 : i32
      %get3A_184 = arith.index_cast %add3A_183 : i32 to index
      %get3A_185 = arith.constant 0 : index
      %get3A_186 = tpu.vector_load %arg11[%get3A_184, %get3A_185] {strides = array<i32>} : memref<800x16xf32, #tpu.memory_space<vmem>>, vector<1x16xf32>,
      %get3A_187 = vector.shape_cast %get3A_186 : vector<1x16xf32> to vector<16xf32>
      %broadcast_in_dim3A_188 = vector.shape_cast %broadcast_in_dim3A_36 : vector<16xi32> to vector<16x1xi32>
      %gather3A_189 = vector.shape_cast %broadcast_in_dim3A_188 : vector<16x1xi32> to vector<16xi32>
      %gather3A_190 = tpu.dynamic_gather %get3A_113[%gather3A_189] in [0] : vector<16xf32>, vector<16xi32> -> vector<16xf32>
      %mul3A_191 = arith.mulf %get3A_187, %gather3A_190 : vector<16xf32>
      %swap3A_192 = arith.index_cast %add3A_183 : i32 to index
      %swap3A_193 = arith.constant 0 : index
      %swap3A_194 = tpu.vector_load %arg11[%swap3A_192, %swap3A_193] {strides = array<i32>} : memref<800x16xf32, #tpu.memory_space<vmem>>, vector<1x16xf32>,
      %swap3A_195 = vector.shape_cast %swap3A_194 : vector<1x16xf32> to vector<16xf32>
      %swap3A_196 = vector.shape_cast %mul3A_191 : vector<16xf32> to vector<1x16xf32>
      tpu.vector_store %arg11[%swap3A_192, %swap3A_193], %swap3A_196 {strides = array<i32>} : memref<800x16xf32, #tpu.memory_space<vmem>>, vector<1x16xf32>,
      %mul3A_197 = arith.constant 16 : i32
      %mul3A_198 = arith.muli %scan3A_109, %mul3A_197 : i32
      %add3A_199 = arith.constant 5 : i32
      %add3A_200 = arith.addi %mul3A_198, %add3A_199 : i32
      %get3A_201 = arith.index_cast %add3A_200 : i32 to index
      %get3A_202 = arith.constant 0 : index
      %get3A_203 = tpu.vector_load %arg11[%get3A_201, %get3A_202] {strides = array<i32>} : memref<800x16xf32, #tpu.memory_space<vmem>>, vector<1x16xf32>,
      %get3A_204 = vector.shape_cast %get3A_203 : vector<1x16xf32> to vector<16xf32>
      %broadcast_in_dim3A_205 = vector.shape_cast %broadcast_in_dim3A_38 : vector<16xi32> to vector<16x1xi32>
      %gather3A_206 = vector.shape_cast %broadcast_in_dim3A_205 : vector<16x1xi32> to vector<16xi32>
      %gather3A_207 = tpu.dynamic_gather %get3A_113[%gather3A_206] in [0] : vector<16xf32>, vector<16xi32> -> vector<16xf32>
      %mul3A_208 = arith.mulf %get3A_204, %gather3A_207 : vector<16xf32>
      %swap3A_209 = arith.index_cast %add3A_200 : i32 to index
      %swap3A_210 = arith.constant 0 : index
      %swap3A_211 = tpu.vector_load %arg11[%swap3A_209, %swap3A_210] {strides = array<i32>} : memref<800x16xf32, #tpu.memory_space<vmem>>, vector<1x16xf32>,
      %swap3A_212 = vector.shape_cast %swap3A_211 : vector<1x16xf32> to vector<16xf32>
      %swap3A_213 = vector.shape_cast %mul3A_208 : vector<16xf32> to vector<1x16xf32>
      tpu.vector_store %arg11[%swap3A_209, %swap3A_210], %swap3A_213 {strides = array<i32>} : memref<800x16xf32, #tpu.memory_space<vmem>>, vector<1x16xf32>,
      %mul3A_214 = arith.constant 16 : i32
      %mul3A_215 = arith.muli %scan3A_109, %mul3A_214 : i32
      %add3A_216 = arith.constant 6 : i32
      %add3A_217 = arith.addi %mul3A_215, %add3A_216 : i32
      %get3A_218 = arith.index_cast %add3A_217 : i32 to index
      %get3A_219 = arith.constant 0 : index
      %get3A_220 = tpu.vector_load %arg11[%get3A_218, %get3A_219] {strides = array<i32>} : memref<800x16xf32, #tpu.memory_space<vmem>>, vector<1x16xf32>,
      %get3A_221 = vector.shape_cast %get3A_220 : vector<1x16xf32> to vector<16xf32>
      %broadcast_in_dim3A_222 = vector.shape_cast %broadcast_in_dim3A_40 : vector<16xi32> to vector<16x1xi32>
      %gather3A_223 = vector.shape_cast %broadcast_in_dim3A_222 : vector<16x1xi32> to vector<16xi32>
      %gather3A_224 = tpu.dynamic_gather %get3A_113[%gather3A_223] in [0] : vector<16xf32>, vector<16xi32> -> vector<16xf32>
      %mul3A_225 = arith.mulf %get3A_221, %gather3A_224 : vector<16xf32>
      %swap3A_226 = arith.index_cast %add3A_217 : i32 to index
      %swap3A_227 = arith.constant 0 : index
      %swap3A_228 = tpu.vector_load %arg11[%swap3A_226, %swap3A_227] {strides = array<i32>} : memref<800x16xf32, #tpu.memory_space<vmem>>, vector<1x16xf32>,
      %swap3A_229 = vector.shape_cast %swap3A_228 : vector<1x16xf32> to vector<16xf32>
      %swap3A_230 = vector.shape_cast %mul3A_225 : vector<16xf32> to vector<1x16xf32>
      tpu.vector_store %arg11[%swap3A_226, %swap3A_227], %swap3A_230 {strides = array<i32>} : memref<800x16xf32, #tpu.memory_space<vmem>>, vector<1x16xf32>,
      %mul3A_231 = arith.constant 16 : i32
      %mul3A_232 = arith.muli %scan3A_109, %mul3A_231 : i32
      %add3A_233 = arith.constant 7 : i32
      %add3A_234 = arith.addi %mul3A_232, %add3A_233 : i32
      %get3A_235 = arith.index_cast %add3A_234 : i32 to index
      %get3A_236 = arith.constant 0 : index
      %get3A_237 = tpu.vector_load %arg11[%get3A_235, %get3A_236] {strides = array<i32>} : memref<800x16xf32, #tpu.memory_space<vmem>>, vector<1x16xf32>,
      %get3A_238 = vector.shape_cast %get3A_237 : vector<1x16xf32> to vector<16xf32>
      %broadcast_in_dim3A_239 = vector.shape_cast %broadcast_in_dim3A_42 : vector<16xi32> to vector<16x1xi32>
      %gather3A_240 = vector.shape_cast %broadcast_in_dim3A_239 : vector<16x1xi32> to vector<16xi32>
      %gather3A_241 = tpu.dynamic_gather %get3A_113[%gather3A_240] in [0] : vector<16xf32>, vector<16xi32> -> vector<16xf32>
      %mul3A_242 = arith.mulf %get3A_238, %gather3A_241 : vector<16xf32>
      %swap3A_243 = arith.index_cast %add3A_234 : i32 to index
      %swap3A_244 = arith.constant 0 : index
      %swap3A_245 = tpu.vector_load %arg11[%swap3A_243, %swap3A_244] {strides = array<i32>} : memref<800x16xf32, #tpu.memory_space<vmem>>, vector<1x16xf32>,
      %swap3A_246 = vector.shape_cast %swap3A_245 : vector<1x16xf32> to vector<16xf32>
      %swap3A_247 = vector.shape_cast %mul3A_242 : vector<16xf32> to vector<1x16xf32>
      tpu.vector_store %arg11[%swap3A_243, %swap3A_244], %swap3A_247 {strides = array<i32>} : memref<800x16xf32, #tpu.memory_space<vmem>>, vector<1x16xf32>,
      %mul3A_248 = arith.constant 16 : i32
      %mul3A_249 = arith.muli %scan3A_109, %mul3A_248 : i32
      %add3A_250 = arith.constant 8 : i32
      %add3A_251 = arith.addi %mul3A_249, %add3A_250 : i32
      %get3A_252 = arith.index_cast %add3A_251 : i32 to index
      %get3A_253 = arith.constant 0 : index
      %get3A_254 = tpu.vector_load %arg11[%get3A_252, %get3A_253] {strides = array<i32>} : memref<800x16xf32, #tpu.memory_space<vmem>>, vector<1x16xf32>,
      %get3A_255 = vector.shape_cast %get3A_254 : vector<1x16xf32> to vector<16xf32>
      %broadcast_in_dim3A_256 = vector.shape_cast %broadcast_in_dim3A_44 : vector<16xi32> to vector<16x1xi32>
      %gather3A_257 = vector.shape_cast %broadcast_in_dim3A_256 : vector<16x1xi32> to vector<16xi32>
      %gather3A_258 = tpu.dynamic_gather %get3A_113[%gather3A_257] in [0] : vector<16xf32>, vector<16xi32> -> vector<16xf32>
      %mul3A_259 = arith.mulf %get3A_255, %gather3A_258 : vector<16xf32>
      %swap3A_260 = arith.index_cast %add3A_251 : i32 to index
      %swap3A_261 = arith.constant 0 : index
      %swap3A_262 = tpu.vector_load %arg11[%swap3A_260, %swap3A_261] {strides = array<i32>} : memref<800x16xf32, #tpu.memory_space<vmem>>, vector<1x16xf32>,
      %swap3A_263 = vector.shape_cast %swap3A_262 : vector<1x16xf32> to vector<16xf32>
      %swap3A_264 = vector.shape_cast %mul3A_259 : vector<16xf32> to vector<1x16xf32>
      tpu.vector_store %arg11[%swap3A_260, %swap3A_261], %swap3A_264 {strides = array<i32>} : memref<800x16xf32, #tpu.memory_space<vmem>>, vector<1x16xf32>,
      %mul3A_265 = arith.constant 16 : i32
      %mul3A_266 = arith.muli %scan3A_109, %mul3A_265 : i32
      %add3A_267 = arith.constant 9 : i32
      %add3A_268 = arith.addi %mul3A_266, %add3A_267 : i32
      %get3A_269 = arith.index_cast %add3A_268 : i32 to index
      %get3A_270 = arith.constant 0 : index
      %get3A_271 = tpu.vector_load %arg11[%get3A_269, %get3A_270] {strides = array<i32>} : memref<800x16xf32, #tpu.memory_space<vmem>>, vector<1x16xf32>,
      %get3A_272 = vector.shape_cast %get3A_271 : vector<1x16xf32> to vector<16xf32>
      %broadcast_in_dim3A_273 = vector.shape_cast %broadcast_in_dim3A_46 : vector<16xi32> to vector<16x1xi32>
      %gather3A_274 = vector.shape_cast %broadcast_in_dim3A_273 : vector<16x1xi32> to vector<16xi32>
      %gather3A_275 = tpu.dynamic_gather %get3A_113[%gather3A_274] in [0] : vector<16xf32>, vector<16xi32> -> vector<16xf32>
      %mul3A_276 = arith.mulf %get3A_272, %gather3A_275 : vector<16xf32>
      %swap3A_277 = arith.index_cast %add3A_268 : i32 to index
      %swap3A_278 = arith.constant 0 : index
      %swap3A_279 = tpu.vector_load %arg11[%swap3A_277, %swap3A_278] {strides = array<i32>} : memref<800x16xf32, #tpu.memory_space<vmem>>, vector<1x16xf32>,
      %swap3A_280 = vector.shape_cast %swap3A_279 : vector<1x16xf32> to vector<16xf32>
      %swap3A_281 = vector.shape_cast %mul3A_276 : vector<16xf32> to vector<1x16xf32>
      tpu.vector_store %arg11[%swap3A_277, %swap3A_278], %swap3A_281 {strides = array<i32>} : memref<800x16xf32, #tpu.memory_space<vmem>>, vector<1x16xf32>,
      %mul3A_282 = arith.constant 16 : i32
      %mul3A_283 = arith.muli %scan3A_109, %mul3A_282 : i32
      %add3A_284 = arith.constant 10 : i32
      %add3A_285 = arith.addi %mul3A_283, %add3A_284 : i32
      %get3A_286 = arith.index_cast %add3A_285 : i32 to index
      %get3A_287 = arith.constant 0 : index
      %get3A_288 = tpu.vector_load %arg11[%get3A_286, %get3A_287] {strides = array<i32>} : memref<800x16xf32, #tpu.memory_space<vmem>>, vector<1x16xf32>,
      %get3A_289 = vector.shape_cast %get3A_288 : vector<1x16xf32> to vector<16xf32>
      %broadcast_in_dim3A_290 = vector.shape_cast %broadcast_in_dim3A_48 : vector<16xi32> to vector<16x1xi32>
      %gather3A_291 = vector.shape_cast %broadcast_in_dim3A_290 : vector<16x1xi32> to vector<16xi32>
      %gather3A_292 = tpu.dynamic_gather %get3A_113[%gather3A_291] in [0] : vector<16xf32>, vector<16xi32> -> vector<16xf32>
      %mul3A_293 = arith.mulf %get3A_289, %gather3A_292 : vector<16xf32>
      %swap3A_294 = arith.index_cast %add3A_285 : i32 to index
      %swap3A_295 = arith.constant 0 : index
      %swap3A_296 = tpu.vector_load %arg11[%swap3A_294, %swap3A_295] {strides = array<i32>} : memref<800x16xf32, #tpu.memory_space<vmem>>, vector<1x16xf32>,
      %swap3A_297 = vector.shape_cast %swap3A_296 : vector<1x16xf32> to vector<16xf32>
      %swap3A_298 = vector.shape_cast %mul3A_293 : vector<16xf32> to vector<1x16xf32>
      tpu.vector_store %arg11[%swap3A_294, %swap3A_295], %swap3A_298 {strides = array<i32>} : memref<800x16xf32, #tpu.memory_space<vmem>>, vector<1x16xf32>,
      %mul3A_299 = arith.constant 16 : i32
      %mul3A_300 = arith.muli %scan3A_109, %mul3A_299 : i32
      %add3A_301 = arith.constant 11 : i32
      %add3A_302 = arith.addi %mul3A_300, %add3A_301 : i32
      %get3A_303 = arith.index_cast %add3A_302 : i32 to index
      %get3A_304 = arith.constant 0 : index
      %get3A_305 = tpu.vector_load %arg11[%get3A_303, %get3A_304] {strides = array<i32>} : memref<800x16xf32, #tpu.memory_space<vmem>>, vector<1x16xf32>,
      %get3A_306 = vector.shape_cast %get3A_305 : vector<1x16xf32> to vector<16xf32>
      %broadcast_in_dim3A_307 = vector.shape_cast %broadcast_in_dim3A_50 : vector<16xi32> to vector<16x1xi32>
      %gather3A_308 = vector.shape_cast %broadcast_in_dim3A_307 : vector<16x1xi32> to vector<16xi32>
      %gather3A_309 = tpu.dynamic_gather %get3A_113[%gather3A_308] in [0] : vector<16xf32>, vector<16xi32> -> vector<16xf32>
      %mul3A_310 = arith.mulf %get3A_306, %gather3A_309 : vector<16xf32>
      %swap3A_311 = arith.index_cast %add3A_302 : i32 to index
      %swap3A_312 = arith.constant 0 : index
      %swap3A_313 = tpu.vector_load %arg11[%swap3A_311, %swap3A_312] {strides = array<i32>} : memref<800x16xf32, #tpu.memory_space<vmem>>, vector<1x16xf32>,
      %swap3A_314 = vector.shape_cast %swap3A_313 : vector<1x16xf32> to vector<16xf32>
      %swap3A_315 = vector.shape_cast %mul3A_310 : vector<16xf32> to vector<1x16xf32>
      tpu.vector_store %arg11[%swap3A_311, %swap3A_312], %swap3A_315 {strides = array<i32>} : memref<800x16xf32, #tpu.memory_space<vmem>>, vector<1x16xf32>,
      %mul3A_316 = arith.constant 16 : i32
      %mul3A_317 = arith.muli %scan3A_109, %mul3A_316 : i32
      %add3A_318 = arith.constant 12 : i32
      %add3A_319 = arith.addi %mul3A_317, %add3A_318 : i32
      %get3A_320 = arith.index_cast %add3A_319 : i32 to index
      %get3A_321 = arith.constant 0 : index
      %get3A_322 = tpu.vector_load %arg11[%get3A_320, %get3A_321] {strides = array<i32>} : memref<800x16xf32, #tpu.memory_space<vmem>>, vector<1x16xf32>,
      %get3A_323 = vector.shape_cast %get3A_322 : vector<1x16xf32> to vector<16xf32>
      %broadcast_in_dim3A_324 = vector.shape_cast %broadcast_in_dim3A_52 : vector<16xi32> to vector<16x1xi32>
      %gather3A_325 = vector.shape_cast %broadcast_in_dim3A_324 : vector<16x1xi32> to vector<16xi32>
      %gather3A_326 = tpu.dynamic_gather %get3A_113[%gather3A_325] in [0] : vector<16xf32>, vector<16xi32> -> vector<16xf32>
      %mul3A_327 = arith.mulf %get3A_323, %gather3A_326 : vector<16xf32>
      %swap3A_328 = arith.index_cast %add3A_319 : i32 to index
      %swap3A_329 = arith.constant 0 : index
      %swap3A_330 = tpu.vector_load %arg11[%swap3A_328, %swap3A_329] {strides = array<i32>} : memref<800x16xf32, #tpu.memory_space<vmem>>, vector<1x16xf32>,
      %swap3A_331 = vector.shape_cast %swap3A_330 : vector<1x16xf32> to vector<16xf32>
      %swap3A_332 = vector.shape_cast %mul3A_327 : vector<16xf32> to vector<1x16xf32>
      tpu.vector_store %arg11[%swap3A_328, %swap3A_329], %swap3A_332 {strides = array<i32>} : memref<800x16xf32, #tpu.memory_space<vmem>>, vector<1x16xf32>,
      %mul3A_333 = arith.constant 16 : i32
      %mul3A_334 = arith.muli %scan3A_109, %mul3A_333 : i32
      %add3A_335 = arith.constant 13 : i32
      %add3A_336 = arith.addi %mul3A_334, %add3A_335 : i32
      %get3A_337 = arith.index_cast %add3A_336 : i32 to index
      %get3A_338 = arith.constant 0 : index
      %get3A_339 = tpu.vector_load %arg11[%get3A_337, %get3A_338] {strides = array<i32>} : memref<800x16xf32, #tpu.memory_space<vmem>>, vector<1x16xf32>,
      %get3A_340 = vector.shape_cast %get3A_339 : vector<1x16xf32> to vector<16xf32>
      %broadcast_in_dim3A_341 = vector.shape_cast %broadcast_in_dim3A_54 : vector<16xi32> to vector<16x1xi32>
      %gather3A_342 = vector.shape_cast %broadcast_in_dim3A_341 : vector<16x1xi32> to vector<16xi32>
      %gather3A_343 = tpu.dynamic_gather %get3A_113[%gather3A_342] in [0] : vector<16xf32>, vector<16xi32> -> vector<16xf32>
      %mul3A_344 = arith.mulf %get3A_340, %gather3A_343 : vector<16xf32>
      %swap3A_345 = arith.index_cast %add3A_336 : i32 to index
      %swap3A_346 = arith.constant 0 : index
      %swap3A_347 = tpu.vector_load %arg11[%swap3A_345, %swap3A_346] {strides = array<i32>} : memref<800x16xf32, #tpu.memory_space<vmem>>, vector<1x16xf32>,
      %swap3A_348 = vector.shape_cast %swap3A_347 : vector<1x16xf32> to vector<16xf32>
      %swap3A_349 = vector.shape_cast %mul3A_344 : vector<16xf32> to vector<1x16xf32>
      tpu.vector_store %arg11[%swap3A_345, %swap3A_346], %swap3A_349 {strides = array<i32>} : memref<800x16xf32, #tpu.memory_space<vmem>>, vector<1x16xf32>,
      %mul3A_350 = arith.constant 16 : i32
      %mul3A_351 = arith.muli %scan3A_109, %mul3A_350 : i32
      %add3A_352 = arith.constant 14 : i32
      %add3A_353 = arith.addi %mul3A_351, %add3A_352 : i32
      %get3A_354 = arith.index_cast %add3A_353 : i32 to index
      %get3A_355 = arith.constant 0 : index
      %get3A_356 = tpu.vector_load %arg11[%get3A_354, %get3A_355] {strides = array<i32>} : memref<800x16xf32, #tpu.memory_space<vmem>>, vector<1x16xf32>,
      %get3A_357 = vector.shape_cast %get3A_356 : vector<1x16xf32> to vector<16xf32>
      %broadcast_in_dim3A_358 = vector.shape_cast %broadcast_in_dim3A_56 : vector<16xi32> to vector<16x1xi32>
      %gather3A_359 = vector.shape_cast %broadcast_in_dim3A_358 : vector<16x1xi32> to vector<16xi32>
      %gather3A_360 = tpu.dynamic_gather %get3A_113[%gather3A_359] in [0] : vector<16xf32>, vector<16xi32> -> vector<16xf32>
      %mul3A_361 = arith.mulf %get3A_357, %gather3A_360 : vector<16xf32>
      %swap3A_362 = arith.index_cast %add3A_353 : i32 to index
      %swap3A_363 = arith.constant 0 : index
      %swap3A_364 = tpu.vector_load %arg11[%swap3A_362, %swap3A_363] {strides = array<i32>} : memref<800x16xf32, #tpu.memory_space<vmem>>, vector<1x16xf32>,
      %swap3A_365 = vector.shape_cast %swap3A_364 : vector<1x16xf32> to vector<16xf32>
      %swap3A_366 = vector.shape_cast %mul3A_361 : vector<16xf32> to vector<1x16xf32>
      tpu.vector_store %arg11[%swap3A_362, %swap3A_363], %swap3A_366 {strides = array<i32>} : memref<800x16xf32, #tpu.memory_space<vmem>>, vector<1x16xf32>,
      %mul3A_367 = arith.constant 16 : i32
      %mul3A_368 = arith.muli %scan3A_109, %mul3A_367 : i32
      %add3A_369 = arith.constant 15 : i32
      %add3A_370 = arith.addi %mul3A_368, %add3A_369 : i32
      %get3A_371 = arith.index_cast %add3A_370 : i32 to index
      %get3A_372 = arith.constant 0 : index
      %get3A_373 = tpu.vector_load %arg11[%get3A_371, %get3A_372] {strides = array<i32>} : memref<800x16xf32, #tpu.memory_space<vmem>>, vector<1x16xf32>,
      %get3A_374 = vector.shape_cast %get3A_373 : vector<1x16xf32> to vector<16xf32>
      %broadcast_in_dim3A_375 = vector.shape_cast %broadcast_in_dim3A_58 : vector<16xi32> to vector<16x1xi32>
      %gather3A_376 = vector.shape_cast %broadcast_in_dim3A_375 : vector<16x1xi32> to vector<16xi32>
      %gather3A_377 = tpu.dynamic_gather %get3A_113[%gather3A_376] in [0] : vector<16xf32>, vector<16xi32> -> vector<16xf32>
      %mul3A_378 = arith.mulf %get3A_374, %gather3A_377 : vector<16xf32>
      %swap3A_379 = arith.index_cast %add3A_370 : i32 to index
      %swap3A_380 = arith.constant 0 : index
      %swap3A_381 = tpu.vector_load %arg11[%swap3A_379, %swap3A_380] {strides = array<i32>} : memref<800x16xf32, #tpu.memory_space<vmem>>, vector<1x16xf32>,
      %swap3A_382 = vector.shape_cast %swap3A_381 : vector<1x16xf32> to vector<16xf32>
      %swap3A_383 = vector.shape_cast %mul3A_378 : vector<16xf32> to vector<1x16xf32>
      tpu.vector_store %arg11[%swap3A_379, %swap3A_380], %swap3A_383 {strides = array<i32>} : memref<800x16xf32, #tpu.memory_space<vmem>>, vector<1x16xf32>,
    }
    %scan3A_101 = arith.constant 50 : i32
    %dma_start3A_102 = arith.constant 0 : i32
    %dma_start3A_103 = arith.constant 0 : i32
    %dma_start3A_104 = tpu.memref_slice %arg7[%dma_start3A_102, %dma_start3A_103] : memref<100352x16xf32, #tpu.memory_space<vmem_shared>> -> memref<100352x16xf32, #tpu.memory_space<vmem_shared>>
    tpu.enqueue_indirect_dma source(%arg11 : memref<800x16xf32, #tpu.memory_space<vmem>>) target(%dma_start3A_104 : memref<100352x16xf32, #tpu.memory_space<vmem_shared>>) offsets(%arg9 : memref<800xi32, #tpu.memory_space<vmem>>) semaphore(%arg15 : memref<!tpu.dma_semaphore, #tpu.memory_space<semaphore_mem>>) {add = true}
    %dma_wait3A_105 = arith.constant 0 : i32
    %dma_wait3A_106 = arith.constant 0 : i32
    %dma_wait3A_107 = tpu.memref_slice %arg7[%dma_wait3A_105, %dma_wait3A_106] : memref<100352x16xf32, #tpu.memory_space<vmem_shared>> -> memref<100352x16xf32, #tpu.memory_space<vmem_shared>>
    tpu.wait_indirect_dma semaphore(%arg15 : memref<!tpu.dma_semaphore, #tpu.memory_space<semaphore_mem>>) src(%arg11 : memref<800x16xf32, #tpu.memory_space<vmem>>) dst(%dma_wait3A_107 : memref<100352x16xf32, #tpu.memory_space<vmem_shared>>)
    %barrier3A_108 = arith.constant 0 : index
    tpu.barrier barrier_id(%barrier3A_108)
    "tpu.region"() ({
      %run_scoped3A = tpu.sem_alloc : memref<!tpu.dma_semaphore, #tpu.memory_space<semaphore_mem>>
      %dma_start3A_109 = arith.constant 0 : i32
      %dma_start3A_110 = tpu.memref_slice %arg6[%arg0, %mul3A_4, %dma_start3A_109] : memref<2x100352x16xf32, #tpu.memory_space<hbm>> -> memref<1x6272x16xf32, #tpu.memory_space<hbm>>
      %dma_start3A_111 = tpu.memref_squeeze %dma_start3A_110 : memref<1x6272x16xf32, #tpu.memory_space<hbm>> -> memref<6272x16xf32, #tpu.memory_space<hbm>>
      %dma_start3A_112 = arith.constant 0 : i32
      %dma_start3A_113 = tpu.memref_slice %arg7[%mul3A_4, %dma_start3A_112] : memref<100352x16xf32, #tpu.memory_space<vmem_shared>> -> memref<6272x16xf32, #tpu.memory_space<vmem_shared>>
      tpu.enqueue_dma source(%dma_start3A_113 : memref<6272x16xf32, #tpu.memory_space<vmem_shared>>) target(%dma_start3A_111 : memref<6272x16xf32, #tpu.memory_space<hbm>>) target_semaphore(%run_scoped3A : memref<!tpu.dma_semaphore, #tpu.memory_space<semaphore_mem>>)
      %dma_wait3A_114 = arith.constant 0 : i32
      %dma_wait3A_115 = tpu.memref_slice %arg6[%arg0, %mul3A_4, %dma_wait3A_114] : memref<2x100352x16xf32, #tpu.memory_space<hbm>> -> memref<1x6272x16xf32, #tpu.memory_space<hbm>>
      %dma_wait3A_116 = tpu.memref_squeeze %dma_wait3A_115 : memref<1x6272x16xf32, #tpu.memory_space<hbm>> -> memref<6272x16xf32, #tpu.memory_space<hbm>>
      %dma_wait3A_117 = arith.constant 0 : i32
      %dma_wait3A_118 = tpu.memref_slice %arg7[%mul3A_4, %dma_wait3A_117] : memref<100352x16xf32, #tpu.memory_space<vmem_shared>> -> memref<6272x16xf32, #tpu.memory_space<vmem_shared>>
      tpu.wait_dma2 semaphore(%run_scoped3A : memref<!tpu.dma_semaphore, #tpu.memory_space<semaphore_mem>>) src(%dma_wait3A_118 : memref<6272x16xf32, #tpu.memory_space<vmem_shared>>) dst(%dma_wait3A_116 : memref<6272x16xf32, #tpu.memory_space<hbm>>)
      tpu.yield
    }) : () -> ()
    return
  }
}

module attributes {stable_mosaic.version = 14 : i64} {
  func.func @_pre_body(%arg0: i32, %arg1: memref<8x2048xf32, #tpu.memory_space<vmem>>, %arg2: memref<2048x16xf32, #tpu.memory_space<vmem>>) attributes {dimension_semantics = [#tpu.dimension_semantics<arbitrary>], iteration_bounds = array<i64: 49>, scalar_prefetch = 0 : i64, scratch_operands = 0 : i64, tpu.core_type = #tpu.core_type<tc>, window_params = [{transform_indices = @transform_0, window_bounds = array<i64: 8, 2048>}, {transform_indices = @transform_1, window_bounds = array<i64: 2048, 16>}]} {
    %get3A = arith.constant 0 : index
    %get3A_0 = arith.constant 0 : index
    %get3A_1 = vector.load %arg1[%get3A, %get3A_0] : memref<8x2048xf32, #tpu.memory_space<vmem>>, vector<8x2048xf32>
    %transpose3A = tpu.transpose %get3A_1, [1, 0] : vector<8x2048xf32> -> vector<2048x8xf32>
    %broadcast_in_dim3A = arith.constant 0.000000e+00 : f32
    %broadcast_in_dim3A_2 = vector.broadcast %broadcast_in_dim3A : f32 to vector<2048x8xf32>
    %concatenate3A = tpu.concatenate %transpose3A, %broadcast_in_dim3A_2 in 1 : vector<2048x8xf32>, vector<2048x8xf32> -> vector<2048x16xf32>
    %swap3A = arith.constant 0 : index
    %swap3A_3 = arith.constant 0 : index
    %swap3A_4 = vector.load %arg2[%swap3A, %swap3A_3] : memref<2048x16xf32, #tpu.memory_space<vmem>>, vector<2048x16xf32>
    tpu.vector_store %arg2[%swap3A, %swap3A_3], %concatenate3A {strides = array<i32>} : memref<2048x16xf32, #tpu.memory_space<vmem>>, vector<2048x16xf32>,
    return
  }
  func.func @transform_0(%arg0: i32) -> (i32, i32) {
    %c0_i32 = arith.constant 0 : i32
    %c0_i32_0 = arith.constant 0 : i32
    return %c0_i32, %arg0 : i32, i32
  }
  func.func @transform_1(%arg0: i32) -> (i32, i32) {
    %c0_i32 = arith.constant 0 : i32
    %c0_i32_0 = arith.constant 0 : i32
    return %arg0, %c0_i32 : i32, i32
  }
}

module attributes {stable_mosaic.version = 14 : i64} {
  func.func @_tc_body(%arg0: i32, %arg1: memref<2x2048x16xf32, #tpu.memory_space<vmem>>, %arg2: memref<2048x8xf32, #tpu.memory_space<vmem>>, %arg3: memref<2048x128xf32, #tpu.memory_space<vmem>>, %arg4: memref<8x128xf32, #tpu.memory_space<vmem>>, %arg5: memref<8x2048xf32, #tpu.memory_space<vmem>>) attributes {dimension_semantics = [#tpu.dimension_semantics<arbitrary>], iteration_bounds = array<i64: 49>, scalar_prefetch = 0 : i64, scratch_operands = 0 : i64, tpu.core_type = #tpu.core_type<tc>, window_params = [{transform_indices = @transform_0, window_bounds = array<i64: 2, 2048, 16>}, {pipeline_mode = #tpu.pipeline_mode<synchronous>, transform_indices = @transform_1, window_bounds = array<i64: 2048, 8>}, {transform_indices = @transform_2, window_bounds = array<i64: 2048, 128>}, {pipeline_mode = #tpu.pipeline_mode<synchronous>, transform_indices = @transform_3, window_bounds = array<i64: 8, 128>}, {transform_indices = @transform_4, window_bounds = array<i64: 8, 2048>}]} {
    %get3A = arith.constant 0 : index
    %get3A_0 = arith.constant 0 : index
    %get3A_1 = arith.constant 0 : index
    %get3A_2 = vector.load %arg1[%get3A, %get3A_0, %get3A_1] : memref<2x2048x16xf32, #tpu.memory_space<vmem>>, vector<1x2048x8xf32>
    %get3A_3 = vector.shape_cast %get3A_2 : vector<1x2048x8xf32> to vector<2048x8xf32>
    %get3A_4 = arith.constant 1 : index
    %get3A_5 = arith.constant 0 : index
    %get3A_6 = arith.constant 0 : index
    %get3A_7 = vector.load %arg1[%get3A_4, %get3A_5, %get3A_6] : memref<2x2048x16xf32, #tpu.memory_space<vmem>>, vector<1x2048x8xf32>
    %get3A_8 = vector.shape_cast %get3A_7 : vector<1x2048x8xf32> to vector<2048x8xf32>
    %add3A = arith.addf %get3A_3, %get3A_8 : vector<2048x8xf32>
    %eq3A = arith.constant 0 : i32
    %eq3A_9 = arith.cmpi eq, %arg0, %eq3A : i32
    %jit3A = arith.constant 1.000000e+00 : f32
    %jit3A_10 = arith.constant 0.000000e+00 : f32
    %select_n3A = arith.select %eq3A_9, %jit3A, %jit3A_10 : f32
    %get3A_11 = arith.constant 0 : index
    %get3A_12 = arith.constant 0 : index
    %get3A_13 = vector.load %arg2[%get3A_11, %get3A_12] : memref<2048x8xf32, #tpu.memory_space<vmem>>, vector<2048x8xf32>
    %mul3A = vector.broadcast %select_n3A : f32 to vector<2048x8xf32>
    %mul3A_14 = arith.mulf %mul3A, %get3A_13 : vector<2048x8xf32>
    %add3A_15 = arith.addf %add3A, %mul3A_14 : vector<2048x8xf32>
    %tanh3A = math.tanh %add3A_15 : vector<2048x8xf32>
    %transpose3A = tpu.transpose %tanh3A, [1, 0] : vector<2048x8xf32> -> vector<8x2048xf32>
    %swap3A = arith.constant 0 : index
    %swap3A_16 = arith.constant 0 : index
    %swap3A_17 = vector.load %arg5[%swap3A, %swap3A_16] : memref<8x2048xf32, #tpu.memory_space<vmem>>, vector<8x2048xf32>
    tpu.vector_store %arg5[%swap3A, %swap3A_16], %transpose3A {strides = array<i32>} : memref<8x2048xf32, #tpu.memory_space<vmem>>, vector<8x2048xf32>,
    %mul3A_18 = arith.constant 2048 : i32
    %mul3A_19 = arith.muli %arg0, %mul3A_18 : i32
    %iota3A = tpu.iota {dimensions = array<i32: 0>} : vector<2048x1xi32>
    %add3A_20 = vector.broadcast %mul3A_19 : i32 to vector<2048x1xi32>
    %add3A_21 = arith.addi %add3A_20, %iota3A : vector<2048x1xi32>
    %lt3A = arith.constant 100000 : i32
    %lt3A_22 = vector.broadcast %lt3A : i32 to vector<2048x1xi32>
    %lt3A_23 = arith.cmpi slt, %add3A_21, %lt3A_22 : vector<2048x1xi32>
    %get3A_24 = arith.constant 0 : index
    %get3A_25 = arith.constant 0 : index
    %get3A_26 = vector.load %arg3[%get3A_24, %get3A_25] : memref<2048x128xf32, #tpu.memory_space<vmem>>, vector<2048x128xf32>
    %jit3A_27 = arith.constant 0.000000e+00 : f32
    %broadcast_in_dim3A = vector.shape_cast %lt3A_23 : vector<2048x1xi1> to vector<2048x1xi1>
    %broadcast_in_dim3A_28 = vector.broadcast %broadcast_in_dim3A : vector<2048x1xi1> to vector<2048x128xi1>
    %broadcast_in_dim3A_29 = vector.broadcast %jit3A_27 : f32 to vector<2048x128xf32>
    %select_n3A_30 = arith.select %broadcast_in_dim3A_28, %get3A_26, %broadcast_in_dim3A_29 : vector<2048x128xi1>, vector<2048x128xf32>
    %dot_general3A = arith.constant dense<0.000000e+00> : vector<8x128xf32>
    %dot_general3A_31 = tpu.matmul %tanh3A, %select_n3A_30, %dot_general3A {dimension_numbers = #tpu.dot_dimension_numbers<[0], [0], [1], [1], [0, 1, 1, 1], [], []>, transpose_lhs_hint = false} : vector<2048x8xf32>, vector<2048x128xf32>, vector<8x128xf32> -> vector<8x128xf32>
    %eq3A_32 = arith.constant 0 : i32
    %eq3A_33 = arith.cmpi eq, %arg0, %eq3A_32 : i32
    %convert_element_type3A = arith.extui %eq3A_33 : i1 to i32
    %cond3A = arith.constant 0 : i32
    %cond3A_34 = arith.cmpi ne, %convert_element_type3A, %cond3A : i32
    scf.if %cond3A_34 {
      %swap3A_39 = arith.constant 0 : index
      %swap3A_40 = arith.constant 0 : index
      %swap3A_41 = vector.load %arg4[%swap3A_39, %swap3A_40] : memref<8x128xf32, #tpu.memory_space<vmem>>, vector<8x128xf32>
      tpu.vector_store %arg4[%swap3A_39, %swap3A_40], %dot_general3A_31 {strides = array<i32>} : memref<8x128xf32, #tpu.memory_space<vmem>>, vector<8x128xf32>,
    } else {
    }
    %ne3A = arith.constant 0 : i32
    %ne3A_35 = arith.cmpi ne, %arg0, %ne3A : i32
    %convert_element_type3A_36 = arith.extui %ne3A_35 : i1 to i32
    %cond3A_37 = arith.constant 0 : i32
    %cond3A_38 = arith.cmpi ne, %convert_element_type3A_36, %cond3A_37 : i32
    scf.if %cond3A_38 {
      %get3A_39 = arith.constant 0 : index
      %get3A_40 = arith.constant 0 : index
      %get3A_41 = vector.load %arg4[%get3A_39, %get3A_40] : memref<8x128xf32, #tpu.memory_space<vmem>>, vector<8x128xf32>
      %add3A_42 = arith.addf %get3A_41, %dot_general3A_31 : vector<8x128xf32>
      %swap3A_43 = arith.constant 0 : index
      %swap3A_44 = arith.constant 0 : index
      %swap3A_45 = vector.load %arg4[%swap3A_43, %swap3A_44] : memref<8x128xf32, #tpu.memory_space<vmem>>, vector<8x128xf32>
      tpu.vector_store %arg4[%swap3A_43, %swap3A_44], %add3A_42 {strides = array<i32>} : memref<8x128xf32, #tpu.memory_space<vmem>>, vector<8x128xf32>,
    } else {
    }
    return
  }
  func.func @transform_0(%arg0: i32) -> (i32, i32, i32) {
    %c0_i32 = arith.constant 0 : i32
    %c0_i32_0 = arith.constant 0 : i32
    %c0_i32_1 = arith.constant 0 : i32
    return %c0_i32, %arg0, %c0_i32_0 : i32, i32, i32
  }
  func.func @transform_1(%arg0: i32) -> (i32, i32) {
    %c0_i32 = arith.constant 0 : i32
    %c0_i32_0 = arith.constant 0 : i32
    %c0_i32_1 = arith.constant 0 : i32
    return %c0_i32, %c0_i32_0 : i32, i32
  }
  func.func @transform_2(%arg0: i32) -> (i32, i32) {
    %c0_i32 = arith.constant 0 : i32
    %c0_i32_0 = arith.constant 0 : i32
    return %arg0, %c0_i32 : i32, i32
  }
  func.func @transform_3(%arg0: i32) -> (i32, i32) {
    %c0_i32 = arith.constant 0 : i32
    %c0_i32_0 = arith.constant 0 : i32
    %c0_i32_1 = arith.constant 0 : i32
    return %c0_i32, %c0_i32_0 : i32, i32
  }
  func.func @transform_4(%arg0: i32) -> (i32, i32) {
    %c0_i32 = arith.constant 0 : i32
    %c0_i32_0 = arith.constant 0 : i32
    return %c0_i32, %arg0 : i32, i32
  }
}

</mosaic_0001>

<sc_bundles>
// kernel: kernel.5.cloned.1.call-start
scs
__scs_entry_jumppad:
0x0: {  	(pc) =	sbr.rel $0x88, $3  }
0x1: {  	(tag) =	ssettag $0x0;
	lr =	simm.s32 $0x1  }
0x2: {  	[smem:$0x3F9C] =	sst lr;
	_ =	strace $0xD0000000  }
0x3: {  	_ = 	snop  }
0x4: {  	_ = 	snop  }
0x5: {  	_ = 	snop  }
0x6: {  	_ = 	snop  }
0x7: {  	_ = 	snop  }
__scs_overlays_trampoline_lowered:
0x8: {  	[smem:$0x3FAB] =	sst s0  }
0x9: {  	[smem:$0x3FAC] =	sst s1  }
0xa: {  	[smem:$0x3FAD] =	sst s2  }
0xb: {  	[smem:$0x3FAE] =	sst s3  }
0xc: {  	[smem:$0x3FAF] =	sst s4  }
0xd: {  	[smem:$0x3FB0] =	sst s5  }
0xe: {  	[smem:$0x3FB1] =	sst s6  }
0xf: {  	[smem:$0x3FB2] =	sst s7  }
0x10: {  	[smem:$0x3FB3] =	sst s8  }
0x11: {  	[smem:$0x3FB4] =	sst s9;
	s0 =	simm.s32 @!p0 $0x0  }
0x12: {  	s1 =	sld [smem:$0x3F9A];
	s0 =	simm.s32 @p0 $0x1  }
0x13: {  	[smem:$0x3FB5] =	sst s0;
	s0 =	simm.s32 @!p1 $0x0  }
0x14: {  	s2 =	sld [smem:$0x3F99];
	s0 =	simm.s32 @p1 $0x1  }
0x15: {  	[smem:$0x3FB6] =	sst s0;
	s0 =	simm.s32 @!p2 $0x0  }
0x16: {  	s3 =	sld [smem:$0x3FDB];
	s0 =	simm.s32 @p2 $0x1  }
0x17: {  	s4 =	simm.s32 $0x1BF5;
	[smem:$0x3FB8] =	sst s0  }
0x18: {  	s0 =	sld [smem:$0x3F9B];
	_ =	swait.ge [sflag:s4], $0x0  }
0x19: {  	s7 =	sld [smem:$0x3F9C]  }
0x1a: {  	s8 =	sadd.s32 $0xFFFFE003, lr  }
0x1b: {  	s9 =	sadd.s32 $0xFFFFFEF7, lr;
	s5 =	simm.s32 $0xFFFFFFFF;
	p2 =	slt.u32 s8, $0xFFFFF086  }
0x1c: {  	p1 =	slt.u32 s9, $0xF7A;
	s5 =	simm.s32 @!p2 $0x0  }
0x1d: {  	s5 =	simm.s32 @p1 $0x1;
	p0 =	seq.s32 s7, s2  }
0x1e: {  	s7 =	smul.u32 @!p0 $0xF7A, s2;
	p2 =	seq.s32 @!p0 s5, $0x0  }
0x1f: {  	s9 =	smul.u32 $0xF7A, s1;
	s8 =	simm.s32 @!p0 $0x1BF5;
	p2 =	por !p2, p0  }
0x20: {  	[sflag:s8] =	ssyncset.s32 @!p0 $0xFFFFF086;
	s6 =	sadd.s32 @!p0 s3, s7;
	s7 =	simm.s32 @!p0 $0x108  }
0x21: {  	s3 =	sadd.s32 s3, s9;
	s6 =	sadd.s32 @!p0 $0x88, s6;
	s7 =	simm.s32 @p2 $0x1082  }
0x22: {  	[simem:s7], [sflag:s8] =	dma.local @!p0 [hbm:s6], $0xF7A  }
0x23: {  	s9 =	sor.u32 $0xD0000000, s2;
	s6 =	simm.s32 $0x108;
	_ =	swait.ge @!p0 [sflag:s8], $0x0  }
0x24: {  	s3 =	sadd.s32 $0x88, s3;
	s6 =	simm.s32 @!p1 $0x1082;
	[sflag:s4] =	ssyncset.s32 $0xFFFFF086  }
0x25: {  	[simem:s6], [sflag:s4] =	dma.local [hbm:s3], $0xF7A  }
0x26: {  	[smem:$0x3F9C] =	sst s1;
	(tag) =	ssettag s2;
	_ =	strace s9  }
0x27: {  	s1 =	sld [smem:$0x3FAC]  }
0x28: {  	s2 =	sld [smem:$0x3FAD]  }
0x29: {  	s4 =	sld [smem:$0x3FAF]  }
0x2a: {  	p0 =	seq.s32 s5, $0x0;
	s5 =	sld [smem:$0x3FB0]  }
0x2b: {  	s6 =	sld [smem:$0x3FB1]  }
0x2c: {  	s7 =	sld [smem:$0x3FB2]  }
0x2d: {  	s3 =	simm.s32 $0x108;
	s8 =	sld [smem:$0x3FB3]  }
0x2e: {  	s3 =	simm.s32 @!p0 $0x1082;
	s9 =	sld [smem:$0x3FB4]  }
0x2f: {  	lr =	sadd.s32 s0, s3;
	s0 =	sld [smem:$0x3FAB]  }
0x30: {  	s3 =	sld [smem:$0x3FAE]  }
0x31: {  	[smem:$0x3FB7] =	sst s10  }
0x32: {  	s10 =	sld [smem:$0x3FB5];
	_ =	sdelay $0x3  }
0x33: {  	p0 =	seq.s32 s10, $0x1;
	s10 =	sld [smem:$0x3FB7];
	_ =	sdelay $0x3  }
0x34: {  	[smem:$0x3FB7] =	sst s10  }
0x35: {  	s10 =	sld [smem:$0x3FB6];
	_ =	sdelay $0x3  }
0x36: {  	p1 =	seq.s32 s10, $0x1;
	s10 =	sld [smem:$0x3FB7];
	_ =	sdelay $0x3  }
0x37: {  	[smem:$0x3FB7] =	sst s10  }
0x38: {  	s10 =	sld [smem:$0x3FB8]  }
0x39: {  	_ = 	snop;
	(pc) =	sbr.ind lr, $3  }
0x3a: {  	_ = 	snop  }
0x3b: {  	_ = 	snop  }
0x3c: {  	p2 =	seq.s32 s10, $0x1;
	s10 =	sld [smem:$0x3FB7]  }
0x3d: {  	_ =	shalt  }
0x3e: {  	_ =	shalt  }
0x3f: {  	_ =	shalt  }
0x40: {  	_ =	shalt  }
0x41: {  	_ =	shalt  }
0x42: {  	_ =	shalt  }
0x43: {  	_ =	shalt  }
0x44: {  	_ =	shalt  }
0x45: {  	_ =	shalt  }
0x46: {  	_ =	shalt  }
0x47: {  	_ =	shalt  }
0x48: {  	_ =	shalt  }
0x49: {  	_ =	shalt  }
0x4a: {  	_ =	shalt  }
0x4b: {  	_ =	shalt  }
0x4c: {  	_ =	shalt  }
0x4d: {  	_ =	shalt  }
0x4e: {  	_ =	shalt  }
0x4f: {  	_ =	shalt  }
0x50: {  	_ =	shalt  }
0x51: {  	_ =	shalt  }
0x52: {  	_ =	shalt  }
0x53: {  	_ =	shalt  }
0x54: {  	_ =	shalt  }
0x55: {  	_ =	shalt  }
0x56: {  	_ =	shalt  }
0x57: {  	_ =	shalt  }
0x58: {  	_ =	shalt  }
0x59: {  	_ =	shalt  }
0x5a: {  	_ =	shalt  }
0x5b: {  	_ =	shalt  }
0x5c: {  	_ =	shalt  }
0x5d: {  	_ =	shalt  }
0x5e: {  	_ =	shalt  }
0x5f: {  	_ =	shalt  }
0x60: {  	_ =	shalt  }
0x61: {  	_ =	shalt  }
0x62: {  	_ =	shalt  }
0x63: {  	_ =	shalt  }
0x64: {  	_ =	shalt  }
0x65: {  	_ =	shalt  }
0x66: {  	_ =	shalt  }
0x67: {  	_ =	shalt  }
0x68: {  	_ =	shalt  }
0x69: {  	_ =	shalt  }
0x6a: {  	_ =	shalt  }
0x6b: {  	_ =	shalt  }
0x6c: {  	_ =	shalt  }
0x6d: {  	_ =	shalt  }
0x6e: {  	_ =	shalt  }
0x6f: {  	_ =	shalt  }
0x70: {  	_ =	shalt  }
0x71: {  	_ =	shalt  }
0x72: {  	_ =	shalt  }
0x73: {  	_ =	shalt  }
0x74: {  	_ =	shalt  }
0x75: {  	_ =	shalt  }
0x76: {  	_ =	shalt  }
0x77: {  	_ =	shalt  }
0x78: {  	_ =	shalt  }
0x79: {  	_ =	shalt  }
0x7a: {  	_ =	shalt  }
0x7b: {  	_ =	shalt  }
0x7c: {  	_ =	shalt  }
0x7d: {  	_ =	shalt  }
0x7e: {  	_ =	shalt  }
0x7f: {  	_ =	shalt  }
0x80: {  	_ =	shalt  }
0x81: {  	_ =	shalt  }
0x82: {  	_ =	shalt  }
0x83: {  	_ =	shalt  }
0x84: {  	_ =	shalt  }
0x85: {  	_ =	shalt  }
0x86: {  	_ =	shalt  }
0x87: {  	_ =	shalt  }
.Lfunc_end0:
.L_simem_size_0:
called_computation_lowered:
.L_overlay_start_0:
0x88: {  	s2 =	sld [smem:$0x3FD9]  }
0x89: {  	s3 =	sld [smem:$0x3FFE];
	_ =	sdelay $0x1  }
0x8a: {  	s1 =	srdreg.scid  }
0x8b: {  	s0 =	sand.u32 $0x1, s1  }
0x8c: {  	s17 =	sshll.u32 s0, $0xA;
	s2 =	sadd.s32 s3, s2  }
0x8d: {  	s2 =	sadd.s32 s2, s17  }
0x8e: {  	[smem:$0x3FC3] =	sst s2  }
0x8f: {  	_ = 	snop  }
0x90: {  	s2 =	sld [smem:$0x3FC6];
	(tm) =	ssettm $0x1  }
0x91: {  	s18 =	sld [smem:$0x3FFB];
	_ =	sdelay $0x3  }
0x92: {  	_ =	strace s18  }
0x93: {  	s3 =	sld [smem:$0x3FFC];
	_ =	sdelay $0x3  }
0x94: {  	_ =	strace s3  }
0x95: {  	s3 =	sld [smem:$0x3FFD];
	_ =	sdelay $0x3  }
0x96: {  	_ =	strace s3  }
0x97: {  	_ =	strace $0x8FFFFFFF  }
0x98: {  	s19 =	sld [smem:$0x3FDB];
	_ =	sdelay $0x1  }
0x99: {  	s4 =	simm.s32 $_scs_section_size  }
0x9a: {  	s5 =	simm.s32 $_size__tile_overlayer_lowered;
	s6 =	simm.s32 $_tile_overlayer_lowered  }
0x9b: {  	s22 =	simm.s32 $0x1BFF;
	s21 =	sshll.u32 s6, $0x1;
	s3 =	sadd.s32 s4, s19  }
0x9c: {  	s7 =	simm.s32 $0x0;
	s20 =	sshll.u32 s5, $0x1;
	s5 =	sadd.s32 s21, s3  }
0x9d: {  	[timem:s7], [sflag:s22] =	dma.local [hbm:s5], s20  }
0x9e: {  	_ =	swait.ge [sflag:s22], s20  }
0x9f: {  	s4 =	ssub.s32 $0x0, s20;
	[sflag:s22] =	ssyncset.done $0x0  }
0xa0: {  	[sflag:s22] =	ssyncadd.s32 s4;
	_ =	sdelay $0x1  }
0xa1: {  	s23 =	simm.s32 $0x1B8B  }
0xa2: {  	_ =	swait.ge [sflag:s23], $0x1  }
0xa3: {  	[sflag:s23] =	ssyncset.done $0x0  }
0xa4: {  	s25 =	simm.s32 $0x1B8E;
	s24 =	sld [smem:$0x3FFE];
	[sflag:s23] =	ssyncadd.s32 $0xFFFFFFFF  }
0xa5: {  	s26 =	simm.s32 $execute0_lowered;
	[smem:$0x3FD2] =	sst s25  }
0xa6: {  	s5 =	sshll.u32 s26, $0x1;
	_ =	strace $0x80000046;
	[dreg:$0x1] =	wrdreg $0xFFFFFFFF  }
0xa7: {  	s28 =	simm.s32 $_size_execute0_lowered;
	s3 =	sadd.s32 s3, s5;
	[dreg:$0x0] =	wrdreg $0x0  }
0xa8: {  	s5 =	sshll.u32 s28, $0x1;
	[dreg:$0x2] =	wrdreg s3  }
0xa9: {  	[dreg:$0x3] =	wrdreg s5  }
0xaa: {  	[dreg:$0x4] =	wrdreg $0xC0  }
0xab: {  	_ =	task [dreg:s7], $0x5FFFF  }
0xac: {  	[dreg:$0x1] =	wrdreg $0xFFFFFFFF  }
0xad: {  	[dreg:$0x0] =	wrdreg $0x60  }
0xae: {  	[dreg:$0x2] =	wrdreg s24  }
0xaf: {  	[dreg:$0x3] =	wrdreg s2  }
0xb0: {  	[dreg:$0x4] =	wrdreg $0x0  }
0xb1: {  	[dreg:$0x5] =	wrdreg $0x9  }
0xb2: {  	_ =	task.clear_ibuf [dreg:s7], $0x6FFFF;
	_ =	strace $0x90000046  }
0xb3: {  	s29 =	simm.s32 $0x9;
	_ =	strace $0x80000048  }
0xb4: {  	_ =	swait.ge [sflag:s29], $0x1  }
0xb5: {  	[sflag:s29] =	ssyncadd.s32 $0xFFFFFFFF  }
0xb6: {  	_ =	strace $0x90000048  }
0xb7: {  	_ =	sfence  }
0xb8: {  	s30 =	sld [smem:$0x0];
	_ =	sdelay $0x2  }
0xb9: {  	s31 =	sshll.u32 s1, $0xD;
	s1 =	sshrl.u32 s1, $0x2  }
0xba: {  	s3 =	sand.u32 $0x4000, s31;
	s1 =	sadd.s32 s1, s30  }
0xbb: {  	s0 =	sor.u32 s3, s0;
	s1 =	sshll.u32 s1, $0x11  }
0xbc: {  	s0 =	sor.u32 s1, s0  }
0xbd: {  	s0 =	sadd.s32 $0x8F2B, s0  }
0xbe: {  	[sflag:s0] =	ssyncadd.remote.s32 $0x1  }
0xbf: {  	_ =	sfence.sel $0xFFFF  }
0xc0: {  	[dreg:$0x0] =	wrdreg $0xFFFFFFFF;
	(pc) =	sbr.abs _section_cstart, $3  }
0xc1: {  	[dreg:$0x1] =	wrdreg $0xFFFFFFFF  }
0xc2: {  	_ =	task.clear_ibuf [dreg:s7], $0x2FFFF;
	_ =	strace $0x9FFFFFFF  }
0xc3: {  	(tm) =	ssettm $0x7FFFFFFF  }
tec
execute0_lowered:
.L_overlay_start_1:
0x0: {  	(tag) =	ssettag $0x1  }
0x1: {  	s0 =	rddreg [dreg:$0x0]  }
0x2: {  	s2 =	rddreg [dreg:$0x1]  }
0x3: {  	s3 =	rddreg [dreg:$0x2];
	s1 =	srdreg.scid  }
0x4: {  	s11 =	stileid.u32;
	s5 =	simm.s32 $0x0;
	s28 =	simm.s32 $0x19160  }
0x5: {  	s30 =	simm.s32 $0x18800;
	s31 =	simm.s32 $0x1;
	s1 =	sand.u32 $0x1, s1  }
0x6: {  	s4 =	smul.u32 $0x18800, s11;
	[smem:$0x7FF] =	sst s5;
	s5 =	sadd.s32 $0x24AC00, s0  }
0x7: {  	s6 =	sadd.s32 $0x62600, s0;
	s7 =	sadd.s32 $0xA00, s0;
	s10 =	smul.u32 $0x62000, s11  }
0x8: {  	s11 =	sshll.u32 s11, $0x1;
	s8 =	smul.u32 $0x188000, s1;
	_ =	strace $0x80000047  }
0x9: {  	s9 =	ssub.s32 $0x2, s1;
	s1 =	sor.u32 s1, s11;
	s11 =	simm.s32 $0x3  }
0xa: {  	s29 =	sshrl.u32 s9, $0x1;
	s12 =	sshrl.u32 s10, $0x2;
	s1 =	smul.u32 $0x186A0, s1  }
0xb: {  	s21 =	sadd.s32 s4, s3;
	s10 =	simm.s32 $0x1C360;
	s13 =	sadd.s32 s12, s3  }
0xc: {  	s8 =	sadd.s32 s4, s8;
	[dreg:$0x4] =	wrdreg s21;
	s14 =	sadd.s32 $0x6200, s13  }
0xd: {  	s12 =	simm.s32 $0x5;
	s15 =	sadd.s32 $0x9300, s13;
	[dreg:$0x6] =	wrdreg s14  }
0xe: {  	s8 =	sshrl.u32 s8, $0x3;
	s16 =	sadd.s32 $0xC400, s13;
	[dreg:$0x7] =	wrdreg s15  }
0xf: {  	s17 =	sadd.s32 $0xF500, s13;
	s18 =	sadd.s32 $0x12600, s13;
	[dreg:$0x8] =	wrdreg s16  }
0x10: {  	s4 =	sadd.s32 $0x15700, s13;
	s19 =	sshrl.u32 s1, $0x3;
	[dreg:$0x9] =	wrdreg s17  }
0x11: {  	s0 =	sadd.s32 s8, s0;
	s8 =	ssub.s32 s9, s29;
	[dreg:$0xa] =	wrdreg s18  }
0x12: {  	s9 =	sadd.s32 $0x3100, s13;
	[dreg:$0xb] =	wrdreg s4;
	s16 =	sadd.s32 $0x320, s1  }
0x13: {  	s20 =	sadd.s32 s6, s19;
	s22 =	sadd.s32 s7, s19;
	s4 =	sadd.s32 s2, s19  }
0x14: {  	s13 =	simm.s32 $0x1CCC0;
	s14 =	simm.s32 $0x1C680;
	[dreg:$0x5] =	wrdreg s9  }
0x15: {  	s15 =	simm.s32 $0x1C9A0;
	s17 =	simm.s32 $0x2;
	[dreg:$0xc] =	wrdreg s20  }
0x16: {  	s18 =	simm.s32 $0x7;
	s19 =	simm.s32 $0x4;
	[dreg:$0xd] =	wrdreg s22  }
0x17: {  	s23 =	sshrl.u32 s16, $0x3;
	[dreg:$0xe] =	wrdreg s4;
	s0 =	sadd.s32 $0xC4200, s0  }
0x18: {  	v0 =	vimm.f32 $0.0e+00;
	v1 =	vimm.s32 $0x0;
	s29 =	smax.u32 s8, $0x1;
	s22 =	simm.s32 $0x9;
	[dreg:$0x12] =	wrdreg s0  }
0x19: {  	v2 =	vimm.s32 $0x1;
	v3 =	vimm.s32 $0x2;
	v4 =	vimm.s32 $0x3;
	s9 =	simm.s32 $0x18E40;
	s24 =	sadd.s32 s6, s23;
	[dreg:$0x13] =	wrdreg s29  }
0x1a: {  	v5 =	vimm.s32 $0x4;
	v6 =	vimm.s32 $0x5;
	v7 =	vimm.s32 $0x6;
	s20 =	simm.s32 $0x6;
	s25 =	sadd.s32 s7, s23;
	[dreg:$0xf] =	wrdreg s24  }
0x1b: {  	v8 =	vimm.s32 $0x7;
	v9 =	vimm.s32 $0x8;
	v10 =	vimm.s32 $0x9;
	s8 =	simm.s32 $0x0;
	s26 =	sadd.s32 s2, s23;
	[dreg:$0x10] =	wrdreg s25  }
0x1c: {  	v11 =	vimm.s32 $0xA;
	v12 =	vimm.s32 $0xB;
	v13 =	vimm.s32 $0xC;
	s23 =	sadd.s32 $0x640, s1;
	s0 =	simm.s32 $0x320;
	[dreg:$0x11] =	wrdreg s26  }
0x1d: {  	v14 =	vimm.s32 $0xD;
	v15 =	vimm.s32 $0xE;
	v16 =	vimm.s32 $0xF;
	s24 =	sadd.s32 $0x960, s1;
	s1 =	simm.s32 $0x18B20;
	s25 =	simm.s32 $0x8  }
.LBB2_1:
0x1e: {  	[dreg:$0x14] =	wrdreg s8;
	s8 =	simm.s32 $0x40;
	s4 =	simm.s32 $0x0  }
.LBB2_2:
0x1f: {  	p0 =	sne.s32 s8, $0xC3C0;
	[tilespmem:s4+$0x19160] =	vst v0;
	s4 =	smov.u32 s8;
	s8 =	sadd.s32 $0x40, s8  }
.Ltmp0:
0x20: {  	(pc) =	sbr.rel @p0 .LBB2_2-.Ltmp0, $2  }
0x21: {  	_ =	sdelay $0x2  }
0x22: {  	s4 =	sshra.s32 s4, $0x2  }
0x23: {  	[tilespmem:s4+$0x19160] =	vst v0  }
0x24: {  	[spmem:s21] =	stream.linear.scatter [tilespmem:s28], [sflag:$0x9], $0x3100, $0x38;
	[tilespmem:$0x1FEC0] =	vst v63  }
0x25: {  	_ =	swait.ge [sflag:s22], $0x3100  }
0x26: {  	[sflag:s22] =	ssyncset.done $0x0  }
0x27: {  	s26 =	rddreg [dreg:$0x5];
	[sflag:s22] =	ssyncadd.s32 $0xFFFFCF00  }
0x28: {  	[spmem:s26] =	stream.linear.scatter [tilespmem:s28], [sflag:$0x9], $0x3100, $0x38;
	[tilespmem:$0x1FEC0] =	vst v63  }
0x29: {  	_ =	swait.ge [sflag:s22], $0x3100  }
0x2a: {  	[sflag:s22] =	ssyncset.done $0x0  }
0x2b: {  	s29 =	rddreg [dreg:$0x6];
	[sflag:s22] =	ssyncadd.s32 $0xFFFFCF00  }
0x2c: {  	[spmem:s29] =	stream.linear.scatter [tilespmem:s28], [sflag:$0x9], $0x3100, $0x38;
	[tilespmem:$0x1FEC0] =	vst v63  }
0x2d: {  	_ =	swait.ge [sflag:s22], $0x3100  }
0x2e: {  	[sflag:s22] =	ssyncset.done $0x0  }
0x2f: {  	s8 =	rddreg [dreg:$0x7];
	[sflag:s22] =	ssyncadd.s32 $0xFFFFCF00  }
0x30: {  	[spmem:s8] =	stream.linear.scatter [tilespmem:s28], [sflag:$0x9], $0x3100, $0x38;
	[tilespmem:$0x1FEC0] =	vst v63  }
0x31: {  	_ =	swait.ge [sflag:s22], $0x3100  }
0x32: {  	[sflag:s22] =	ssyncset.done $0x0  }
0x33: {  	s21 =	rddreg [dreg:$0x8];
	[sflag:s22] =	ssyncadd.s32 $0xFFFFCF00  }
0x34: {  	[spmem:s21] =	stream.linear.scatter [tilespmem:s28], [sflag:$0x9], $0x3100, $0x38;
	[tilespmem:$0x1FEC0] =	vst v63  }
0x35: {  	_ =	swait.ge [sflag:s22], $0x3100  }
0x36: {  	[sflag:s22] =	ssyncset.done $0x0  }
0x37: {  	s26 =	rddreg [dreg:$0x9];
	[sflag:s22] =	ssyncadd.s32 $0xFFFFCF00  }
0x38: {  	[spmem:s26] =	stream.linear.scatter [tilespmem:s28], [sflag:$0x9], $0x3100, $0x38;
	[tilespmem:$0x1FEC0] =	vst v63  }
0x39: {  	_ =	swait.ge [sflag:s22], $0x3100  }
0x3a: {  	[sflag:s22] =	ssyncset.done $0x0  }
0x3b: {  	s29 =	rddreg [dreg:$0xa];
	[sflag:s22] =	ssyncadd.s32 $0xFFFFCF00  }
0x3c: {  	[spmem:s29] =	stream.linear.scatter [tilespmem:s28], [sflag:$0x9], $0x3100, $0x38;
	[tilespmem:$0x1FEC0] =	vst v63  }
0x3d: {  	_ =	swait.ge [sflag:s22], $0x3100  }
0x3e: {  	[sflag:s22] =	ssyncset.done $0x0  }
0x3f: {  	s8 =	rddreg [dreg:$0xb];
	[sflag:s22] =	ssyncadd.s32 $0xFFFFCF00  }
0x40: {  	[spmem:s8] =	stream.linear.scatter [tilespmem:s28], [sflag:$0x9], $0x3100, $0x38;
	[tilespmem:$0x1FEC0] =	vst v63  }
0x41: {  	_ =	swait.ge [sflag:s22], $0x3100  }
0x42: {  	[sflag:s22] =	ssyncset.done $0x0  }
0x43: {  	[sflag:s22] =	ssyncadd.s32 $0xFFFFCF00  }
0x44: {  	[bflag:$0x0] =	sbarrier.arrive $0xFFFF  }
0x45: {  	s8 =	simm.s32 $0x0;
	s21 =	rddreg [dreg:$0xc]  }
0x46: {  	[tilespmem:s30], [sflag:$0x1] =	stream.linear.gather [hbm4b:s21+s8], $0x320, $0x38;
	[tilespmem:$0x1FEC0] =	vst v63  }
0x47: {  	_ =	swait.ge [sflag:s31], $0x320  }
0x48: {  	[sflag:s31] =	ssyncset.done $0x0  }
0x49: {  	[sflag:s31] =	ssyncadd.s32 $0xFFFFFCE0  }
0x4a: {  	[tilespmem:s28], [sflag:$0x3] =	stream.indirect.gather [hbm4b:s5+s0], $0x10, s30, s0, $0xb8;
	[tilespmem:$0x1FEC0] =	vst v63  }
0x4b: {  	s22 =	rddreg [dreg:$0xd]  }
0x4c: {  	[tilespmem:s1], [sflag:$0x2] =	stream.linear.gather [hbm4b:s22+s8], $0x320, $0x38;
	[tilespmem:$0x1FEC0] =	vst v63  }
0x4d: {  	s26 =	rddreg [dreg:$0xe]  }
0x4e: {  	[tilespmem:s9], [sflag:$0x2] =	stream.linear.gather [hbm4b:s26+s8], $0x320, $0x38;
	[tilespmem:$0x1FEC0] =	vst v63  }
0x4f: {  	s29 =	rddreg [dreg:$0xf]  }
0x50: {  	[tilespmem:s10], [sflag:$0x5] =	stream.linear.gather [hbm4b:s29+s8], $0x320, $0x38;
	[tilespmem:$0x1FEC0] =	vst v63  }
.LBB2_4:
0x51: {  	_ =	swait.ge [sflag:s11], $0x3200;
	p0 =	sne.s32 s8, $0x0  }
.Ltmp1:
0x52: {  	[sflag:s11] =	ssyncset.done $0x0;
	(pc) =	sbr.rel @!p0 .LBB2_5-.Ltmp1, $4  }
0x53: {  	[sflag:s11] =	ssyncadd.s32 $0xFFFFCE00  }
0x54: {  	_ =	swait.ge [sflag:s12], $0x320  }
0x55: {  	[sflag:s12] =	ssyncset.done $0x0  }
0x56: {  	[sflag:s12] =	ssyncadd.s32 $0xFFFFFCE0  }
0x57: {  	_ =	swait.ge [sflag:s25], $0x3200;
	s26 =	smul.u32 $0x640, s8  }
0x58: {  	[sflag:s25] =	ssyncset.done $0x0  }
0x59: {  	[sflag:s25] =	ssyncadd.s32 $0xFFFFCE00;
	s4 =	sadd.s32 s26, s16  }
0x5a: {  	[tilespmem:s13], [sflag:$0x7] =	stream.indirect.gather [hbm4b:s5+s0], $0x10, s10, s0, $0xb8;
	[tilespmem:$0x1FEC0] =	vst v63  }
0x5b: {  	s4 =	sshrl.u32 s4, $0x3  }
0x5c: {  	s22 =	simm.s32 $0x0;
	s21 =	sadd.s32 s7, s4  }
0x5d: {  	[tilespmem:s14], [sflag:$0x6] =	stream.linear.gather [hbm4b:s21+s22], $0x320, $0x38;
	[tilespmem:$0x1FEC0] =	vst v63  }
0x5e: {  	s4 =	sadd.s32 s2, s4  }
0x5f: {  	[tilespmem:s15], [sflag:$0x6] =	stream.linear.gather [hbm4b:s4+s22], $0x320, $0x38;
	[tilespmem:$0x1FEC0] =	vst v63  }
0x60: {  	_ =	swait.ge [sflag:s17], $0x320  }
0x61: {  	[sflag:s17] =	ssyncset.done $0x0  }
0x62: {  	[sflag:s17] =	ssyncadd.s32 $0xFFFFFCE0  }
0x63: {  	_ =	swait.ge [sflag:s17], $0x320  }
0x64: {  	[sflag:s17] =	ssyncset.done $0x0  }
0x65: {  	s21 =	simm.s32 $0x191E0;
	[sflag:s17] =	ssyncadd.s32 $0xFFFFFCE0  }
0x66: {  	s29 =	simm.s32 $0x40;
	s4 =	simm.s32 $0x0;
	s22 =	simm.s32 $0x191E0;
	v17 =	vld [tilespmem:s21+$0xFFFFFFB0]  }
.LBB2_9:
0x67: {  	p0 =	sne.s32 s29, $0xC40;
	v18 =	vld [tilespmem:s4+$0x18E40]  }
0x68: {  	v19 =	vld [tilespmem:s21+$0xFFFFFF90]  }
0x69: {  	v20 =	vld [tilespmem:s21+$0xFFFFFF80]  }
0x6a: {  	v21 =	vld [tilespmem:s21+$0xFFFFFFA0]  }
0x6b: {  	v22 =	vld [tilespmem:s21+$0xFFFFFFF0]  }
0x6c: {  	v23 =	vperm.xlane v18, v1;
	v24 =	vperm.xlane v18, v2;
	v25 =	vld [tilespmem:s21+$0xFFFFFFD0]  }
0x6d: {  	v26 =	vperm.xlane v18, v3;
	v27 =	vperm.xlane v18, v4;
	v28 =	vld [tilespmem:s21+$0xFFFFFFC0]  }
0x6e: {  	v20 =	vmul.f32 v23, v20;
	v19 =	vmul.f32 v24, v19;
	v23 =	vld [tilespmem:s21+$0xFFFFFFE0]  }
0x6f: {  	v17 =	vmul.f32 v27, v17;
	v21 =	vmul.f32 v26, v21;
	v24 =	vld [tilespmem:s21+$0x30]  }
0x70: {  	v26 =	vperm.xlane v18, v6;
	[tilespmem:s21+$0xFFFFFF80] =	vst v20;
	v20 =	vperm.xlane v18, v5;
	v27 =	vld [tilespmem:s21+$0x10]  }
0x71: {  	v29 =	vperm.xlane v18, v8;
	[tilespmem:s21+$0xFFFFFF90] =	vst v19;
	v19 =	vperm.xlane v18, v7;
	v30 =	vld [tilespmem:s21+$0x0]  }
0x72: {  	[tilespmem:s21+$0xFFFFFFA0] =	vst v21;
	v20 =	vmul.f32 v20, v28;
	v21 =	vmul.f32 v26, v25;
	v25 =	vld [tilespmem:s21+$0x20]  }
0x73: {  	[tilespmem:s21+$0xFFFFFFB0] =	vst v17;
	v17 =	vmul.f32 v19, v23;
	v19 =	vmul.f32 v29, v22;
	v22 =	vld [tilespmem:s21+$0x70]  }
0x74: {  	v23 =	vperm.xlane v18, v10;
	[tilespmem:s21+$0xFFFFFFC0] =	vst v20;
	v20 =	vperm.xlane v18, v9;
	v26 =	vld [tilespmem:s21+$0x50]  }
0x75: {  	v28 =	vperm.xlane v18, v12;
	[tilespmem:s21+$0xFFFFFFD0] =	vst v21;
	v21 =	vperm.xlane v18, v11;
	v29 =	vld [tilespmem:s21+$0x40]  }
0x76: {  	[tilespmem:s21+$0xFFFFFFE0] =	vst v17;
	v17 =	vmul.f32 v20, v30;
	v20 =	vmul.f32 v23, v27;
	v23 =	vld [tilespmem:s21+$0x60]  }
0x77: {  	[tilespmem:s21+$0xFFFFFFF0] =	vst v19;
	v19 =	vmul.f32 v21, v25;
	v21 =	vmul.f32 v28, v24  }
0x78: {  	v24 =	vperm.xlane v18, v14;
	[tilespmem:s21+$0x0] =	vst v17;
	v17 =	vperm.xlane v18, v13  }
0x79: {  	[tilespmem:s21+$0x10] =	vst v20;
	v20 =	vperm.xlane v18, v15;
	v18 =	vperm.xlane v18, v16  }
0x7a: {  	[tilespmem:s21+$0x20] =	vst v19;
	v17 =	vmul.f32 v17, v29;
	v19 =	vmul.f32 v24, v26  }
.Ltmp2:
0x7b: {  	[tilespmem:s21+$0x30] =	vst v21;
	v20 =	vmul.f32 v20, v23;
	v18 =	vmul.f32 v18, v22;
	(pc) =	sbr.rel @p0 .LBB2_9-.Ltmp2, $4  }
0x7c: {  	[tilespmem:s21+$0x40] =	vst v17  }
0x7d: {  	[tilespmem:s21+$0x50] =	vst v19  }
0x7e: {  	s21 =	sadd.s32 $0x100, s21;
	[tilespmem:s22+$0x60] =	vst v20  }
0x7f: {  	s4 =	sshra.s32 s29, $0x2;
	s29 =	sadd.s32 $0x40, s29;
	v17 =	vld [tilespmem:s21+$0xFFFFFFB0];
	[tilespmem:s22+$0x70] =	vst v18;
	s22 =	smov.u32 s21  }
0x80: {  	v18 =	vld [tilespmem:s4+$0x18E40];
	_ =	sdelay $0x1  }
0x81: {  	v19 =	vld [tilespmem:s21+$0xFFFFFF80]  }
0x82: {  	v20 =	vld [tilespmem:s21+$0xFFFFFF90]  }
0x83: {  	v21 =	vld [tilespmem:s21+$0xFFFFFFA0]  }
0x84: {  	v22 =	vperm.xlane v18, v1  }
0x85: {  	v25 =	vld [tilespmem:s21+$0xFFFFFFD0];
	v23 =	vperm.xlane v18, v2  }
0x86: {  	v24 =	vld [tilespmem:s21+$0xFFFFFFC0];
	v26 =	vperm.xlane v18, v3;
	v19 =	vmul.f32 v22, v19  }
0x87: {  	v48 =	vld [tilespmem:s21+$0xFFFFFFE0];
	v47 =	vperm.xlane v18, v4;
	v20 =	vmul.f32 v23, v20  }
0x88: {  	v51 =	vld [tilespmem:s21+$0x10];
	v49 =	vperm.xlane v18, v6;
	v21 =	vmul.f32 v26, v21;
	[tilespmem:s21+$0xFFFFFF80] =	vst v19  }
0x89: {  	v27 =	vld [tilespmem:s21+$0xFFFFFFF0];
	v17 =	vmul.f32 v47, v17;
	v19 =	vperm.xlane v18, v5;
	[tilespmem:s21+$0xFFFFFF90] =	vst v20  }
0x8a: {  	v50 =	vld [tilespmem:s21+$0x0];
	v28 =	vperm.xlane v18, v7;
	v22 =	vmul.f32 v49, v25;
	[tilespmem:s21+$0xFFFFFFA0] =	vst v21  }
0x8b: {  	v56 =	vld [tilespmem:s21+$0x50];
	v54 =	vperm.xlane v18, v10;
	[tilespmem:s21+$0xFFFFFFB0] =	vst v17;
	v19 =	vmul.f32 v19, v24  }
0x8c: {  	v53 =	vld [tilespmem:s21+$0x20];
	v52 =	vperm.xlane v18, v8;
	v23 =	vmul.f32 v28, v48;
	[tilespmem:s21+$0xFFFFFFD0] =	vst v22  }
0x8d: {  	v59 =	vmul.f32 v54, v51;
	v17 =	vld [tilespmem:s21+$0x30];
	[tilespmem:s21+$0xFFFFFFC0] =	vst v19;
	v19 =	vperm.xlane v18, v9  }
0x8e: {  	v55 =	vld [tilespmem:s21+$0x40];
	v62 =	vperm.xlane v18, v14;
	v21 =	vmul.f32 v52, v27;
	[tilespmem:s21+$0xFFFFFFE0] =	vst v23  }
0x8f: {  	v60 =	vld [tilespmem:s21+$0x60];
	v57 =	vperm.xlane v18, v11;
	[tilespmem:s21+$0x10] =	vst v59;
	v19 =	vmul.f32 v19, v50  }
0x90: {  	v61 =	vld [tilespmem:s21+$0x70];
	v58 =	vperm.xlane v18, v12;
	v20 =	vmul.f32 v62, v56;
	[tilespmem:s21+$0xFFFFFFF0] =	vst v21  }
0x91: {  	v24 =	vmul.f32 v57, v53;
	[tilespmem:s21+$0x0] =	vst v19;
	v19 =	vperm.xlane v18, v13  }
0x92: {  	v63 =	vperm.xlane v18, v15;
	[tilespmem:s21+$0x50] =	vst v20;
	v17 =	vmul.f32 v58, v17  }
0x93: {  	[tilespmem:s21+$0x20] =	vst v24;
	v18 =	vperm.xlane v18, v16;
	v19 =	vmul.f32 v19, v55  }
.Ltmp3:
0x94: {  	[tilespmem:s21+$0x30] =	vst v17;
	v17 =	vmul.f32 v63, v60;
	(pc) =	sbr.rel .LBB2_11-.Ltmp3, $4  }
0x95: {  	v18 =	vmul.f32 v18, v61;
	[tilespmem:s21+$0x40] =	vst v19  }
0x96: {  	[tilespmem:s22+$0x60] =	vst v17  }
0x97: {  	s4 =	sadd.s32 s26, s23;
	[tilespmem:s22+$0x70] =	vst v18  }
0x98: {  	[spmem:s3] =	stream.indirect.scatter.add.f32 [tilespmem:s28], [sflag:$0x4], $0x10, s1, s0, $0xb8;
	[tilespmem:$0x1FEC0] =	vst v63  }
.LBB2_5:
0x99: {  	[tilespmem:s13], [sflag:$0x7] =	stream.indirect.gather [hbm4b:s5+s0], $0x10, s10, s0, $0xb8;
	[tilespmem:$0x1FEC0] =	vst v63  }
0x9a: {  	s4 =	simm.s32 $0x0;
	s21 =	rddreg [dreg:$0x10]  }
0x9b: {  	[tilespmem:s14], [sflag:$0x6] =	stream.linear.gather [hbm4b:s21+s4], $0x320, $0x38;
	[tilespmem:$0x1FEC0] =	vst v63  }
0x9c: {  	s26 =	rddreg [dreg:$0x11]  }
0x9d: {  	[tilespmem:s15], [sflag:$0x6] =	stream.linear.gather [hbm4b:s26+s4], $0x320, $0x38;
	[tilespmem:$0x1FEC0] =	vst v63  }
0x9e: {  	_ =	swait.ge [sflag:s17], $0x320  }
0x9f: {  	[sflag:s17] =	ssyncset.done $0x0  }
0xa0: {  	[sflag:s17] =	ssyncadd.s32 $0xFFFFFCE0  }
0xa1: {  	_ =	swait.ge [sflag:s17], $0x320  }
0xa2: {  	[sflag:s17] =	ssyncset.done $0x0  }
0xa3: {  	s26 =	simm.s32 $0x191E0;
	[sflag:s17] =	ssyncadd.s32 $0xFFFFFCE0  }
0xa4: {  	s29 =	simm.s32 $0x0;
	s22 =	simm.s32 $0x40;
	s21 =	simm.s32 $0x191E0;
	v17 =	vld [tilespmem:s26+$0xFFFFFFB0]  }
.LBB2_6:
0xa5: {  	p0 =	sne.s32 s22, $0xC40;
	v18 =	vld [tilespmem:s29+$0x18E40]  }
0xa6: {  	v19 =	vld [tilespmem:s26+$0xFFFFFF90]  }
0xa7: {  	v20 =	vld [tilespmem:s26+$0xFFFFFF80]  }
0xa8: {  	v21 =	vld [tilespmem:s26+$0xFFFFFFA0]  }
0xa9: {  	v22 =	vld [tilespmem:s26+$0xFFFFFFF0]  }
0xaa: {  	v23 =	vperm.xlane v18, v1;
	v24 =	vperm.xlane v18, v2;
	v25 =	vld [tilespmem:s26+$0xFFFFFFD0]  }
0xab: {  	v26 =	vperm.xlane v18, v3;
	v27 =	vperm.xlane v18, v4;
	v28 =	vld [tilespmem:s26+$0xFFFFFFC0]  }
0xac: {  	v20 =	vmul.f32 v23, v20;
	v19 =	vmul.f32 v24, v19;
	v23 =	vld [tilespmem:s26+$0xFFFFFFE0]  }
0xad: {  	v17 =	vmul.f32 v27, v17;
	v21 =	vmul.f32 v26, v21;
	v24 =	vld [tilespmem:s26+$0x30]  }
0xae: {  	v26 =	vperm.xlane v18, v6;
	[tilespmem:s26+$0xFFFFFF80] =	vst v20;
	v20 =	vperm.xlane v18, v5;
	v27 =	vld [tilespmem:s26+$0x10]  }
0xaf: {  	v29 =	vperm.xlane v18, v8;
	[tilespmem:s26+$0xFFFFFF90] =	vst v19;
	v19 =	vperm.xlane v18, v7;
	v30 =	vld [tilespmem:s26+$0x0]  }
0xb0: {  	[tilespmem:s26+$0xFFFFFFA0] =	vst v21;
	v20 =	vmul.f32 v20, v28;
	v21 =	vmul.f32 v26, v25;
	v25 =	vld [tilespmem:s26+$0x20]  }
0xb1: {  	[tilespmem:s26+$0xFFFFFFB0] =	vst v17;
	v17 =	vmul.f32 v19, v23;
	v19 =	vmul.f32 v29, v22;
	v22 =	vld [tilespmem:s26+$0x70]  }
0xb2: {  	v23 =	vperm.xlane v18, v10;
	[tilespmem:s26+$0xFFFFFFC0] =	vst v20;
	v20 =	vperm.xlane v18, v9;
	v26 =	vld [tilespmem:s26+$0x50]  }
0xb3: {  	v28 =	vperm.xlane v18, v12;
	[tilespmem:s26+$0xFFFFFFD0] =	vst v21;
	v21 =	vperm.xlane v18, v11;
	v29 =	vld [tilespmem:s26+$0x40]  }
0xb4: {  	[tilespmem:s26+$0xFFFFFFE0] =	vst v17;
	v17 =	vmul.f32 v20, v30;
	v20 =	vmul.f32 v23, v27;
	v23 =	vld [tilespmem:s26+$0x60]  }
0xb5: {  	[tilespmem:s26+$0xFFFFFFF0] =	vst v19;
	v19 =	vmul.f32 v21, v25;
	v21 =	vmul.f32 v28, v24  }
0xb6: {  	v24 =	vperm.xlane v18, v14;
	[tilespmem:s26+$0x0] =	vst v17;
	v17 =	vperm.xlane v18, v13  }
0xb7: {  	[tilespmem:s26+$0x10] =	vst v20;
	v20 =	vperm.xlane v18, v15;
	v18 =	vperm.xlane v18, v16  }
0xb8: {  	[tilespmem:s26+$0x20] =	vst v19;
	v17 =	vmul.f32 v17, v29;
	v19 =	vmul.f32 v24, v26  }
.Ltmp4:
0xb9: {  	[tilespmem:s26+$0x30] =	vst v21;
	v20 =	vmul.f32 v20, v23;
	v18 =	vmul.f32 v18, v22;
	(pc) =	sbr.rel @p0 .LBB2_6-.Ltmp4, $4  }
0xba: {  	[tilespmem:s26+$0x40] =	vst v17  }
0xbb: {  	[tilespmem:s26+$0x50] =	vst v19  }
0xbc: {  	s26 =	sadd.s32 $0x100, s26;
	[tilespmem:s21+$0x60] =	vst v20  }
0xbd: {  	s29 =	sshra.s32 s22, $0x2;
	s22 =	sadd.s32 $0x40, s22;
	v17 =	vld [tilespmem:s26+$0xFFFFFFB0];
	[tilespmem:s21+$0x70] =	vst v18;
	s21 =	smov.u32 s26  }
0xbe: {  	v18 =	vld [tilespmem:s29+$0x18E40];
	_ =	sdelay $0x1  }
0xbf: {  	v19 =	vld [tilespmem:s26+$0xFFFFFF80]  }
0xc0: {  	v20 =	vld [tilespmem:s26+$0xFFFFFF90]  }
0xc1: {  	v21 =	vld [tilespmem:s26+$0xFFFFFFA0]  }
0xc2: {  	v22 =	vperm.xlane v18, v1  }
0xc3: {  	v25 =	vld [tilespmem:s26+$0xFFFFFFD0];
	v23 =	vperm.xlane v18, v2  }
0xc4: {  	v24 =	vld [tilespmem:s26+$0xFFFFFFC0];
	v26 =	vperm.xlane v18, v3;
	v19 =	vmul.f32 v22, v19  }
0xc5: {  	v48 =	vld [tilespmem:s26+$0xFFFFFFE0];
	v47 =	vperm.xlane v18, v4;
	v20 =	vmul.f32 v23, v20  }
0xc6: {  	v51 =	vld [tilespmem:s26+$0x10];
	v49 =	vperm.xlane v18, v6;
	v21 =	vmul.f32 v26, v21;
	[tilespmem:s26+$0xFFFFFF80] =	vst v19  }
0xc7: {  	v27 =	vld [tilespmem:s26+$0xFFFFFFF0];
	v17 =	vmul.f32 v47, v17;
	v19 =	vperm.xlane v18, v5;
	[tilespmem:s26+$0xFFFFFF90] =	vst v20  }
0xc8: {  	v50 =	vld [tilespmem:s26+$0x0];
	v28 =	vperm.xlane v18, v7;
	v22 =	vmul.f32 v49, v25;
	[tilespmem:s26+$0xFFFFFFA0] =	vst v21  }
0xc9: {  	v56 =	vld [tilespmem:s26+$0x50];
	v54 =	vperm.xlane v18, v10;
	[tilespmem:s26+$0xFFFFFFB0] =	vst v17;
	v19 =	vmul.f32 v19, v24  }
0xca: {  	v53 =	vld [tilespmem:s26+$0x20];
	v52 =	vperm.xlane v18, v8;
	v23 =	vmul.f32 v28, v48;
	[tilespmem:s26+$0xFFFFFFD0] =	vst v22  }
0xcb: {  	v59 =	vmul.f32 v54, v51;
	v17 =	vld [tilespmem:s26+$0x30];
	[tilespmem:s26+$0xFFFFFFC0] =	vst v19;
	v19 =	vperm.xlane v18, v9  }
0xcc: {  	v55 =	vld [tilespmem:s26+$0x40];
	v62 =	vperm.xlane v18, v14;
	v21 =	vmul.f32 v52, v27;
	[tilespmem:s26+$0xFFFFFFE0] =	vst v23  }
0xcd: {  	v60 =	vld [tilespmem:s26+$0x60];
	v57 =	vperm.xlane v18, v11;
	[tilespmem:s26+$0x10] =	vst v59;
	v19 =	vmul.f32 v19, v50  }
0xce: {  	v61 =	vld [tilespmem:s26+$0x70];
	v58 =	vperm.xlane v18, v12;
	v20 =	vmul.f32 v62, v56;
	[tilespmem:s26+$0xFFFFFFF0] =	vst v21  }
0xcf: {  	v24 =	vmul.f32 v57, v53;
	[tilespmem:s26+$0x0] =	vst v19;
	v19 =	vperm.xlane v18, v13  }
0xd0: {  	v63 =	vperm.xlane v18, v15;
	[tilespmem:s26+$0x50] =	vst v20;
	v17 =	vmul.f32 v58, v17  }
0xd1: {  	[tilespmem:s26+$0x20] =	vst v24;
	v18 =	vperm.xlane v18, v16;
	v19 =	vmul.f32 v19, v55  }
0xd2: {  	[tilespmem:s26+$0x30] =	vst v17;
	v17 =	vmul.f32 v63, v60  }
0xd3: {  	v18 =	vmul.f32 v18, v61;
	[tilespmem:s26+$0x40] =	vst v19  }
0xd4: {  	[tilespmem:s21+$0x60] =	vst v17  }
0xd5: {  	s4 =	smov.u32 s23;
	s26 =	simm.s32 $0x0;
	[tilespmem:s21+$0x70] =	vst v18  }
0xd6: {  	[spmem:s3] =	stream.indirect.scatter.add.f32 [tilespmem:s28], [sflag:$0x4], $0x10, s1, s0, $0xb8;
	[tilespmem:$0x1FEC0] =	vst v63  }
.LBB2_11:
0xd7: {  	s4 =	sshrl.u32 s4, $0x3  }
0xd8: {  	s22 =	simm.s32 $0x0;
	s21 =	sadd.s32 s6, s4  }
0xd9: {  	[tilespmem:s30], [sflag:$0x1] =	stream.linear.gather [hbm4b:s21+s22], $0x320, $0x38;
	[tilespmem:$0x1FEC0] =	vst v63  }
0xda: {  	_ =	swait.ge [sflag:s18], $0x3200  }
0xdb: {  	[sflag:s18] =	ssyncset.done $0x0  }
0xdc: {  	[sflag:s18] =	ssyncadd.s32 $0xFFFFCE00  }
0xdd: {  	_ =	swait.ge [sflag:s31], $0x320  }
0xde: {  	[sflag:s31] =	ssyncset.done $0x0  }
0xdf: {  	[sflag:s31] =	ssyncadd.s32 $0xFFFFFCE0  }
0xe0: {  	_ =	swait.ge [sflag:s19], $0x3200  }
0xe1: {  	[sflag:s19] =	ssyncset.done $0x0  }
0xe2: {  	[sflag:s19] =	ssyncadd.s32 $0xFFFFCE00  }
0xe3: {  	[tilespmem:s28], [sflag:$0x3] =	stream.indirect.gather [hbm4b:s5+s0], $0x10, s30, s0, $0xb8;
	[tilespmem:$0x1FEC0] =	vst v63  }
0xe4: {  	s21 =	sadd.s32 s7, s4  }
0xe5: {  	[tilespmem:s1], [sflag:$0x2] =	stream.linear.gather [hbm4b:s21+s22], $0x320, $0x38;
	[tilespmem:$0x1FEC0] =	vst v63  }
0xe6: {  	s4 =	sadd.s32 s2, s4  }
0xe7: {  	[tilespmem:s9], [sflag:$0x2] =	stream.linear.gather [hbm4b:s4+s22], $0x320, $0x38;
	[tilespmem:$0x1FEC0] =	vst v63  }
0xe8: {  	_ =	swait.ge [sflag:s20], $0x320  }
0xe9: {  	[sflag:s20] =	ssyncset.done $0x0  }
0xea: {  	[sflag:s20] =	ssyncadd.s32 $0xFFFFFCE0  }
0xeb: {  	_ =	swait.ge [sflag:s20], $0x320  }
0xec: {  	[sflag:s20] =	ssyncset.done $0x0  }
0xed: {  	s21 =	simm.s32 $0x1CD40;
	[sflag:s20] =	ssyncadd.s32 $0xFFFFFCE0  }
0xee: {  	s29 =	simm.s32 $0x40;
	s4 =	simm.s32 $0x0;
	s22 =	simm.s32 $0x1CD40;
	v17 =	vld [tilespmem:s21+$0xFFFFFFB0]  }
.LBB2_12:
0xef: {  	p0 =	sne.s32 s29, $0xC40;
	v18 =	vld [tilespmem:s4+$0x1C9A0]  }
0xf0: {  	v19 =	vld [tilespmem:s21+$0xFFFFFF90]  }
0xf1: {  	v20 =	vld [tilespmem:s21+$0xFFFFFF80]  }
0xf2: {  	v21 =	vld [tilespmem:s21+$0xFFFFFFA0]  }
0xf3: {  	v22 =	vld [tilespmem:s21+$0xFFFFFFF0]  }
0xf4: {  	v23 =	vperm.xlane v18, v1;
	v24 =	vperm.xlane v18, v2;
	v25 =	vld [tilespmem:s21+$0xFFFFFFD0]  }
0xf5: {  	v26 =	vperm.xlane v18, v3;
	v27 =	vperm.xlane v18, v4;
	v28 =	vld [tilespmem:s21+$0xFFFFFFC0]  }
0xf6: {  	v20 =	vmul.f32 v23, v20;
	v19 =	vmul.f32 v24, v19;
	v23 =	vld [tilespmem:s21+$0xFFFFFFE0]  }
0xf7: {  	v17 =	vmul.f32 v27, v17;
	v21 =	vmul.f32 v26, v21;
	v24 =	vld [tilespmem:s21+$0x30]  }
0xf8: {  	v26 =	vperm.xlane v18, v6;
	[tilespmem:s21+$0xFFFFFF80] =	vst v20;
	v20 =	vperm.xlane v18, v5;
	v27 =	vld [tilespmem:s21+$0x10]  }
0xf9: {  	v29 =	vperm.xlane v18, v8;
	[tilespmem:s21+$0xFFFFFF90] =	vst v19;
	v19 =	vperm.xlane v18, v7;
	v30 =	vld [tilespmem:s21+$0x0]  }
0xfa: {  	[tilespmem:s21+$0xFFFFFFA0] =	vst v21;
	v20 =	vmul.f32 v20, v28;
	v21 =	vmul.f32 v26, v25;
	v25 =	vld [tilespmem:s21+$0x20]  }
0xfb: {  	[tilespmem:s21+$0xFFFFFFB0] =	vst v17;
	v17 =	vmul.f32 v19, v23;
	v19 =	vmul.f32 v29, v22;
	v22 =	vld [tilespmem:s21+$0x70]  }
0xfc: {  	v23 =	vperm.xlane v18, v10;
	[tilespmem:s21+$0xFFFFFFC0] =	vst v20;
	v20 =	vperm.xlane v18, v9;
	v26 =	vld [tilespmem:s21+$0x50]  }
0xfd: {  	v28 =	vperm.xlane v18, v12;
	[tilespmem:s21+$0xFFFFFFD0] =	vst v21;
	v21 =	vperm.xlane v18, v11;
	v29 =	vld [tilespmem:s21+$0x40]  }
0xfe: {  	[tilespmem:s21+$0xFFFFFFE0] =	vst v17;
	v17 =	vmul.f32 v20, v30;
	v20 =	vmul.f32 v23, v27;
	v23 =	vld [tilespmem:s21+$0x60]  }
0xff: {  	[tilespmem:s21+$0xFFFFFFF0] =	vst v19;
	v19 =	vmul.f32 v21, v25;
	v21 =	vmul.f32 v28, v24  }
0x100: {  	v24 =	vperm.xlane v18, v14;
	[tilespmem:s21+$0x0] =	vst v17;
	v17 =	vperm.xlane v18, v13  }
0x101: {  	[tilespmem:s21+$0x10] =	vst v20;
	v20 =	vperm.xlane v18, v15;
	v18 =	vperm.xlane v18, v16  }
0x102: {  	[tilespmem:s21+$0x20] =	vst v19;
	v17 =	vmul.f32 v17, v29;
	v19 =	vmul.f32 v24, v26  }
.Ltmp5:
0x103: {  	[tilespmem:s21+$0x30] =	vst v21;
	v20 =	vmul.f32 v20, v23;
	v18 =	vmul.f32 v18, v22;
	(pc) =	sbr.rel @p0 .LBB2_12-.Ltmp5, $4  }
0x104: {  	[tilespmem:s21+$0x40] =	vst v17  }
0x105: {  	[tilespmem:s21+$0x50] =	vst v19  }
0x106: {  	s21 =	sadd.s32 $0x100, s21;
	[tilespmem:s22+$0x60] =	vst v20  }
0x107: {  	s4 =	sshra.s32 s29, $0x2;
	s29 =	sadd.s32 $0x40, s29;
	v17 =	vld [tilespmem:s21+$0xFFFFFFB0];
	[tilespmem:s22+$0x70] =	vst v18;
	s22 =	smov.u32 s21  }
0x108: {  	v18 =	vld [tilespmem:s4+$0x1C9A0];
	_ =	sdelay $0x1  }
0x109: {  	v19 =	vld [tilespmem:s21+$0xFFFFFF80]  }
0x10a: {  	v20 =	vld [tilespmem:s21+$0xFFFFFF90]  }
0x10b: {  	v21 =	vld [tilespmem:s21+$0xFFFFFFA0]  }
0x10c: {  	v22 =	vperm.xlane v18, v1  }
0x10d: {  	v25 =	vld [tilespmem:s21+$0xFFFFFFD0];
	v23 =	vperm.xlane v18, v2  }
0x10e: {  	v24 =	vld [tilespmem:s21+$0xFFFFFFC0];
	v26 =	vperm.xlane v18, v3;
	v19 =	vmul.f32 v22, v19  }
0x10f: {  	v48 =	vld [tilespmem:s21+$0xFFFFFFE0];
	v47 =	vperm.xlane v18, v4;
	v20 =	vmul.f32 v23, v20  }
0x110: {  	v51 =	vld [tilespmem:s21+$0x10];
	v49 =	vperm.xlane v18, v6;
	v21 =	vmul.f32 v26, v21;
	[tilespmem:s21+$0xFFFFFF80] =	vst v19  }
0x111: {  	v27 =	vld [tilespmem:s21+$0xFFFFFFF0];
	v17 =	vmul.f32 v47, v17;
	v19 =	vperm.xlane v18, v5;
	[tilespmem:s21+$0xFFFFFF90] =	vst v20  }
0x112: {  	v50 =	vld [tilespmem:s21+$0x0];
	v28 =	vperm.xlane v18, v7;
	v22 =	vmul.f32 v49, v25;
	[tilespmem:s21+$0xFFFFFFA0] =	vst v21  }
0x113: {  	v56 =	vld [tilespmem:s21+$0x50];
	v54 =	vperm.xlane v18, v10;
	[tilespmem:s21+$0xFFFFFFB0] =	vst v17;
	v19 =	vmul.f32 v19, v24  }
0x114: {  	v53 =	vld [tilespmem:s21+$0x20];
	v52 =	vperm.xlane v18, v8;
	v23 =	vmul.f32 v28, v48;
	[tilespmem:s21+$0xFFFFFFD0] =	vst v22  }
0x115: {  	v59 =	vmul.f32 v54, v51;
	v17 =	vld [tilespmem:s21+$0x30];
	[tilespmem:s21+$0xFFFFFFC0] =	vst v19;
	v19 =	vperm.xlane v18, v9  }
0x116: {  	v55 =	vld [tilespmem:s21+$0x40];
	v62 =	vperm.xlane v18, v14;
	v21 =	vmul.f32 v52, v27;
	[tilespmem:s21+$0xFFFFFFE0] =	vst v23  }
0x117: {  	v60 =	vld [tilespmem:s21+$0x60];
	v57 =	vperm.xlane v18, v11;
	[tilespmem:s21+$0x10] =	vst v59;
	v19 =	vmul.f32 v19, v50  }
0x118: {  	v61 =	vld [tilespmem:s21+$0x70];
	v58 =	vperm.xlane v18, v12;
	v20 =	vmul.f32 v62, v56;
	[tilespmem:s21+$0xFFFFFFF0] =	vst v21  }
0x119: {  	v24 =	vmul.f32 v57, v53;
	[tilespmem:s21+$0x0] =	vst v19;
	v19 =	vperm.xlane v18, v13  }
0x11a: {  	v63 =	vperm.xlane v18, v15;
	[tilespmem:s21+$0x50] =	vst v20;
	v17 =	vmul.f32 v58, v17  }
0x11b: {  	p0 =	seq.s32 s8, $0x3D;
	[tilespmem:s21+$0x20] =	vst v24;
	v18 =	vperm.xlane v18, v16;
	v19 =	vmul.f32 v19, v55  }
.Ltmp6:
0x11c: {  	[tilespmem:s21+$0x30] =	vst v17;
	v17 =	vmul.f32 v63, v60;
	(pc) =	sbr.rel @p0 .LBB2_15-.Ltmp6, $4  }
0x11d: {  	v18 =	vmul.f32 v18, v61;
	[tilespmem:s21+$0x40] =	vst v19  }
0x11e: {  	[tilespmem:s22+$0x60] =	vst v17  }
0x11f: {  	[tilespmem:s22+$0x70] =	vst v18  }
0x120: {  	[spmem:s3] =	stream.indirect.scatter.add.f32 [tilespmem:s13], [sflag:$0x8], $0x10, s14, s0, $0xb8;
	[tilespmem:$0x1FEC0] =	vst v63  }
.Ltmp7:
0x121: {  	(pc) =	sbr.rel .LBB2_4-.Ltmp7, $4  }
0x122: {  	s4 =	sadd.s32 s26, s24  }
0x123: {  	s4 =	sshrl.u32 s4, $0x3  }
0x124: {  	s21 =	simm.s32 $0x0;
	s8 =	sadd.s32 $0x1, s8;
	s4 =	sadd.s32 s6, s4  }
0x125: {  	[tilespmem:s10], [sflag:$0x5] =	stream.linear.gather [hbm4b:s4+s21], $0x320, $0x38;
	[tilespmem:$0x1FEC0] =	vst v63  }
.LBB2_15:
0x126: {  	_ =	swait.ge [sflag:s11], $0x3200  }
0x127: {  	[sflag:s11] =	ssyncset.done $0x0  }
0x128: {  	[sflag:s11] =	ssyncadd.s32 $0xFFFFCE00  }
0x129: {  	_ =	swait.ge [sflag:s25], $0x3200  }
0x12a: {  	[sflag:s25] =	ssyncset.done $0x0  }
0x12b: {  	[sflag:s25] =	ssyncadd.s32 $0xFFFFCE00  }
0x12c: {  	_ =	swait.ge [sflag:s17], $0x320  }
0x12d: {  	[sflag:s17] =	ssyncset.done $0x0  }
0x12e: {  	[sflag:s17] =	ssyncadd.s32 $0xFFFFFCE0  }
0x12f: {  	_ =	swait.ge [sflag:s17], $0x320  }
0x130: {  	[sflag:s17] =	ssyncset.done $0x0  }
0x131: {  	s8 =	simm.s32 $0x191E0;
	[sflag:s17] =	ssyncadd.s32 $0xFFFFFCE0  }
0x132: {  	s4 =	simm.s32 $0x0;
	s22 =	simm.s32 $0x40;
	s21 =	simm.s32 $0x191E0;
	v17 =	vld [tilespmem:s8+$0xFFFFFFB0]  }
.LBB2_16:
0x133: {  	p0 =	sne.s32 s22, $0xC40;
	v18 =	vld [tilespmem:s4+$0x18E40]  }
0x134: {  	v19 =	vld [tilespmem:s8+$0xFFFFFF90]  }
0x135: {  	v20 =	vld [tilespmem:s8+$0xFFFFFF80]  }
0x136: {  	v21 =	vld [tilespmem:s8+$0xFFFFFFA0]  }
0x137: {  	v22 =	vld [tilespmem:s8+$0xFFFFFFF0]  }
0x138: {  	v23 =	vperm.xlane v18, v1;
	v24 =	vperm.xlane v18, v2;
	v25 =	vld [tilespmem:s8+$0xFFFFFFD0]  }
0x139: {  	v26 =	vperm.xlane v18, v3;
	v27 =	vperm.xlane v18, v4;
	v28 =	vld [tilespmem:s8+$0xFFFFFFC0]  }
0x13a: {  	v20 =	vmul.f32 v23, v20;
	v19 =	vmul.f32 v24, v19;
	v23 =	vld [tilespmem:s8+$0xFFFFFFE0]  }
0x13b: {  	v17 =	vmul.f32 v27, v17;
	v21 =	vmul.f32 v26, v21;
	v24 =	vld [tilespmem:s8+$0x30]  }
0x13c: {  	v26 =	vperm.xlane v18, v6;
	[tilespmem:s8+$0xFFFFFF80] =	vst v20;
	v20 =	vperm.xlane v18, v5;
	v27 =	vld [tilespmem:s8+$0x10]  }
0x13d: {  	v29 =	vperm.xlane v18, v8;
	[tilespmem:s8+$0xFFFFFF90] =	vst v19;
	v19 =	vperm.xlane v18, v7;
	v30 =	vld [tilespmem:s8+$0x0]  }
0x13e: {  	[tilespmem:s8+$0xFFFFFFA0] =	vst v21;
	v20 =	vmul.f32 v20, v28;
	v21 =	vmul.f32 v26, v25;
	v25 =	vld [tilespmem:s8+$0x20]  }
0x13f: {  	[tilespmem:s8+$0xFFFFFFB0] =	vst v17;
	v17 =	vmul.f32 v19, v23;
	v19 =	vmul.f32 v29, v22;
	v22 =	vld [tilespmem:s8+$0x70]  }
0x140: {  	v23 =	vperm.xlane v18, v10;
	[tilespmem:s8+$0xFFFFFFC0] =	vst v20;
	v20 =	vperm.xlane v18, v9;
	v26 =	vld [tilespmem:s8+$0x50]  }
0x141: {  	v28 =	vperm.xlane v18, v12;
	[tilespmem:s8+$0xFFFFFFD0] =	vst v21;
	v21 =	vperm.xlane v18, v11;
	v29 =	vld [tilespmem:s8+$0x40]  }
0x142: {  	[tilespmem:s8+$0xFFFFFFE0] =	vst v17;
	v17 =	vmul.f32 v20, v30;
	v20 =	vmul.f32 v23, v27;
	v23 =	vld [tilespmem:s8+$0x60]  }
0x143: {  	[tilespmem:s8+$0xFFFFFFF0] =	vst v19;
	v19 =	vmul.f32 v21, v25;
	v21 =	vmul.f32 v28, v24  }
0x144: {  	v24 =	vperm.xlane v18, v14;
	[tilespmem:s8+$0x0] =	vst v17;
	v17 =	vperm.xlane v18, v13  }
0x145: {  	[tilespmem:s8+$0x10] =	vst v20;
	v20 =	vperm.xlane v18, v15;
	v18 =	vperm.xlane v18, v16  }
0x146: {  	[tilespmem:s8+$0x20] =	vst v19;
	v17 =	vmul.f32 v17, v29;
	v19 =	vmul.f32 v24, v26  }
.Ltmp8:
0x147: {  	[tilespmem:s8+$0x30] =	vst v21;
	v20 =	vmul.f32 v20, v23;
	v18 =	vmul.f32 v18, v22;
	(pc) =	sbr.rel @p0 .LBB2_16-.Ltmp8, $4  }
0x148: {  	[tilespmem:s8+$0x40] =	vst v17  }
0x149: {  	[tilespmem:s8+$0x50] =	vst v19  }
0x14a: {  	s8 =	sadd.s32 $0x100, s8;
	[tilespmem:s21+$0x60] =	vst v20  }
0x14b: {  	s4 =	sshra.s32 s22, $0x2;
	s22 =	sadd.s32 $0x40, s22;
	v17 =	vld [tilespmem:s8+$0xFFFFFFB0];
	[tilespmem:s21+$0x70] =	vst v18;
	s21 =	smov.u32 s8  }
0x14c: {  	v18 =	vld [tilespmem:s4+$0x18E40];
	_ =	sdelay $0x1  }
0x14d: {  	v19 =	vld [tilespmem:s8+$0xFFFFFF80]  }
0x14e: {  	v20 =	vld [tilespmem:s8+$0xFFFFFF90]  }
0x14f: {  	v21 =	vld [tilespmem:s8+$0xFFFFFFA0]  }
0x150: {  	v22 =	vperm.xlane v18, v1  }
0x151: {  	v25 =	vld [tilespmem:s8+$0xFFFFFFD0];
	v23 =	vperm.xlane v18, v2  }
0x152: {  	v24 =	vld [tilespmem:s8+$0xFFFFFFC0];
	v26 =	vperm.xlane v18, v3;
	v19 =	vmul.f32 v22, v19  }
0x153: {  	v48 =	vld [tilespmem:s8+$0xFFFFFFE0];
	v47 =	vperm.xlane v18, v4;
	v20 =	vmul.f32 v23, v20  }
0x154: {  	v51 =	vld [tilespmem:s8+$0x10];
	v49 =	vperm.xlane v18, v6;
	v21 =	vmul.f32 v26, v21;
	[tilespmem:s8+$0xFFFFFF80] =	vst v19  }
0x155: {  	v27 =	vld [tilespmem:s8+$0xFFFFFFF0];
	v17 =	vmul.f32 v47, v17;
	v19 =	vperm.xlane v18, v5;
	[tilespmem:s8+$0xFFFFFF90] =	vst v20  }
0x156: {  	v50 =	vld [tilespmem:s8+$0x0];
	v28 =	vperm.xlane v18, v7;
	v22 =	vmul.f32 v49, v25;
	[tilespmem:s8+$0xFFFFFFA0] =	vst v21  }
0x157: {  	v56 =	vld [tilespmem:s8+$0x50];
	v54 =	vperm.xlane v18, v10;
	[tilespmem:s8+$0xFFFFFFB0] =	vst v17;
	v19 =	vmul.f32 v19, v24  }
0x158: {  	v53 =	vld [tilespmem:s8+$0x20];
	v52 =	vperm.xlane v18, v8;
	v23 =	vmul.f32 v28, v48;
	[tilespmem:s8+$0xFFFFFFD0] =	vst v22  }
0x159: {  	v59 =	vmul.f32 v54, v51;
	v17 =	vld [tilespmem:s8+$0x30];
	[tilespmem:s8+$0xFFFFFFC0] =	vst v19;
	v19 =	vperm.xlane v18, v9  }
0x15a: {  	v55 =	vld [tilespmem:s8+$0x40];
	v62 =	vperm.xlane v18, v14;
	v21 =	vmul.f32 v52, v27;
	[tilespmem:s8+$0xFFFFFFE0] =	vst v23  }
0x15b: {  	v60 =	vld [tilespmem:s8+$0x60];
	v57 =	vperm.xlane v18, v11;
	[tilespmem:s8+$0x10] =	vst v59;
	v19 =	vmul.f32 v19, v50  }
0x15c: {  	v61 =	vld [tilespmem:s8+$0x70];
	v58 =	vperm.xlane v18, v12;
	v20 =	vmul.f32 v62, v56;
	[tilespmem:s8+$0xFFFFFFF0] =	vst v21  }
0x15d: {  	v24 =	vmul.f32 v57, v53;
	[tilespmem:s8+$0x0] =	vst v19;
	v19 =	vperm.xlane v18, v13  }
0x15e: {  	v63 =	vperm.xlane v18, v15;
	[tilespmem:s8+$0x50] =	vst v20;
	v17 =	vmul.f32 v58, v17  }
0x15f: {  	[tilespmem:s8+$0x20] =	vst v24;
	v18 =	vperm.xlane v18, v16;
	v19 =	vmul.f32 v19, v55  }
0x160: {  	[tilespmem:s8+$0x30] =	vst v17;
	v17 =	vmul.f32 v63, v60  }
0x161: {  	v18 =	vmul.f32 v18, v61;
	[tilespmem:s8+$0x40] =	vst v19  }
0x162: {  	[tilespmem:s21+$0x60] =	vst v17  }
0x163: {  	[tilespmem:s21+$0x70] =	vst v18  }
0x164: {  	[spmem:s3] =	stream.indirect.scatter.add.f32 [tilespmem:s28], [sflag:$0x4], $0x10, s1, s0, $0xb8;
	[tilespmem:$0x1FEC0] =	vst v63  }
0x165: {  	_ =	swait.ge [sflag:s19], $0x3200  }
0x166: {  	[sflag:s19] =	ssyncset.done $0x0  }
0x167: {  	[sflag:s19] =	ssyncadd.s32 $0xFFFFCE00  }
0x168: {  	s26 =	stileid.u32;
	[bflag:$0x0] =	sbarrier.arrive $0xFFFF  }
0x169: {  	s4 =	sshll.u32 s26, $0x6;
	s21 =	rddreg [dreg:$0x4]  }
0x16a: {  	s4 =	sor.u32 $0x1C09, s4;
	s22 =	rddreg [dreg:$0x12];
	s29 =	sshrl.u32 s21, $0x3  }
0x16b: {  	[hbm:s22], [sflag:s4] =	dma.local [spmem:s29], $0x3100  }
0x16c: {  	s22 =	simm.s32 $0x9  }
0x16d: {  	_ =	swait.ge [sflag:s22], $0x3100  }
0x16e: {  	s26 =	rddreg [dreg:$0x14]  }
0x16f: {  	s29 =	rddreg [dreg:$0x13];
	s8 =	sadd.s32 $0x1, s26  }
0x170: {  	p0 =	sne.s32 s8, s29  }
.Ltmp9:
0x171: {  	_ = 	snop;
	(pc) =	sbr.rel @p0 .LBB2_1-.Ltmp9, $3  }
0x172: {  	_ =	sdelay $0x1  }
0x173: {  	[sflag:s22] =	ssyncset.done $0x0  }
0x174: {  	[sflag:s22] =	ssyncadd.s32 $0xFFFFCF00  }
0x175: {  	_ =	sfence.sel $0x180000  }
0x176: {  	[bflag:$0x0] =	sbarrier.arrive $0xFFFF  }
0x177: {  	_ =	strace $0x90000047  }
0x178: {  	s0 =	stileid.u32;
	[bflag:$0x2] =	sbarrier.arrive $0xFFFF  }
0x179: {  	p0 =	sne.s32 s0, $0x0;
	s0 =	rddreg [dreg:$0x3]  }
0x17a: {  	s0 =	sadd.s32 @!p0 $0x100000, s0  }
0x17b: {  	[sflag:s0] =	ssyncadd.tile.s32 @!p0 $0x1;
	_ =	shalt  }
.Lfunc_end2:
_tile_overlayer_lowered:
.L_overlay_start_2:
0x17c: {  	(tag) =	ssettag $0x2  }
0x17d: {  	s0 =	rddreg [dreg:$0x0];
	s2 =	stileid.u32  }
0x17e: {  	s1 =	rddreg [dreg:$0x1];
	p0 =	sne.s32 s2, $0x0  }
0x17f: {  	s3 =	rddreg [dreg:$0x2];
	[bflag:$0x3] =	sbarrier.arrive $0xFFFF;
	s2 =	simm.s32 @!p0 $0x1C09  }
0x180: {  	[timem:s3], [sflag:s2] =	dma.local @!p0 [hbm:s0], s1  }
0x181: {  	s0 =	simm.s32 @!p0 $0x9  }
0x182: {  	_ =	swait.ge @!p0 [sflag:s0], s1  }
0x183: {  	s1 =	ssub.s32 @!p0 $0x0, s1;
	[sflag:s0] =	ssyncset.done @!p0 $0x0  }
0x184: {  	[sflag:s0] =	ssyncadd.s32 @!p0 s1  }
0x185: {  	[bflag:$0x3] =	sbarrier.arrive $0xFFFF  }
0x186: {  	_ =	shalt  }

</sc_bundles>
